<compile_context>
chip_gen: v7x
topology: tpu7x:2x2x1
jax: 0.10.2.dev20260603
libtpu: 0.0.44.dev20260713+nightly
codegen_flags: <defaults>
</compile_context>

<pallas_src>
import dataclasses
import functools

import jax
import jax.numpy as jnp
from jax import lax
from jax.experimental import pallas as pl
from jax.experimental.pallas import tpu as pltpu
from jax.experimental.pallas import tpu_sc as plsc

H = 480
W = 640
RY = 8
GH = H + 2 * RY
PLANE = GH * W
ACC = 2 * PLANE
INT_OFF = RY * W
OUT_B = 2 * H * W
NTILES = 16
BPC = 4
CHUNK = 1792
NVEC = CHUNK // 16
ENTRIES = 4 * CHUNK
EV = 6 * CHUNK
ZS = ACC // NTILES
ZTAIL = ZS - (ZS // ENTRIES) * ENTRIES
WS = OUT_B // NTILES


def _splat(pk, batches, nch):
    chunks_per_tile = nch // NTILES
    mesh = plsc.VectorSubcoreMesh(core_axis_name="c", subcore_axis_name="s")
    cp = pltpu.CompilerParams()
    if "needs_layout_passes" in pltpu.CompilerParams.__dataclass_fields__:
        cp = dataclasses.replace(cp, needs_layout_passes=False)

    @functools.partial(
        pl.kernel,
        compiler_params=cp,
        out_type=jax.ShapeDtypeStruct((batches * OUT_B,), jnp.float32),
        mesh=mesh,
        scratch_types=[
            pltpu.VMEM((EV,), jnp.float32),
            pltpu.VMEM((EV,), jnp.float32),
            pltpu.VMEM((ENTRIES,), jnp.int32),
            pltpu.VMEM((ENTRIES,), jnp.int32),
            pltpu.VMEM((ENTRIES,), jnp.float32),
            pltpu.VMEM((ENTRIES,), jnp.float32),
            pltpu.VMEM_SHARED((ACC,), jnp.float32),
            pltpu.SemaphoreType.DMA,
            pltpu.SemaphoreType.DMA,
            pltpu.SemaphoreType.DMA,
            pltpu.SemaphoreType.DMA,
        ],
    )
    def k(pk_hbm, out_hbm, ev0, ev1, idx0, idx1, val0, val1, acc_sh,
          sin0, sin1, ssc0, ssc1):
        c = lax.axis_index("c")
        s = lax.axis_index("s")
        evs = (ev0, ev1)
        idxs = (idx0, idx1)
        vals = (val0, val1)
        sins = (sin0, sin1)
        sscs = (ssc0, ssc1)
        n_pad = nch * CHUNK

        def compute_chunk(ev_v, idx_v, val_v):
            @pl.loop(0, NVEC)
            def _(vi):
                o16 = vi * 16
                ts = ev_v[pl.ds(o16, 16)]
                ly = ev_v[pl.ds(CHUNK + o16, 16)]
                lx = ev_v[pl.ds(2 * CHUNK + o16, 16)]
                fy = ev_v[pl.ds(3 * CHUNK + o16, 16)]
                fx = ev_v[pl.ds(4 * CHUNK + o16, 16)]
                po = ev_v[pl.ds(5 * CHUNK + o16, 16)]
                t = 1.0 - ts
                wy = ly + t * fy
                wx = lx + t * fx
                yi = (wy + 512.0).astype(jnp.int32)
                dy = wy - (yi.astype(jnp.float32) - 512.0)
                xi = (wx + 512.0).astype(jnp.int32)
                dx = wx - (xi.astype(jnp.float32) - 512.0)
                yg = jnp.minimum(jnp.maximum(yi - (512 - RY), 0), GH - 2)
                x0 = xi - 512
                m0 = (x0 >= 0) & (x0 <= W - 1)
                m1 = (x0 >= -1) & (x0 <= W - 2)
                cx0 = jnp.minimum(jnp.maximum(x0, 0), W - 1)
                cx1 = jnp.minimum(jnp.maximum(x0 + 1, 0), W - 1)
                pz = po.astype(jnp.int32)
                rb = (1 - pz) * PLANE + yg * W
                uy = 1.0 - dy
                ux = 1.0 - dx
                zv = jnp.zeros((16,), jnp.float32)
                o = vi * 64
                idx_v[pl.ds(o, 16)] = rb + cx0
                val_v[pl.ds(o, 16)] = jnp.where(m0, uy * ux, zv)
                idx_v[pl.ds(o + 16, 16)] = rb + cx1
                val_v[pl.ds(o + 16, 16)] = jnp.where(m1, uy * dx, zv)
                idx_v[pl.ds(o + 32, 16)] = rb + W + cx0
                val_v[pl.ds(o + 32, 16)] = jnp.where(m0, dy * ux, zv)
                idx_v[pl.ds(o + 48, 16)] = rb + W + cx1
                val_v[pl.ds(o + 48, 16)] = jnp.where(m1, dy * dx, zv)

        @pl.loop(0, BPC)
        def _(bi):
            b = c * BPC + bi

            @pl.loop(0, ENTRIES // 16)
            def _(i):
                val0[pl.ds(i * 16, 16)] = jnp.zeros((16,), jnp.float32)

            @pl.loop(0, ZS // ENTRIES)
            def _(zi):
                pltpu.sync_copy(
                    val0, acc_sh.at[pl.ds(s * ZS + zi * ENTRIES, ENTRIES)])
            pltpu.sync_copy(
                val0.at[pl.ds(0, ZTAIL)],
                acc_sh.at[pl.ds(s * ZS + (ZS // ENTRIES) * ENTRIES, ZTAIL)])
            plsc.subcore_barrier()

            def start_in(kk):
                off = (s + kk * NTILES) * CHUNK
                row0 = b * 6 * n_pad + off
                pb = kk % 2
                return [
                    pltpu.async_copy(
                        pk_hbm.at[pl.ds(row0 + r * n_pad, CHUNK)],
                        evs[pb].at[pl.ds(r * CHUNK, CHUNK)], sins[pb])
                    for r in range(6)
                ]

            hin = {0: start_in(0)}
            hsc = [None, None]
            for kk in range(chunks_per_tile):
                pb = kk % 2
                if kk + 1 < chunks_per_tile:
                    hin[kk + 1] = start_in(kk + 1)
                for h in hin.pop(kk):
                    h.wait()
                if hsc[pb] is not None:
                    hsc[pb].wait()
                compute_chunk(evs[pb], idxs[pb], vals[pb])
                hsc[pb] = pltpu.async_copy(
                    vals[pb], acc_sh.at[idxs[pb]], sscs[pb], add=True)
            for h in hsc:
                if h is not None:
                    h.wait()

            plsc.subcore_barrier()
            acc_off = (s // 8) * PLANE + INT_OFF + (s % 8) * WS
            pltpu.sync_copy(
                acc_sh.at[pl.ds(acc_off, WS)],
                out_hbm.at[pl.ds(b * OUT_B + s * WS, WS)])
            plsc.subcore_barrier()

    return k(pk)


def kernel(event_ts, event_loc, event_flow, pol_mask):
    B, N, _ = event_ts.shape
    step = CHUNK * NTILES
    n_pad = ((N + step - 1) // step) * step
    nch = n_pad // CHUNK
    def row(r, fill=0.0):
        if n_pad == N:
            return r
        return jnp.pad(r, ((0, 0), (0, n_pad - N)), constant_values=fill)

    pk = jnp.stack([row(event_ts[..., 0]), row(event_loc[..., 0]),
                    row(event_loc[..., 1], -1e6), row(event_flow[..., 0]),
                    row(event_flow[..., 1]), row(pol_mask[..., 0])], axis=1)
    out = _splat(pk.reshape(-1), B, nch)
    return out.reshape(B, 2, H, W)

# --- scband reference (transcript-rebuilt; emitter-appended) ---
"""Pipeline reference for scband-iterative-9174050144279 (READ-ONLY COPY).

The authoritative reference and input builder live on the scoring server;
editing this copy changes nothing except your own understanding.
"""

import jax, jax.numpy as jnp
import numpy as np

RES = (480, 640)
TREF = 1.0


def get_interpolation(pts):
    # pts: [B, N, 2] warped event coords (y, x)
    top_y = jnp.floor(pts[..., 0:1])
    bot_y = top_y + 1.0
    left_x = jnp.floor(pts[..., 1:2])
    right_x = left_x + 1.0
    top_left = jnp.concatenate([top_y, left_x], axis=2)
    top_right = jnp.concatenate([top_y, right_x], axis=2)
    bot_left = jnp.concatenate([bot_y, left_x], axis=2)
    bot_right = jnp.concatenate([bot_y, right_x], axis=2)
    idx = jnp.concatenate([top_left, top_right, bot_left, bot_right], axis=1)  # [B, 4N, 2]
    pts4 = jnp.concatenate([pts, pts, pts, pts], axis=1)
    weights = jnp.clip(1.0 - jnp.abs(pts4 - idx), 0.0, 1.0)
    weights = jnp.prod(weights, axis=-1, keepdims=True)  # [B, 4N, 1]
    return idx, weights


def interpolate(idx, weights, res, polarity_mask=None):
    # idx: [B, M, 2] float corner coords; weights: [B, M, 1]
    H, W = res
    if polarity_mask is not None:
        weights = weights * polarity_mask
    y = idx[..., 0]
    x = idx[..., 1]
    inb = ((y >= 0) & (y <= H - 1) & (x >= 0) & (x <= W - 1)).astype(weights.dtype)[..., None]
    weights = weights * inb
    yi = jnp.clip(y, 0, H - 1).astype(jnp.int32)
    xi = jnp.clip(x, 0, W - 1).astype(jnp.int32)
    flat = yi * W + xi  # [B, M]

    def scat(f, w):
        return jnp.zeros(H * W, dtype=w.dtype).at[f].add(w[:, 0])

    iwe = jax.vmap(scat)(flat, weights)  # [B, H*W]
    return iwe.reshape(-1, 1, H, W)


def setup_inputs(seed: int = 0) -> dict:
    key = jax.random.key(seed)
    k1, k2, k3, k4 = jax.random.split(key, 4)
    B, N = 8, 200000
    H, W = RES
    event_ts = jax.random.uniform(k1, (B, N, 1), dtype=jnp.float32)
    loc01 = jax.random.uniform(k2, (B, N, 2), dtype=jnp.float32)
    event_loc = loc01 * jnp.array([H - 1, W - 1], dtype=jnp.float32)
    event_flow = jax.random.normal(k3, (B, N, 2), dtype=jnp.float32) * 5.0
    pos = (jax.random.uniform(k4, (B, N, 1), dtype=jnp.float32) > 0.5).astype(jnp.float32)
    pol_mask = jnp.concatenate([pos, 1.0 - pos], axis=2)
    return {"event_ts": event_ts, "event_loc": event_loc, "event_flow": event_flow, "pol_mask": pol_mask}


def reference(event_ts, event_loc, event_flow, pol_mask):
    # Faithful window_iwe_base path: forward-propagate events to tref, bilinear
    # splat (scatter-add) per polarity into image of warped events.
    fw_events = event_loc + (TREF - event_ts) * event_flow  # event_propagation
    idx, weights = get_interpolation(fw_events)
    pm4 = jnp.concatenate([pol_mask, pol_mask, pol_mask, pol_mask], axis=1)
    iwe_pos = interpolate(idx, weights, RES, polarity_mask=pm4[:, :, 0:1])
    iwe_neg = interpolate(idx, weights, RES, polarity_mask=pm4[:, :, 1:2])
    return jnp.concatenate([iwe_pos, iwe_neg], axis=1)

if __name__ == "__main__":
    import jax
    _d = setup_inputs()
    print(jax.jit(kernel)(*tuple(_d.values())))

</pallas_src>

<mosaic_0001>
#map = affine_map<(d0, d1) -> (0)>
module attributes {stable_mosaic.version = 14 : i64} {
  func.func @k(%arg0: i32, %arg1: i32, %arg2: memref<9633792xf32, #tpu.memory_space<hbm>>, %arg3: memref<4915200xf32, #tpu.memory_space<hbm>>, %arg4: memref<10752xf32, #tpu.memory_space<vmem>>, %arg5: memref<10752xf32, #tpu.memory_space<vmem>>, %arg6: memref<7168xi32, #tpu.memory_space<vmem>>, %arg7: memref<7168xi32, #tpu.memory_space<vmem>>, %arg8: memref<7168xf32, #tpu.memory_space<vmem>>, %arg9: memref<7168xf32, #tpu.memory_space<vmem>>, %arg10: memref<634880xf32, #tpu.memory_space<vmem_shared>>, %arg11: memref<!tpu.dma_semaphore, #tpu.memory_space<semaphore_mem>>, %arg12: memref<!tpu.dma_semaphore, #tpu.memory_space<semaphore_mem>>, %arg13: memref<!tpu.dma_semaphore, #tpu.memory_space<semaphore_mem>>, %arg14: memref<!tpu.dma_semaphore, #tpu.memory_space<semaphore_mem>>) attributes {dimension_semantics = [#tpu.dimension_semantics<core_parallel>, #tpu.dimension_semantics<subcore_parallel>], iteration_bounds = array<i64: 2, 16>, scalar_prefetch = 0 : i64, scratch_operands = 11 : i64, tpu.core_type = #tpu.core_type<sc_vector_subcore>, window_params = [{transform_indices = #map}, {transform_indices = #map}]} {
    %scan3A = arith.constant 0 : i32
    %scan3A_0 = arith.constant 4 : i32
    %scan3A_1 = arith.addi %scan3A, %scan3A_0 : i32
    %scan3A_2 = arith.constant 1 : i32
    scf.for %scan3A_4 = %scan3A to %scan3A_1 step %scan3A_2  : i32 {
      %mul3A = arith.constant 1 : i32
      %mul3A_5 = arith.muli %scan3A_4, %mul3A : i32
      %add3A = arith.constant 0 : i32
      %add3A_6 = arith.addi %add3A, %mul3A_5 : i32
      %mul3A_7 = arith.constant 4 : i32
      %mul3A_8 = arith.muli %arg0, %mul3A_7 : i32
      %add3A_9 = arith.addi %mul3A_8, %add3A_6 : i32
      %scan3A_10 = arith.constant 0 : i32
      %scan3A_11 = arith.constant 448 : i32
      %scan3A_12 = arith.addi %scan3A_10, %scan3A_11 : i32
      %scan3A_13 = arith.constant 1 : i32
      scf.for %scan3A_780 = %scan3A_10 to %scan3A_12 step %scan3A_13  : i32 {
        %mul3A_781 = arith.constant 1 : i32
        %mul3A_782 = arith.muli %scan3A_780, %mul3A_781 : i32
        %add3A_783 = arith.constant 0 : i32
        %add3A_784 = arith.addi %add3A_783, %mul3A_782 : i32
        %broadcast_in_dim3A = arith.constant 0.000000e+00 : f32
        %broadcast_in_dim3A_785 = vector.broadcast %broadcast_in_dim3A : f32 to vector<16xf32>
        %mul3A_786 = arith.constant 16 : i32
        %mul3A_787 = arith.muli %add3A_784, %mul3A_786 : i32
        %swap3A = arith.index_cast %mul3A_787 : i32 to index
        %swap3A_788 = tpu.vector_load %arg8[%swap3A] {strides = array<i32>} : memref<7168xf32, #tpu.memory_space<vmem>>, vector<16xf32>,
        tpu.vector_store %arg8[%swap3A], %broadcast_in_dim3A_785 {strides = array<i32>} : memref<7168xf32, #tpu.memory_space<vmem>>, vector<16xf32>,
      }
      %scan3A_14 = arith.constant 448 : i32
      %scan3A_15 = arith.constant 0 : i32
      %scan3A_16 = arith.constant 5 : i32
      %scan3A_17 = arith.addi %scan3A_15, %scan3A_16 : i32
      %scan3A_18 = arith.constant 1 : i32
      scf.for %scan3A_780 = %scan3A_15 to %scan3A_17 step %scan3A_18  : i32 {
        %mul3A_781 = arith.constant 1 : i32
        %mul3A_782 = arith.muli %scan3A_780, %mul3A_781 : i32
        %add3A_783 = arith.constant 0 : i32
        %add3A_784 = arith.addi %add3A_783, %mul3A_782 : i32
        %mul3A_785 = arith.constant 39680 : i32
        %mul3A_786 = arith.muli %arg1, %mul3A_785 : i32
        %mul3A_787 = arith.constant 7168 : i32
        %mul3A_788 = arith.muli %add3A_784, %mul3A_787 : i32
        %add3A_789 = arith.addi %mul3A_786, %mul3A_788 : i32
        "tpu.region"() ({
          %run_scoped3A = tpu.sem_alloc : memref<!tpu.dma_semaphore, #tpu.memory_space<semaphore_mem>>
          %dma_start3A_790 = tpu.memref_slice %arg10[%add3A_789] : memref<634880xf32, #tpu.memory_space<vmem_shared>> -> memref<7168xf32, #tpu.memory_space<vmem_shared>>
          %dma_start3A_791 = tpu.memref_slice %arg10[%add3A_789] : memref<634880xf32, #tpu.memory_space<vmem_shared>> -> memref<7168xf32, #tpu.memory_space<vmem_shared>>
          tpu.enqueue_dma source(%arg8 : memref<7168xf32, #tpu.memory_space<vmem>>) target(%dma_start3A_791 : memref<7168xf32, #tpu.memory_space<vmem_shared>>) target_semaphore(%run_scoped3A : memref<!tpu.dma_semaphore, #tpu.memory_space<semaphore_mem>>)
          %dma_wait3A_792 = tpu.memref_slice %arg10[%add3A_789] : memref<634880xf32, #tpu.memory_space<vmem_shared>> -> memref<7168xf32, #tpu.memory_space<vmem_shared>>
          %dma_wait3A_793 = tpu.memref_slice %arg10[%add3A_789] : memref<634880xf32, #tpu.memory_space<vmem_shared>> -> memref<7168xf32, #tpu.memory_space<vmem_shared>>
          tpu.wait_dma2 semaphore(%run_scoped3A : memref<!tpu.dma_semaphore, #tpu.memory_space<semaphore_mem>>) src(%arg8 : memref<7168xf32, #tpu.memory_space<vmem>>) dst(%dma_wait3A_793 : memref<7168xf32, #tpu.memory_space<vmem_shared>>)
          tpu.yield
        }) : () -> ()
      }
      %scan3A_19 = arith.constant 5 : i32
      %mul3A_20 = arith.constant 39680 : i32
      %mul3A_21 = arith.muli %arg1, %mul3A_20 : i32
      %add3A_22 = arith.constant 35840 : i32
      %add3A_23 = arith.addi %mul3A_21, %add3A_22 : i32
      "tpu.region"() ({
        %run_scoped3A = tpu.sem_alloc : memref<!tpu.dma_semaphore, #tpu.memory_space<semaphore_mem>>
        %dma_start3A_780 = arith.constant 0 : i32
        %dma_start3A_781 = tpu.memref_slice %arg8[%dma_start3A_780] : memref<7168xf32, #tpu.memory_space<vmem>> -> memref<3840xf32, #tpu.memory_space<vmem>>
        %dma_start3A_782 = tpu.memref_slice %arg10[%add3A_23] : memref<634880xf32, #tpu.memory_space<vmem_shared>> -> memref<3840xf32, #tpu.memory_space<vmem_shared>>
        %dma_start3A_783 = tpu.memref_slice %arg10[%add3A_23] : memref<634880xf32, #tpu.memory_space<vmem_shared>> -> memref<3840xf32, #tpu.memory_space<vmem_shared>>
        %dma_start3A_784 = arith.constant 0 : i32
        %dma_start3A_785 = tpu.memref_slice %arg8[%dma_start3A_784] : memref<7168xf32, #tpu.memory_space<vmem>> -> memref<3840xf32, #tpu.memory_space<vmem>>
        tpu.enqueue_dma source(%dma_start3A_785 : memref<3840xf32, #tpu.memory_space<vmem>>) target(%dma_start3A_783 : memref<3840xf32, #tpu.memory_space<vmem_shared>>) target_semaphore(%run_scoped3A : memref<!tpu.dma_semaphore, #tpu.memory_space<semaphore_mem>>)
        %dma_wait3A_786 = arith.constant 0 : i32
        %dma_wait3A_787 = tpu.memref_slice %arg8[%dma_wait3A_786] : memref<7168xf32, #tpu.memory_space<vmem>> -> memref<3840xf32, #tpu.memory_space<vmem>>
        %dma_wait3A_788 = tpu.memref_slice %arg10[%add3A_23] : memref<634880xf32, #tpu.memory_space<vmem_shared>> -> memref<3840xf32, #tpu.memory_space<vmem_shared>>
        %dma_wait3A_789 = tpu.memref_slice %arg10[%add3A_23] : memref<634880xf32, #tpu.memory_space<vmem_shared>> -> memref<3840xf32, #tpu.memory_space<vmem_shared>>
        %dma_wait3A_790 = arith.constant 0 : i32
        %dma_wait3A_791 = tpu.memref_slice %arg8[%dma_wait3A_790] : memref<7168xf32, #tpu.memory_space<vmem>> -> memref<3840xf32, #tpu.memory_space<vmem>>
        tpu.wait_dma2 semaphore(%run_scoped3A : memref<!tpu.dma_semaphore, #tpu.memory_space<semaphore_mem>>) src(%dma_wait3A_791 : memref<3840xf32, #tpu.memory_space<vmem>>) dst(%dma_wait3A_789 : memref<3840xf32, #tpu.memory_space<vmem_shared>>)
        tpu.yield
      }) : () -> ()
      %barrier3A = arith.constant 0 : index
      tpu.barrier barrier_id(%barrier3A)
      %add3A_24 = arith.constant 0 : i32
      %add3A_25 = arith.addi %arg1, %add3A_24 : i32
      %mul3A_26 = arith.constant 1792 : i32
      %mul3A_27 = arith.muli %add3A_25, %mul3A_26 : i32
      %mul3A_28 = arith.constant 6 : i32
      %mul3A_29 = arith.muli %add3A_9, %mul3A_28 : i32
      %mul3A_30 = arith.constant 200704 : i32
      %mul3A_31 = arith.muli %mul3A_29, %mul3A_30 : i32
      %add3A_32 = arith.addi %mul3A_31, %mul3A_27 : i32
      %add3A_33 = arith.constant 0 : i32
      %add3A_34 = arith.addi %add3A_32, %add3A_33 : i32
      %dma_start3A = arith.constant 0 : i32
      %dma_start3A_35 = tpu.memref_slice %arg4[%dma_start3A] : memref<10752xf32, #tpu.memory_space<vmem>> -> memref<1792xf32, #tpu.memory_space<vmem>>
      %dma_start3A_36 = tpu.memref_slice %arg2[%add3A_34] : memref<9633792xf32, #tpu.memory_space<hbm>> -> memref<1792xf32, #tpu.memory_space<hbm>>
      %dma_start3A_37 = arith.constant 0 : i32
      %dma_start3A_38 = tpu.memref_slice %arg4[%dma_start3A_37] : memref<10752xf32, #tpu.memory_space<vmem>> -> memref<1792xf32, #tpu.memory_space<vmem>>
      %dma_start3A_39 = tpu.memref_slice %arg2[%add3A_34] : memref<9633792xf32, #tpu.memory_space<hbm>> -> memref<1792xf32, #tpu.memory_space<hbm>>
      tpu.enqueue_dma source(%dma_start3A_39 : memref<1792xf32, #tpu.memory_space<hbm>>) target(%dma_start3A_38 : memref<1792xf32, #tpu.memory_space<vmem>>) target_semaphore(%arg11 : memref<!tpu.dma_semaphore, #tpu.memory_space<semaphore_mem>>)
      %add3A_40 = arith.constant 200704 : i32
      %add3A_41 = arith.addi %add3A_32, %add3A_40 : i32
      %dma_start3A_42 = arith.constant 1792 : i32
      %dma_start3A_43 = tpu.memref_slice %arg4[%dma_start3A_42] : memref<10752xf32, #tpu.memory_space<vmem>> -> memref<1792xf32, #tpu.memory_space<vmem>>
      %dma_start3A_44 = tpu.memref_slice %arg2[%add3A_41] : memref<9633792xf32, #tpu.memory_space<hbm>> -> memref<1792xf32, #tpu.memory_space<hbm>>
      %dma_start3A_45 = arith.constant 1792 : i32
      %dma_start3A_46 = tpu.memref_slice %arg4[%dma_start3A_45] : memref<10752xf32, #tpu.memory_space<vmem>> -> memref<1792xf32, #tpu.memory_space<vmem>>
      %dma_start3A_47 = tpu.memref_slice %arg2[%add3A_41] : memref<9633792xf32, #tpu.memory_space<hbm>> -> memref<1792xf32, #tpu.memory_space<hbm>>
      tpu.enqueue_dma source(%dma_start3A_47 : memref<1792xf32, #tpu.memory_space<hbm>>) target(%dma_start3A_46 : memref<1792xf32, #tpu.memory_space<vmem>>) target_semaphore(%arg11 : memref<!tpu.dma_semaphore, #tpu.memory_space<semaphore_mem>>)
      %add3A_48 = arith.constant 401408 : i32
      %add3A_49 = arith.addi %add3A_32, %add3A_48 : i32
      %dma_start3A_50 = arith.constant 3584 : i32
      %dma_start3A_51 = tpu.memref_slice %arg4[%dma_start3A_50] : memref<10752xf32, #tpu.memory_space<vmem>> -> memref<1792xf32, #tpu.memory_space<vmem>>
      %dma_start3A_52 = tpu.memref_slice %arg2[%add3A_49] : memref<9633792xf32, #tpu.memory_space<hbm>> -> memref<1792xf32, #tpu.memory_space<hbm>>
      %dma_start3A_53 = arith.constant 3584 : i32
      %dma_start3A_54 = tpu.memref_slice %arg4[%dma_start3A_53] : memref<10752xf32, #tpu.memory_space<vmem>> -> memref<1792xf32, #tpu.memory_space<vmem>>
      %dma_start3A_55 = tpu.memref_slice %arg2[%add3A_49] : memref<9633792xf32, #tpu.memory_space<hbm>> -> memref<1792xf32, #tpu.memory_space<hbm>>
      tpu.enqueue_dma source(%dma_start3A_55 : memref<1792xf32, #tpu.memory_space<hbm>>) target(%dma_start3A_54 : memref<1792xf32, #tpu.memory_space<vmem>>) target_semaphore(%arg11 : memref<!tpu.dma_semaphore, #tpu.memory_space<semaphore_mem>>)
      %add3A_56 = arith.constant 602112 : i32
      %add3A_57 = arith.addi %add3A_32, %add3A_56 : i32
      %dma_start3A_58 = arith.constant 5376 : i32
      %dma_start3A_59 = tpu.memref_slice %arg4[%dma_start3A_58] : memref<10752xf32, #tpu.memory_space<vmem>> -> memref<1792xf32, #tpu.memory_space<vmem>>
      %dma_start3A_60 = tpu.memref_slice %arg2[%add3A_57] : memref<9633792xf32, #tpu.memory_space<hbm>> -> memref<1792xf32, #tpu.memory_space<hbm>>
      %dma_start3A_61 = arith.constant 5376 : i32
      %dma_start3A_62 = tpu.memref_slice %arg4[%dma_start3A_61] : memref<10752xf32, #tpu.memory_space<vmem>> -> memref<1792xf32, #tpu.memory_space<vmem>>
      %dma_start3A_63 = tpu.memref_slice %arg2[%add3A_57] : memref<9633792xf32, #tpu.memory_space<hbm>> -> memref<1792xf32, #tpu.memory_space<hbm>>
      tpu.enqueue_dma source(%dma_start3A_63 : memref<1792xf32, #tpu.memory_space<hbm>>) target(%dma_start3A_62 : memref<1792xf32, #tpu.memory_space<vmem>>) target_semaphore(%arg11 : memref<!tpu.dma_semaphore, #tpu.memory_space<semaphore_mem>>)
      %add3A_64 = arith.constant 802816 : i32
      %add3A_65 = arith.addi %add3A_32, %add3A_64 : i32
      %dma_start3A_66 = arith.constant 7168 : i32
      %dma_start3A_67 = tpu.memref_slice %arg4[%dma_start3A_66] : memref<10752xf32, #tpu.memory_space<vmem>> -> memref<1792xf32, #tpu.memory_space<vmem>>
      %dma_start3A_68 = tpu.memref_slice %arg2[%add3A_65] : memref<9633792xf32, #tpu.memory_space<hbm>> -> memref<1792xf32, #tpu.memory_space<hbm>>
      %dma_start3A_69 = arith.constant 7168 : i32
      %dma_start3A_70 = tpu.memref_slice %arg4[%dma_start3A_69] : memref<10752xf32, #tpu.memory_space<vmem>> -> memref<1792xf32, #tpu.memory_space<vmem>>
      %dma_start3A_71 = tpu.memref_slice %arg2[%add3A_65] : memref<9633792xf32, #tpu.memory_space<hbm>> -> memref<1792xf32, #tpu.memory_space<hbm>>
      tpu.enqueue_dma source(%dma_start3A_71 : memref<1792xf32, #tpu.memory_space<hbm>>) target(%dma_start3A_70 : memref<1792xf32, #tpu.memory_space<vmem>>) target_semaphore(%arg11 : memref<!tpu.dma_semaphore, #tpu.memory_space<semaphore_mem>>)
      %add3A_72 = arith.constant 1003520 : i32
      %add3A_73 = arith.addi %add3A_32, %add3A_72 : i32
      %dma_start3A_74 = arith.constant 8960 : i32
      %dma_start3A_75 = tpu.memref_slice %arg4[%dma_start3A_74] : memref<10752xf32, #tpu.memory_space<vmem>> -> memref<1792xf32, #tpu.memory_space<vmem>>
      %dma_start3A_76 = tpu.memref_slice %arg2[%add3A_73] : memref<9633792xf32, #tpu.memory_space<hbm>> -> memref<1792xf32, #tpu.memory_space<hbm>>
      %dma_start3A_77 = arith.constant 8960 : i32
      %dma_start3A_78 = tpu.memref_slice %arg4[%dma_start3A_77] : memref<10752xf32, #tpu.memory_space<vmem>> -> memref<1792xf32, #tpu.memory_space<vmem>>
      %dma_start3A_79 = tpu.memref_slice %arg2[%add3A_73] : memref<9633792xf32, #tpu.memory_space<hbm>> -> memref<1792xf32, #tpu.memory_space<hbm>>
      tpu.enqueue_dma source(%dma_start3A_79 : memref<1792xf32, #tpu.memory_space<hbm>>) target(%dma_start3A_78 : memref<1792xf32, #tpu.memory_space<vmem>>) target_semaphore(%arg11 : memref<!tpu.dma_semaphore, #tpu.memory_space<semaphore_mem>>)
      %add3A_80 = arith.constant 16 : i32
      %add3A_81 = arith.addi %arg1, %add3A_80 : i32
      %mul3A_82 = arith.constant 1792 : i32
      %mul3A_83 = arith.muli %add3A_81, %mul3A_82 : i32
      %mul3A_84 = arith.constant 6 : i32
      %mul3A_85 = arith.muli %add3A_9, %mul3A_84 : i32
      %mul3A_86 = arith.constant 200704 : i32
      %mul3A_87 = arith.muli %mul3A_85, %mul3A_86 : i32
      %add3A_88 = arith.addi %mul3A_87, %mul3A_83 : i32
      %add3A_89 = arith.constant 0 : i32
      %add3A_90 = arith.addi %add3A_88, %add3A_89 : i32
      %dma_start3A_91 = arith.constant 0 : i32
      %dma_start3A_92 = tpu.memref_slice %arg5[%dma_start3A_91] : memref<10752xf32, #tpu.memory_space<vmem>> -> memref<1792xf32, #tpu.memory_space<vmem>>
      %dma_start3A_93 = tpu.memref_slice %arg2[%add3A_90] : memref<9633792xf32, #tpu.memory_space<hbm>> -> memref<1792xf32, #tpu.memory_space<hbm>>
      %dma_start3A_94 = arith.constant 0 : i32
      %dma_start3A_95 = tpu.memref_slice %arg5[%dma_start3A_94] : memref<10752xf32, #tpu.memory_space<vmem>> -> memref<1792xf32, #tpu.memory_space<vmem>>
      %dma_start3A_96 = tpu.memref_slice %arg2[%add3A_90] : memref<9633792xf32, #tpu.memory_space<hbm>> -> memref<1792xf32, #tpu.memory_space<hbm>>
      tpu.enqueue_dma source(%dma_start3A_96 : memref<1792xf32, #tpu.memory_space<hbm>>) target(%dma_start3A_95 : memref<1792xf32, #tpu.memory_space<vmem>>) target_semaphore(%arg12 : memref<!tpu.dma_semaphore, #tpu.memory_space<semaphore_mem>>)
      %add3A_97 = arith.constant 200704 : i32
      %add3A_98 = arith.addi %add3A_88, %add3A_97 : i32
      %dma_start3A_99 = arith.constant 1792 : i32
      %dma_start3A_100 = tpu.memref_slice %arg5[%dma_start3A_99] : memref<10752xf32, #tpu.memory_space<vmem>> -> memref<1792xf32, #tpu.memory_space<vmem>>
      %dma_start3A_101 = tpu.memref_slice %arg2[%add3A_98] : memref<9633792xf32, #tpu.memory_space<hbm>> -> memref<1792xf32, #tpu.memory_space<hbm>>
      %dma_start3A_102 = arith.constant 1792 : i32
      %dma_start3A_103 = tpu.memref_slice %arg5[%dma_start3A_102] : memref<10752xf32, #tpu.memory_space<vmem>> -> memref<1792xf32, #tpu.memory_space<vmem>>
      %dma_start3A_104 = tpu.memref_slice %arg2[%add3A_98] : memref<9633792xf32, #tpu.memory_space<hbm>> -> memref<1792xf32, #tpu.memory_space<hbm>>
      tpu.enqueue_dma source(%dma_start3A_104 : memref<1792xf32, #tpu.memory_space<hbm>>) target(%dma_start3A_103 : memref<1792xf32, #tpu.memory_space<vmem>>) target_semaphore(%arg12 : memref<!tpu.dma_semaphore, #tpu.memory_space<semaphore_mem>>)
      %add3A_105 = arith.constant 401408 : i32
      %add3A_106 = arith.addi %add3A_88, %add3A_105 : i32
      %dma_start3A_107 = arith.constant 3584 : i32
      %dma_start3A_108 = tpu.memref_slice %arg5[%dma_start3A_107] : memref<10752xf32, #tpu.memory_space<vmem>> -> memref<1792xf32, #tpu.memory_space<vmem>>
      %dma_start3A_109 = tpu.memref_slice %arg2[%add3A_106] : memref<9633792xf32, #tpu.memory_space<hbm>> -> memref<1792xf32, #tpu.memory_space<hbm>>
      %dma_start3A_110 = arith.constant 3584 : i32
      %dma_start3A_111 = tpu.memref_slice %arg5[%dma_start3A_110] : memref<10752xf32, #tpu.memory_space<vmem>> -> memref<1792xf32, #tpu.memory_space<vmem>>
      %dma_start3A_112 = tpu.memref_slice %arg2[%add3A_106] : memref<9633792xf32, #tpu.memory_space<hbm>> -> memref<1792xf32, #tpu.memory_space<hbm>>
      tpu.enqueue_dma source(%dma_start3A_112 : memref<1792xf32, #tpu.memory_space<hbm>>) target(%dma_start3A_111 : memref<1792xf32, #tpu.memory_space<vmem>>) target_semaphore(%arg12 : memref<!tpu.dma_semaphore, #tpu.memory_space<semaphore_mem>>)
      %add3A_113 = arith.constant 602112 : i32
      %add3A_114 = arith.addi %add3A_88, %add3A_113 : i32
      %dma_start3A_115 = arith.constant 5376 : i32
      %dma_start3A_116 = tpu.memref_slice %arg5[%dma_start3A_115] : memref<10752xf32, #tpu.memory_space<vmem>> -> memref<1792xf32, #tpu.memory_space<vmem>>
      %dma_start3A_117 = tpu.memref_slice %arg2[%add3A_114] : memref<9633792xf32, #tpu.memory_space<hbm>> -> memref<1792xf32, #tpu.memory_space<hbm>>
      %dma_start3A_118 = arith.constant 5376 : i32
      %dma_start3A_119 = tpu.memref_slice %arg5[%dma_start3A_118] : memref<10752xf32, #tpu.memory_space<vmem>> -> memref<1792xf32, #tpu.memory_space<vmem>>
      %dma_start3A_120 = tpu.memref_slice %arg2[%add3A_114] : memref<9633792xf32, #tpu.memory_space<hbm>> -> memref<1792xf32, #tpu.memory_space<hbm>>
      tpu.enqueue_dma source(%dma_start3A_120 : memref<1792xf32, #tpu.memory_space<hbm>>) target(%dma_start3A_119 : memref<1792xf32, #tpu.memory_space<vmem>>) target_semaphore(%arg12 : memref<!tpu.dma_semaphore, #tpu.memory_space<semaphore_mem>>)
      %add3A_121 = arith.constant 802816 : i32
      %add3A_122 = arith.addi %add3A_88, %add3A_121 : i32
      %dma_start3A_123 = arith.constant 7168 : i32
      %dma_start3A_124 = tpu.memref_slice %arg5[%dma_start3A_123] : memref<10752xf32, #tpu.memory_space<vmem>> -> memref<1792xf32, #tpu.memory_space<vmem>>
      %dma_start3A_125 = tpu.memref_slice %arg2[%add3A_122] : memref<9633792xf32, #tpu.memory_space<hbm>> -> memref<1792xf32, #tpu.memory_space<hbm>>
      %dma_start3A_126 = arith.constant 7168 : i32
      %dma_start3A_127 = tpu.memref_slice %arg5[%dma_start3A_126] : memref<10752xf32, #tpu.memory_space<vmem>> -> memref<1792xf32, #tpu.memory_space<vmem>>
      %dma_start3A_128 = tpu.memref_slice %arg2[%add3A_122] : memref<9633792xf32, #tpu.memory_space<hbm>> -> memref<1792xf32, #tpu.memory_space<hbm>>
      tpu.enqueue_dma source(%dma_start3A_128 : memref<1792xf32, #tpu.memory_space<hbm>>) target(%dma_start3A_127 : memref<1792xf32, #tpu.memory_space<vmem>>) target_semaphore(%arg12 : memref<!tpu.dma_semaphore, #tpu.memory_space<semaphore_mem>>)
      %add3A_129 = arith.constant 1003520 : i32
      %add3A_130 = arith.addi %add3A_88, %add3A_129 : i32
      %dma_start3A_131 = arith.constant 8960 : i32
      %dma_start3A_132 = tpu.memref_slice %arg5[%dma_start3A_131] : memref<10752xf32, #tpu.memory_space<vmem>> -> memref<1792xf32, #tpu.memory_space<vmem>>
      %dma_start3A_133 = tpu.memref_slice %arg2[%add3A_130] : memref<9633792xf32, #tpu.memory_space<hbm>> -> memref<1792xf32, #tpu.memory_space<hbm>>
      %dma_start3A_134 = arith.constant 8960 : i32
      %dma_start3A_135 = tpu.memref_slice %arg5[%dma_start3A_134] : memref<10752xf32, #tpu.memory_space<vmem>> -> memref<1792xf32, #tpu.memory_space<vmem>>
      %dma_start3A_136 = tpu.memref_slice %arg2[%add3A_130] : memref<9633792xf32, #tpu.memory_space<hbm>> -> memref<1792xf32, #tpu.memory_space<hbm>>
      tpu.enqueue_dma source(%dma_start3A_136 : memref<1792xf32, #tpu.memory_space<hbm>>) target(%dma_start3A_135 : memref<1792xf32, #tpu.memory_space<vmem>>) target_semaphore(%arg12 : memref<!tpu.dma_semaphore, #tpu.memory_space<semaphore_mem>>)
      %dma_wait3A = arith.constant 0 : i32
      %dma_wait3A_137 = tpu.memref_slice %arg4[%dma_wait3A] : memref<10752xf32, #tpu.memory_space<vmem>> -> memref<1792xf32, #tpu.memory_space<vmem>>
      %dma_wait3A_138 = tpu.memref_slice %arg2[%add3A_34] : memref<9633792xf32, #tpu.memory_space<hbm>> -> memref<1792xf32, #tpu.memory_space<hbm>>
      %dma_wait3A_139 = arith.constant 0 : i32
      %dma_wait3A_140 = tpu.memref_slice %arg4[%dma_wait3A_139] : memref<10752xf32, #tpu.memory_space<vmem>> -> memref<1792xf32, #tpu.memory_space<vmem>>
      %dma_wait3A_141 = tpu.memref_slice %arg2[%add3A_34] : memref<9633792xf32, #tpu.memory_space<hbm>> -> memref<1792xf32, #tpu.memory_space<hbm>>
      tpu.wait_dma2 semaphore(%arg11 : memref<!tpu.dma_semaphore, #tpu.memory_space<semaphore_mem>>) src(%dma_wait3A_141 : memref<1792xf32, #tpu.memory_space<hbm>>) dst(%dma_wait3A_140 : memref<1792xf32, #tpu.memory_space<vmem>>)
      %dma_wait3A_142 = arith.constant 1792 : i32
      %dma_wait3A_143 = tpu.memref_slice %arg4[%dma_wait3A_142] : memref<10752xf32, #tpu.memory_space<vmem>> -> memref<1792xf32, #tpu.memory_space<vmem>>
      %dma_wait3A_144 = tpu.memref_slice %arg2[%add3A_41] : memref<9633792xf32, #tpu.memory_space<hbm>> -> memref<1792xf32, #tpu.memory_space<hbm>>
      %dma_wait3A_145 = arith.constant 1792 : i32
      %dma_wait3A_146 = tpu.memref_slice %arg4[%dma_wait3A_145] : memref<10752xf32, #tpu.memory_space<vmem>> -> memref<1792xf32, #tpu.memory_space<vmem>>
      %dma_wait3A_147 = tpu.memref_slice %arg2[%add3A_41] : memref<9633792xf32, #tpu.memory_space<hbm>> -> memref<1792xf32, #tpu.memory_space<hbm>>
      tpu.wait_dma2 semaphore(%arg11 : memref<!tpu.dma_semaphore, #tpu.memory_space<semaphore_mem>>) src(%dma_wait3A_147 : memref<1792xf32, #tpu.memory_space<hbm>>) dst(%dma_wait3A_146 : memref<1792xf32, #tpu.memory_space<vmem>>)
      %dma_wait3A_148 = arith.constant 3584 : i32
      %dma_wait3A_149 = tpu.memref_slice %arg4[%dma_wait3A_148] : memref<10752xf32, #tpu.memory_space<vmem>> -> memref<1792xf32, #tpu.memory_space<vmem>>
      %dma_wait3A_150 = tpu.memref_slice %arg2[%add3A_49] : memref<9633792xf32, #tpu.memory_space<hbm>> -> memref<1792xf32, #tpu.memory_space<hbm>>
      %dma_wait3A_151 = arith.constant 3584 : i32
      %dma_wait3A_152 = tpu.memref_slice %arg4[%dma_wait3A_151] : memref<10752xf32, #tpu.memory_space<vmem>> -> memref<1792xf32, #tpu.memory_space<vmem>>
      %dma_wait3A_153 = tpu.memref_slice %arg2[%add3A_49] : memref<9633792xf32, #tpu.memory_space<hbm>> -> memref<1792xf32, #tpu.memory_space<hbm>>
      tpu.wait_dma2 semaphore(%arg11 : memref<!tpu.dma_semaphore, #tpu.memory_space<semaphore_mem>>) src(%dma_wait3A_153 : memref<1792xf32, #tpu.memory_space<hbm>>) dst(%dma_wait3A_152 : memref<1792xf32, #tpu.memory_space<vmem>>)
      %dma_wait3A_154 = arith.constant 5376 : i32
      %dma_wait3A_155 = tpu.memref_slice %arg4[%dma_wait3A_154] : memref<10752xf32, #tpu.memory_space<vmem>> -> memref<1792xf32, #tpu.memory_space<vmem>>
      %dma_wait3A_156 = tpu.memref_slice %arg2[%add3A_57] : memref<9633792xf32, #tpu.memory_space<hbm>> -> memref<1792xf32, #tpu.memory_space<hbm>>
      %dma_wait3A_157 = arith.constant 5376 : i32
      %dma_wait3A_158 = tpu.memref_slice %arg4[%dma_wait3A_157] : memref<10752xf32, #tpu.memory_space<vmem>> -> memref<1792xf32, #tpu.memory_space<vmem>>
      %dma_wait3A_159 = tpu.memref_slice %arg2[%add3A_57] : memref<9633792xf32, #tpu.memory_space<hbm>> -> memref<1792xf32, #tpu.memory_space<hbm>>
      tpu.wait_dma2 semaphore(%arg11 : memref<!tpu.dma_semaphore, #tpu.memory_space<semaphore_mem>>) src(%dma_wait3A_159 : memref<1792xf32, #tpu.memory_space<hbm>>) dst(%dma_wait3A_158 : memref<1792xf32, #tpu.memory_space<vmem>>)
      %dma_wait3A_160 = arith.constant 7168 : i32
      %dma_wait3A_161 = tpu.memref_slice %arg4[%dma_wait3A_160] : memref<10752xf32, #tpu.memory_space<vmem>> -> memref<1792xf32, #tpu.memory_space<vmem>>
      %dma_wait3A_162 = tpu.memref_slice %arg2[%add3A_65] : memref<9633792xf32, #tpu.memory_space<hbm>> -> memref<1792xf32, #tpu.memory_space<hbm>>
      %dma_wait3A_163 = arith.constant 7168 : i32
      %dma_wait3A_164 = tpu.memref_slice %arg4[%dma_wait3A_163] : memref<10752xf32, #tpu.memory_space<vmem>> -> memref<1792xf32, #tpu.memory_space<vmem>>
      %dma_wait3A_165 = tpu.memref_slice %arg2[%add3A_65] : memref<9633792xf32, #tpu.memory_space<hbm>> -> memref<1792xf32, #tpu.memory_space<hbm>>
      tpu.wait_dma2 semaphore(%arg11 : memref<!tpu.dma_semaphore, #tpu.memory_space<semaphore_mem>>) src(%dma_wait3A_165 : memref<1792xf32, #tpu.memory_space<hbm>>) dst(%dma_wait3A_164 : memref<1792xf32, #tpu.memory_space<vmem>>)
      %dma_wait3A_166 = arith.constant 8960 : i32
      %dma_wait3A_167 = tpu.memref_slice %arg4[%dma_wait3A_166] : memref<10752xf32, #tpu.memory_space<vmem>> -> memref<1792xf32, #tpu.memory_space<vmem>>
      %dma_wait3A_168 = tpu.memref_slice %arg2[%add3A_73] : memref<9633792xf32, #tpu.memory_space<hbm>> -> memref<1792xf32, #tpu.memory_space<hbm>>
      %dma_wait3A_169 = arith.constant 8960 : i32
      %dma_wait3A_170 = tpu.memref_slice %arg4[%dma_wait3A_169] : memref<10752xf32, #tpu.memory_space<vmem>> -> memref<1792xf32, #tpu.memory_space<vmem>>
      %dma_wait3A_171 = tpu.memref_slice %arg2[%add3A_73] : memref<9633792xf32, #tpu.memory_space<hbm>> -> memref<1792xf32, #tpu.memory_space<hbm>>
      tpu.wait_dma2 semaphore(%arg11 : memref<!tpu.dma_semaphore, #tpu.memory_space<semaphore_mem>>) src(%dma_wait3A_171 : memref<1792xf32, #tpu.memory_space<hbm>>) dst(%dma_wait3A_170 : memref<1792xf32, #tpu.memory_space<vmem>>)
      %scan3A_172 = arith.constant 0 : i32
      %scan3A_173 = arith.constant 112 : i32
      %scan3A_174 = arith.addi %scan3A_172, %scan3A_173 : i32
      %scan3A_175 = arith.constant 1 : i32
      scf.for %scan3A_780 = %scan3A_172 to %scan3A_174 step %scan3A_175  : i32 {
        %mul3A_781 = arith.constant 1 : i32
        %mul3A_782 = arith.muli %scan3A_780, %mul3A_781 : i32
        %add3A_783 = arith.constant 0 : i32
        %add3A_784 = arith.addi %add3A_783, %mul3A_782 : i32
        %mul3A_785 = arith.constant 16 : i32
        %mul3A_786 = arith.muli %add3A_784, %mul3A_785 : i32
        %get3A = arith.index_cast %mul3A_786 : i32 to index
        %get3A_787 = tpu.vector_load %arg4[%get3A] {strides = array<i32>} : memref<10752xf32, #tpu.memory_space<vmem>>, vector<16xf32>,
        %add3A_788 = arith.constant 1792 : i32
        %add3A_789 = arith.addi %add3A_788, %mul3A_786 : i32
        %get3A_790 = arith.index_cast %add3A_789 : i32 to index
        %get3A_791 = tpu.vector_load %arg4[%get3A_790] {strides = array<i32>} : memref<10752xf32, #tpu.memory_space<vmem>>, vector<16xf32>,
        %add3A_792 = arith.constant 3584 : i32
        %add3A_793 = arith.addi %add3A_792, %mul3A_786 : i32
        %get3A_794 = arith.index_cast %add3A_793 : i32 to index
        %get3A_795 = tpu.vector_load %arg4[%get3A_794] {strides = array<i32>} : memref<10752xf32, #tpu.memory_space<vmem>>, vector<16xf32>,
        %add3A_796 = arith.constant 5376 : i32
        %add3A_797 = arith.addi %add3A_796, %mul3A_786 : i32
        %get3A_798 = arith.index_cast %add3A_797 : i32 to index
        %get3A_799 = tpu.vector_load %arg4[%get3A_798] {strides = array<i32>} : memref<10752xf32, #tpu.memory_space<vmem>>, vector<16xf32>,
        %add3A_800 = arith.constant 7168 : i32
        %add3A_801 = arith.addi %add3A_800, %mul3A_786 : i32
        %get3A_802 = arith.index_cast %add3A_801 : i32 to index
        %get3A_803 = tpu.vector_load %arg4[%get3A_802] {strides = array<i32>} : memref<10752xf32, #tpu.memory_space<vmem>>, vector<16xf32>,
        %add3A_804 = arith.constant 8960 : i32
        %add3A_805 = arith.addi %add3A_804, %mul3A_786 : i32
        %get3A_806 = arith.index_cast %add3A_805 : i32 to index
        %get3A_807 = tpu.vector_load %arg4[%get3A_806] {strides = array<i32>} : memref<10752xf32, #tpu.memory_space<vmem>>, vector<16xf32>,
        %sub3A_808 = arith.constant 1.000000e+00 : f32
        %sub3A_809 = vector.broadcast %sub3A_808 : f32 to vector<16xf32>
        %sub3A_810 = arith.subf %sub3A_809, %get3A_787 : vector<16xf32>
        %mul3A_811 = arith.mulf %sub3A_810, %get3A_799 : vector<16xf32>
        %add3A_812 = arith.addf %get3A_791, %mul3A_811 : vector<16xf32>
        %mul3A_813 = arith.mulf %sub3A_810, %get3A_803 : vector<16xf32>
        %add3A_814 = arith.addf %get3A_795, %mul3A_813 : vector<16xf32>
        %add3A_815 = arith.constant 5.120000e+02 : f32
        %add3A_816 = vector.broadcast %add3A_815 : f32 to vector<16xf32>
        %add3A_817 = arith.addf %add3A_812, %add3A_816 : vector<16xf32>
        %convert_element_type3A = arith.fptosi %add3A_817 : vector<16xf32> to vector<16xi32>
        %convert_element_type3A_818 = arith.sitofp %convert_element_type3A : vector<16xi32> to vector<16xf32>
        %sub3A_819 = arith.constant 5.120000e+02 : f32
        %sub3A_820 = vector.broadcast %sub3A_819 : f32 to vector<16xf32>
        %sub3A_821 = arith.subf %convert_element_type3A_818, %sub3A_820 : vector<16xf32>
        %sub3A_822 = arith.subf %add3A_812, %sub3A_821 : vector<16xf32>
        %add3A_823 = arith.constant 5.120000e+02 : f32
        %add3A_824 = vector.broadcast %add3A_823 : f32 to vector<16xf32>
        %add3A_825 = arith.addf %add3A_814, %add3A_824 : vector<16xf32>
        %convert_element_type3A_826 = arith.fptosi %add3A_825 : vector<16xf32> to vector<16xi32>
        %convert_element_type3A_827 = arith.sitofp %convert_element_type3A_826 : vector<16xi32> to vector<16xf32>
        %sub3A_828 = arith.constant 5.120000e+02 : f32
        %sub3A_829 = vector.broadcast %sub3A_828 : f32 to vector<16xf32>
        %sub3A_830 = arith.subf %convert_element_type3A_827, %sub3A_829 : vector<16xf32>
        %sub3A_831 = arith.subf %add3A_814, %sub3A_830 : vector<16xf32>
        %sub3A_832 = arith.constant 504 : i32
        %sub3A_833 = vector.broadcast %sub3A_832 : i32 to vector<16xi32>
        %sub3A_834 = arith.subi %convert_element_type3A, %sub3A_833 : vector<16xi32>
        %max3A = arith.constant 0 : i32
        %max3A_835 = vector.broadcast %max3A : i32 to vector<16xi32>
        %max3A_836 = arith.maxsi %sub3A_834, %max3A_835 : vector<16xi32>
        %min3A = arith.constant 494 : i32
        %min3A_837 = vector.broadcast %min3A : i32 to vector<16xi32>
        %min3A_838 = arith.minsi %max3A_836, %min3A_837 : vector<16xi32>
        %sub3A_839 = arith.constant 512 : i32
        %sub3A_840 = vector.broadcast %sub3A_839 : i32 to vector<16xi32>
        %sub3A_841 = arith.subi %convert_element_type3A_826, %sub3A_840 : vector<16xi32>
        %ge3A = arith.constant 0 : i32
        %ge3A_842 = vector.broadcast %ge3A : i32 to vector<16xi32>
        %ge3A_843 = arith.cmpi sge, %sub3A_841, %ge3A_842 : vector<16xi32>
        %le3A = arith.constant 639 : i32
        %le3A_844 = vector.broadcast %le3A : i32 to vector<16xi32>
        %le3A_845 = arith.cmpi sle, %sub3A_841, %le3A_844 : vector<16xi32>
        %and3A_846 = arith.andi %ge3A_843, %le3A_845 : vector<16xi1>
        %ge3A_847 = arith.constant -1 : i32
        %ge3A_848 = vector.broadcast %ge3A_847 : i32 to vector<16xi32>
        %ge3A_849 = arith.cmpi sge, %sub3A_841, %ge3A_848 : vector<16xi32>
        %le3A_850 = arith.constant 638 : i32
        %le3A_851 = vector.broadcast %le3A_850 : i32 to vector<16xi32>
        %le3A_852 = arith.cmpi sle, %sub3A_841, %le3A_851 : vector<16xi32>
        %and3A_853 = arith.andi %ge3A_849, %le3A_852 : vector<16xi1>
        %max3A_854 = arith.constant 0 : i32
        %max3A_855 = vector.broadcast %max3A_854 : i32 to vector<16xi32>
        %max3A_856 = arith.maxsi %sub3A_841, %max3A_855 : vector<16xi32>
        %min3A_857 = arith.constant 639 : i32
        %min3A_858 = vector.broadcast %min3A_857 : i32 to vector<16xi32>
        %min3A_859 = arith.minsi %max3A_856, %min3A_858 : vector<16xi32>
        %add3A_860 = arith.constant 1 : i32
        %add3A_861 = vector.broadcast %add3A_860 : i32 to vector<16xi32>
        %add3A_862 = arith.addi %sub3A_841, %add3A_861 : vector<16xi32>
        %max3A_863 = arith.constant 0 : i32
        %max3A_864 = vector.broadcast %max3A_863 : i32 to vector<16xi32>
        %max3A_865 = arith.maxsi %add3A_862, %max3A_864 : vector<16xi32>
        %min3A_866 = arith.constant 639 : i32
        %min3A_867 = vector.broadcast %min3A_866 : i32 to vector<16xi32>
        %min3A_868 = arith.minsi %max3A_865, %min3A_867 : vector<16xi32>
        %convert_element_type3A_869 = arith.fptosi %get3A_807 : vector<16xf32> to vector<16xi32>
        %sub3A_870 = arith.constant 1 : i32
        %sub3A_871 = vector.broadcast %sub3A_870 : i32 to vector<16xi32>
        %sub3A_872 = arith.subi %sub3A_871, %convert_element_type3A_869 : vector<16xi32>
        %mul3A_873 = arith.constant 317440 : i32
        %mul3A_874 = vector.broadcast %mul3A_873 : i32 to vector<16xi32>
        %mul3A_875 = arith.muli %sub3A_872, %mul3A_874 : vector<16xi32>
        %mul3A_876 = arith.constant 640 : i32
        %mul3A_877 = vector.broadcast %mul3A_876 : i32 to vector<16xi32>
        %mul3A_878 = arith.muli %min3A_838, %mul3A_877 : vector<16xi32>
        %add3A_879 = arith.addi %mul3A_875, %mul3A_878 : vector<16xi32>
        %sub3A_880 = arith.constant 1.000000e+00 : f32
        %sub3A_881 = vector.broadcast %sub3A_880 : f32 to vector<16xf32>
        %sub3A_882 = arith.subf %sub3A_881, %sub3A_822 : vector<16xf32>
        %sub3A_883 = arith.constant 1.000000e+00 : f32
        %sub3A_884 = vector.broadcast %sub3A_883 : f32 to vector<16xf32>
        %sub3A_885 = arith.subf %sub3A_884, %sub3A_831 : vector<16xf32>
        %broadcast_in_dim3A = arith.constant 0.000000e+00 : f32
        %broadcast_in_dim3A_886 = vector.broadcast %broadcast_in_dim3A : f32 to vector<16xf32>
        %mul3A_887 = arith.constant 64 : i32
        %mul3A_888 = arith.muli %add3A_784, %mul3A_887 : i32
        %add3A_889 = arith.addi %add3A_879, %min3A_859 : vector<16xi32>
        %swap3A = arith.index_cast %mul3A_888 : i32 to index
        %swap3A_890 = tpu.vector_load %arg6[%swap3A] {strides = array<i32>} : memref<7168xi32, #tpu.memory_space<vmem>>, vector<16xi32>,
        tpu.vector_store %arg6[%swap3A], %add3A_889 {strides = array<i32>} : memref<7168xi32, #tpu.memory_space<vmem>>, vector<16xi32>,
        %mul3A_891 = arith.mulf %sub3A_882, %sub3A_885 : vector<16xf32>
        %select_n3A_892 = arith.select %and3A_846, %mul3A_891, %broadcast_in_dim3A_886 : vector<16xi1>, vector<16xf32>
        %swap3A_893 = arith.index_cast %mul3A_888 : i32 to index
        %swap3A_894 = tpu.vector_load %arg8[%swap3A_893] {strides = array<i32>} : memref<7168xf32, #tpu.memory_space<vmem>>, vector<16xf32>,
        tpu.vector_store %arg8[%swap3A_893], %select_n3A_892 {strides = array<i32>} : memref<7168xf32, #tpu.memory_space<vmem>>, vector<16xf32>,
        %add3A_895 = arith.addi %add3A_879, %min3A_868 : vector<16xi32>
        %add3A_896 = arith.constant 16 : i32
        %add3A_897 = arith.addi %mul3A_888, %add3A_896 : i32
        %swap3A_898 = arith.index_cast %add3A_897 : i32 to index
        %swap3A_899 = tpu.vector_load %arg6[%swap3A_898] {strides = array<i32>} : memref<7168xi32, #tpu.memory_space<vmem>>, vector<16xi32>,
        tpu.vector_store %arg6[%swap3A_898], %add3A_895 {strides = array<i32>} : memref<7168xi32, #tpu.memory_space<vmem>>, vector<16xi32>,
        %mul3A_900 = arith.mulf %sub3A_882, %sub3A_831 : vector<16xf32>
        %select_n3A_901 = arith.select %and3A_853, %mul3A_900, %broadcast_in_dim3A_886 : vector<16xi1>, vector<16xf32>
        %add3A_902 = arith.constant 16 : i32
        %add3A_903 = arith.addi %mul3A_888, %add3A_902 : i32
        %swap3A_904 = arith.index_cast %add3A_903 : i32 to index
        %swap3A_905 = tpu.vector_load %arg8[%swap3A_904] {strides = array<i32>} : memref<7168xf32, #tpu.memory_space<vmem>>, vector<16xf32>,
        tpu.vector_store %arg8[%swap3A_904], %select_n3A_901 {strides = array<i32>} : memref<7168xf32, #tpu.memory_space<vmem>>, vector<16xf32>,
        %add3A_906 = arith.constant 640 : i32
        %add3A_907 = vector.broadcast %add3A_906 : i32 to vector<16xi32>
        %add3A_908 = arith.addi %add3A_879, %add3A_907 : vector<16xi32>
        %add3A_909 = arith.addi %add3A_908, %min3A_859 : vector<16xi32>
        %add3A_910 = arith.constant 32 : i32
        %add3A_911 = arith.addi %mul3A_888, %add3A_910 : i32
        %swap3A_912 = arith.index_cast %add3A_911 : i32 to index
        %swap3A_913 = tpu.vector_load %arg6[%swap3A_912] {strides = array<i32>} : memref<7168xi32, #tpu.memory_space<vmem>>, vector<16xi32>,
        tpu.vector_store %arg6[%swap3A_912], %add3A_909 {strides = array<i32>} : memref<7168xi32, #tpu.memory_space<vmem>>, vector<16xi32>,
        %mul3A_914 = arith.mulf %sub3A_822, %sub3A_885 : vector<16xf32>
        %select_n3A_915 = arith.select %and3A_846, %mul3A_914, %broadcast_in_dim3A_886 : vector<16xi1>, vector<16xf32>
        %add3A_916 = arith.constant 32 : i32
        %add3A_917 = arith.addi %mul3A_888, %add3A_916 : i32
        %swap3A_918 = arith.index_cast %add3A_917 : i32 to index
        %swap3A_919 = tpu.vector_load %arg8[%swap3A_918] {strides = array<i32>} : memref<7168xf32, #tpu.memory_space<vmem>>, vector<16xf32>,
        tpu.vector_store %arg8[%swap3A_918], %select_n3A_915 {strides = array<i32>} : memref<7168xf32, #tpu.memory_space<vmem>>, vector<16xf32>,
        %add3A_920 = arith.constant 640 : i32
        %add3A_921 = vector.broadcast %add3A_920 : i32 to vector<16xi32>
        %add3A_922 = arith.addi %add3A_879, %add3A_921 : vector<16xi32>
        %add3A_923 = arith.addi %add3A_922, %min3A_868 : vector<16xi32>
        %add3A_924 = arith.constant 48 : i32
        %add3A_925 = arith.addi %mul3A_888, %add3A_924 : i32
        %swap3A_926 = arith.index_cast %add3A_925 : i32 to index
        %swap3A_927 = tpu.vector_load %arg6[%swap3A_926] {strides = array<i32>} : memref<7168xi32, #tpu.memory_space<vmem>>, vector<16xi32>,
        tpu.vector_store %arg6[%swap3A_926], %add3A_923 {strides = array<i32>} : memref<7168xi32, #tpu.memory_space<vmem>>, vector<16xi32>,
        %mul3A_928 = arith.mulf %sub3A_822, %sub3A_831 : vector<16xf32>
        %select_n3A_929 = arith.select %and3A_853, %mul3A_928, %broadcast_in_dim3A_886 : vector<16xi1>, vector<16xf32>
        %add3A_930 = arith.constant 48 : i32
        %add3A_931 = arith.addi %mul3A_888, %add3A_930 : i32
        %swap3A_932 = arith.index_cast %add3A_931 : i32 to index
        %swap3A_933 = tpu.vector_load %arg8[%swap3A_932] {strides = array<i32>} : memref<7168xf32, #tpu.memory_space<vmem>>, vector<16xf32>,
        tpu.vector_store %arg8[%swap3A_932], %select_n3A_929 {strides = array<i32>} : memref<7168xf32, #tpu.memory_space<vmem>>, vector<16xf32>,
      }
      %scan3A_176 = arith.constant 112 : i32
      %dma_start3A_177 = arith.constant 0 : i32
      %dma_start3A_178 = tpu.memref_slice %arg10[%dma_start3A_177] : memref<634880xf32, #tpu.memory_space<vmem_shared>> -> memref<634880xf32, #tpu.memory_space<vmem_shared>>
      tpu.enqueue_indirect_dma source(%arg8 : memref<7168xf32, #tpu.memory_space<vmem>>) target(%dma_start3A_178 : memref<634880xf32, #tpu.memory_space<vmem_shared>>) offsets(%arg6 : memref<7168xi32, #tpu.memory_space<vmem>>) semaphore(%arg13 : memref<!tpu.dma_semaphore, #tpu.memory_space<semaphore_mem>>) {add = true}
      %add3A_179 = arith.constant 32 : i32
      %add3A_180 = arith.addi %arg1, %add3A_179 : i32
      %mul3A_181 = arith.constant 1792 : i32
      %mul3A_182 = arith.muli %add3A_180, %mul3A_181 : i32
      %mul3A_183 = arith.constant 6 : i32
      %mul3A_184 = arith.muli %add3A_9, %mul3A_183 : i32
      %mul3A_185 = arith.constant 200704 : i32
      %mul3A_186 = arith.muli %mul3A_184, %mul3A_185 : i32
      %add3A_187 = arith.addi %mul3A_186, %mul3A_182 : i32
      %add3A_188 = arith.constant 0 : i32
      %add3A_189 = arith.addi %add3A_187, %add3A_188 : i32
      %dma_start3A_190 = arith.constant 0 : i32
      %dma_start3A_191 = tpu.memref_slice %arg4[%dma_start3A_190] : memref<10752xf32, #tpu.memory_space<vmem>> -> memref<1792xf32, #tpu.memory_space<vmem>>
      %dma_start3A_192 = tpu.memref_slice %arg2[%add3A_189] : memref<9633792xf32, #tpu.memory_space<hbm>> -> memref<1792xf32, #tpu.memory_space<hbm>>
      %dma_start3A_193 = arith.constant 0 : i32
      %dma_start3A_194 = tpu.memref_slice %arg4[%dma_start3A_193] : memref<10752xf32, #tpu.memory_space<vmem>> -> memref<1792xf32, #tpu.memory_space<vmem>>
      %dma_start3A_195 = tpu.memref_slice %arg2[%add3A_189] : memref<9633792xf32, #tpu.memory_space<hbm>> -> memref<1792xf32, #tpu.memory_space<hbm>>
      tpu.enqueue_dma source(%dma_start3A_195 : memref<1792xf32, #tpu.memory_space<hbm>>) target(%dma_start3A_194 : memref<1792xf32, #tpu.memory_space<vmem>>) target_semaphore(%arg11 : memref<!tpu.dma_semaphore, #tpu.memory_space<semaphore_mem>>)
      %add3A_196 = arith.constant 200704 : i32
      %add3A_197 = arith.addi %add3A_187, %add3A_196 : i32
      %dma_start3A_198 = arith.constant 1792 : i32
      %dma_start3A_199 = tpu.memref_slice %arg4[%dma_start3A_198] : memref<10752xf32, #tpu.memory_space<vmem>> -> memref<1792xf32, #tpu.memory_space<vmem>>
      %dma_start3A_200 = tpu.memref_slice %arg2[%add3A_197] : memref<9633792xf32, #tpu.memory_space<hbm>> -> memref<1792xf32, #tpu.memory_space<hbm>>
      %dma_start3A_201 = arith.constant 1792 : i32
      %dma_start3A_202 = tpu.memref_slice %arg4[%dma_start3A_201] : memref<10752xf32, #tpu.memory_space<vmem>> -> memref<1792xf32, #tpu.memory_space<vmem>>
      %dma_start3A_203 = tpu.memref_slice %arg2[%add3A_197] : memref<9633792xf32, #tpu.memory_space<hbm>> -> memref<1792xf32, #tpu.memory_space<hbm>>
      tpu.enqueue_dma source(%dma_start3A_203 : memref<1792xf32, #tpu.memory_space<hbm>>) target(%dma_start3A_202 : memref<1792xf32, #tpu.memory_space<vmem>>) target_semaphore(%arg11 : memref<!tpu.dma_semaphore, #tpu.memory_space<semaphore_mem>>)
      %add3A_204 = arith.constant 401408 : i32
      %add3A_205 = arith.addi %add3A_187, %add3A_204 : i32
      %dma_start3A_206 = arith.constant 3584 : i32
      %dma_start3A_207 = tpu.memref_slice %arg4[%dma_start3A_206] : memref<10752xf32, #tpu.memory_space<vmem>> -> memref<1792xf32, #tpu.memory_space<vmem>>
      %dma_start3A_208 = tpu.memref_slice %arg2[%add3A_205] : memref<9633792xf32, #tpu.memory_space<hbm>> -> memref<1792xf32, #tpu.memory_space<hbm>>
      %dma_start3A_209 = arith.constant 3584 : i32
      %dma_start3A_210 = tpu.memref_slice %arg4[%dma_start3A_209] : memref<10752xf32, #tpu.memory_space<vmem>> -> memref<1792xf32, #tpu.memory_space<vmem>>
      %dma_start3A_211 = tpu.memref_slice %arg2[%add3A_205] : memref<9633792xf32, #tpu.memory_space<hbm>> -> memref<1792xf32, #tpu.memory_space<hbm>>
      tpu.enqueue_dma source(%dma_start3A_211 : memref<1792xf32, #tpu.memory_space<hbm>>) target(%dma_start3A_210 : memref<1792xf32, #tpu.memory_space<vmem>>) target_semaphore(%arg11 : memref<!tpu.dma_semaphore, #tpu.memory_space<semaphore_mem>>)
      %add3A_212 = arith.constant 602112 : i32
      %add3A_213 = arith.addi %add3A_187, %add3A_212 : i32
      %dma_start3A_214 = arith.constant 5376 : i32
      %dma_start3A_215 = tpu.memref_slice %arg4[%dma_start3A_214] : memref<10752xf32, #tpu.memory_space<vmem>> -> memref<1792xf32, #tpu.memory_space<vmem>>
      %dma_start3A_216 = tpu.memref_slice %arg2[%add3A_213] : memref<9633792xf32, #tpu.memory_space<hbm>> -> memref<1792xf32, #tpu.memory_space<hbm>>
      %dma_start3A_217 = arith.constant 5376 : i32
      %dma_start3A_218 = tpu.memref_slice %arg4[%dma_start3A_217] : memref<10752xf32, #tpu.memory_space<vmem>> -> memref<1792xf32, #tpu.memory_space<vmem>>
      %dma_start3A_219 = tpu.memref_slice %arg2[%add3A_213] : memref<9633792xf32, #tpu.memory_space<hbm>> -> memref<1792xf32, #tpu.memory_space<hbm>>
      tpu.enqueue_dma source(%dma_start3A_219 : memref<1792xf32, #tpu.memory_space<hbm>>) target(%dma_start3A_218 : memref<1792xf32, #tpu.memory_space<vmem>>) target_semaphore(%arg11 : memref<!tpu.dma_semaphore, #tpu.memory_space<semaphore_mem>>)
      %add3A_220 = arith.constant 802816 : i32
      %add3A_221 = arith.addi %add3A_187, %add3A_220 : i32
      %dma_start3A_222 = arith.constant 7168 : i32
      %dma_start3A_223 = tpu.memref_slice %arg4[%dma_start3A_222] : memref<10752xf32, #tpu.memory_space<vmem>> -> memref<1792xf32, #tpu.memory_space<vmem>>
      %dma_start3A_224 = tpu.memref_slice %arg2[%add3A_221] : memref<9633792xf32, #tpu.memory_space<hbm>> -> memref<1792xf32, #tpu.memory_space<hbm>>
      %dma_start3A_225 = arith.constant 7168 : i32
      %dma_start3A_226 = tpu.memref_slice %arg4[%dma_start3A_225] : memref<10752xf32, #tpu.memory_space<vmem>> -> memref<1792xf32, #tpu.memory_space<vmem>>
      %dma_start3A_227 = tpu.memref_slice %arg2[%add3A_221] : memref<9633792xf32, #tpu.memory_space<hbm>> -> memref<1792xf32, #tpu.memory_space<hbm>>
      tpu.enqueue_dma source(%dma_start3A_227 : memref<1792xf32, #tpu.memory_space<hbm>>) target(%dma_start3A_226 : memref<1792xf32, #tpu.memory_space<vmem>>) target_semaphore(%arg11 : memref<!tpu.dma_semaphore, #tpu.memory_space<semaphore_mem>>)
      %add3A_228 = arith.constant 1003520 : i32
      %add3A_229 = arith.addi %add3A_187, %add3A_228 : i32
      %dma_start3A_230 = arith.constant 8960 : i32
      %dma_start3A_231 = tpu.memref_slice %arg4[%dma_start3A_230] : memref<10752xf32, #tpu.memory_space<vmem>> -> memref<1792xf32, #tpu.memory_space<vmem>>
      %dma_start3A_232 = tpu.memref_slice %arg2[%add3A_229] : memref<9633792xf32, #tpu.memory_space<hbm>> -> memref<1792xf32, #tpu.memory_space<hbm>>
      %dma_start3A_233 = arith.constant 8960 : i32
      %dma_start3A_234 = tpu.memref_slice %arg4[%dma_start3A_233] : memref<10752xf32, #tpu.memory_space<vmem>> -> memref<1792xf32, #tpu.memory_space<vmem>>
      %dma_start3A_235 = tpu.memref_slice %arg2[%add3A_229] : memref<9633792xf32, #tpu.memory_space<hbm>> -> memref<1792xf32, #tpu.memory_space<hbm>>
      tpu.enqueue_dma source(%dma_start3A_235 : memref<1792xf32, #tpu.memory_space<hbm>>) target(%dma_start3A_234 : memref<1792xf32, #tpu.memory_space<vmem>>) target_semaphore(%arg11 : memref<!tpu.dma_semaphore, #tpu.memory_space<semaphore_mem>>)
      %dma_wait3A_236 = arith.constant 0 : i32
      %dma_wait3A_237 = tpu.memref_slice %arg5[%dma_wait3A_236] : memref<10752xf32, #tpu.memory_space<vmem>> -> memref<1792xf32, #tpu.memory_space<vmem>>
      %dma_wait3A_238 = tpu.memref_slice %arg2[%add3A_90] : memref<9633792xf32, #tpu.memory_space<hbm>> -> memref<1792xf32, #tpu.memory_space<hbm>>
      %dma_wait3A_239 = arith.constant 0 : i32
      %dma_wait3A_240 = tpu.memref_slice %arg5[%dma_wait3A_239] : memref<10752xf32, #tpu.memory_space<vmem>> -> memref<1792xf32, #tpu.memory_space<vmem>>
      %dma_wait3A_241 = tpu.memref_slice %arg2[%add3A_90] : memref<9633792xf32, #tpu.memory_space<hbm>> -> memref<1792xf32, #tpu.memory_space<hbm>>
      tpu.wait_dma2 semaphore(%arg12 : memref<!tpu.dma_semaphore, #tpu.memory_space<semaphore_mem>>) src(%dma_wait3A_241 : memref<1792xf32, #tpu.memory_space<hbm>>) dst(%dma_wait3A_240 : memref<1792xf32, #tpu.memory_space<vmem>>)
      %dma_wait3A_242 = arith.constant 1792 : i32
      %dma_wait3A_243 = tpu.memref_slice %arg5[%dma_wait3A_242] : memref<10752xf32, #tpu.memory_space<vmem>> -> memref<1792xf32, #tpu.memory_space<vmem>>
      %dma_wait3A_244 = tpu.memref_slice %arg2[%add3A_98] : memref<9633792xf32, #tpu.memory_space<hbm>> -> memref<1792xf32, #tpu.memory_space<hbm>>
      %dma_wait3A_245 = arith.constant 1792 : i32
      %dma_wait3A_246 = tpu.memref_slice %arg5[%dma_wait3A_245] : memref<10752xf32, #tpu.memory_space<vmem>> -> memref<1792xf32, #tpu.memory_space<vmem>>
      %dma_wait3A_247 = tpu.memref_slice %arg2[%add3A_98] : memref<9633792xf32, #tpu.memory_space<hbm>> -> memref<1792xf32, #tpu.memory_space<hbm>>
      tpu.wait_dma2 semaphore(%arg12 : memref<!tpu.dma_semaphore, #tpu.memory_space<semaphore_mem>>) src(%dma_wait3A_247 : memref<1792xf32, #tpu.memory_space<hbm>>) dst(%dma_wait3A_246 : memref<1792xf32, #tpu.memory_space<vmem>>)
      %dma_wait3A_248 = arith.constant 3584 : i32
      %dma_wait3A_249 = tpu.memref_slice %arg5[%dma_wait3A_248] : memref<10752xf32, #tpu.memory_space<vmem>> -> memref<1792xf32, #tpu.memory_space<vmem>>
      %dma_wait3A_250 = tpu.memref_slice %arg2[%add3A_106] : memref<9633792xf32, #tpu.memory_space<hbm>> -> memref<1792xf32, #tpu.memory_space<hbm>>
      %dma_wait3A_251 = arith.constant 3584 : i32
      %dma_wait3A_252 = tpu.memref_slice %arg5[%dma_wait3A_251] : memref<10752xf32, #tpu.memory_space<vmem>> -> memref<1792xf32, #tpu.memory_space<vmem>>
      %dma_wait3A_253 = tpu.memref_slice %arg2[%add3A_106] : memref<9633792xf32, #tpu.memory_space<hbm>> -> memref<1792xf32, #tpu.memory_space<hbm>>
      tpu.wait_dma2 semaphore(%arg12 : memref<!tpu.dma_semaphore, #tpu.memory_space<semaphore_mem>>) src(%dma_wait3A_253 : memref<1792xf32, #tpu.memory_space<hbm>>) dst(%dma_wait3A_252 : memref<1792xf32, #tpu.memory_space<vmem>>)
      %dma_wait3A_254 = arith.constant 5376 : i32
      %dma_wait3A_255 = tpu.memref_slice %arg5[%dma_wait3A_254] : memref<10752xf32, #tpu.memory_space<vmem>> -> memref<1792xf32, #tpu.memory_space<vmem>>
      %dma_wait3A_256 = tpu.memref_slice %arg2[%add3A_114] : memref<9633792xf32, #tpu.memory_space<hbm>> -> memref<1792xf32, #tpu.memory_space<hbm>>
      %dma_wait3A_257 = arith.constant 5376 : i32
      %dma_wait3A_258 = tpu.memref_slice %arg5[%dma_wait3A_257] : memref<10752xf32, #tpu.memory_space<vmem>> -> memref<1792xf32, #tpu.memory_space<vmem>>
      %dma_wait3A_259 = tpu.memref_slice %arg2[%add3A_114] : memref<9633792xf32, #tpu.memory_space<hbm>> -> memref<1792xf32, #tpu.memory_space<hbm>>
      tpu.wait_dma2 semaphore(%arg12 : memref<!tpu.dma_semaphore, #tpu.memory_space<semaphore_mem>>) src(%dma_wait3A_259 : memref<1792xf32, #tpu.memory_space<hbm>>) dst(%dma_wait3A_258 : memref<1792xf32, #tpu.memory_space<vmem>>)
      %dma_wait3A_260 = arith.constant 7168 : i32
      %dma_wait3A_261 = tpu.memref_slice %arg5[%dma_wait3A_260] : memref<10752xf32, #tpu.memory_space<vmem>> -> memref<1792xf32, #tpu.memory_space<vmem>>
      %dma_wait3A_262 = tpu.memref_slice %arg2[%add3A_122] : memref<9633792xf32, #tpu.memory_space<hbm>> -> memref<1792xf32, #tpu.memory_space<hbm>>
      %dma_wait3A_263 = arith.constant 7168 : i32
      %dma_wait3A_264 = tpu.memref_slice %arg5[%dma_wait3A_263] : memref<10752xf32, #tpu.memory_space<vmem>> -> memref<1792xf32, #tpu.memory_space<vmem>>
      %dma_wait3A_265 = tpu.memref_slice %arg2[%add3A_122] : memref<9633792xf32, #tpu.memory_space<hbm>> -> memref<1792xf32, #tpu.memory_space<hbm>>
      tpu.wait_dma2 semaphore(%arg12 : memref<!tpu.dma_semaphore, #tpu.memory_space<semaphore_mem>>) src(%dma_wait3A_265 : memref<1792xf32, #tpu.memory_space<hbm>>) dst(%dma_wait3A_264 : memref<1792xf32, #tpu.memory_space<vmem>>)
      %dma_wait3A_266 = arith.constant 8960 : i32
      %dma_wait3A_267 = tpu.memref_slice %arg5[%dma_wait3A_266] : memref<10752xf32, #tpu.memory_space<vmem>> -> memref<1792xf32, #tpu.memory_space<vmem>>
      %dma_wait3A_268 = tpu.memref_slice %arg2[%add3A_130] : memref<9633792xf32, #tpu.memory_space<hbm>> -> memref<1792xf32, #tpu.memory_space<hbm>>
      %dma_wait3A_269 = arith.constant 8960 : i32
      %dma_wait3A_270 = tpu.memref_slice %arg5[%dma_wait3A_269] : memref<10752xf32, #tpu.memory_space<vmem>> -> memref<1792xf32, #tpu.memory_space<vmem>>
      %dma_wait3A_271 = tpu.memref_slice %arg2[%add3A_130] : memref<9633792xf32, #tpu.memory_space<hbm>> -> memref<1792xf32, #tpu.memory_space<hbm>>
      tpu.wait_dma2 semaphore(%arg12 : memref<!tpu.dma_semaphore, #tpu.memory_space<semaphore_mem>>) src(%dma_wait3A_271 : memref<1792xf32, #tpu.memory_space<hbm>>) dst(%dma_wait3A_270 : memref<1792xf32, #tpu.memory_space<vmem>>)
      %scan3A_272 = arith.constant 0 : i32
      %scan3A_273 = arith.constant 112 : i32
      %scan3A_274 = arith.addi %scan3A_272, %scan3A_273 : i32
      %scan3A_275 = arith.constant 1 : i32
      scf.for %scan3A_780 = %scan3A_272 to %scan3A_274 step %scan3A_275  : i32 {
        %mul3A_781 = arith.constant 1 : i32
        %mul3A_782 = arith.muli %scan3A_780, %mul3A_781 : i32
        %add3A_783 = arith.constant 0 : i32
        %add3A_784 = arith.addi %add3A_783, %mul3A_782 : i32
        %mul3A_785 = arith.constant 16 : i32
        %mul3A_786 = arith.muli %add3A_784, %mul3A_785 : i32
        %get3A = arith.index_cast %mul3A_786 : i32 to index
        %get3A_787 = tpu.vector_load %arg5[%get3A] {strides = array<i32>} : memref<10752xf32, #tpu.memory_space<vmem>>, vector<16xf32>,
        %add3A_788 = arith.constant 1792 : i32
        %add3A_789 = arith.addi %add3A_788, %mul3A_786 : i32
        %get3A_790 = arith.index_cast %add3A_789 : i32 to index
        %get3A_791 = tpu.vector_load %arg5[%get3A_790] {strides = array<i32>} : memref<10752xf32, #tpu.memory_space<vmem>>, vector<16xf32>,
        %add3A_792 = arith.constant 3584 : i32
        %add3A_793 = arith.addi %add3A_792, %mul3A_786 : i32
        %get3A_794 = arith.index_cast %add3A_793 : i32 to index
        %get3A_795 = tpu.vector_load %arg5[%get3A_794] {strides = array<i32>} : memref<10752xf32, #tpu.memory_space<vmem>>, vector<16xf32>,
        %add3A_796 = arith.constant 5376 : i32
        %add3A_797 = arith.addi %add3A_796, %mul3A_786 : i32
        %get3A_798 = arith.index_cast %add3A_797 : i32 to index
        %get3A_799 = tpu.vector_load %arg5[%get3A_798] {strides = array<i32>} : memref<10752xf32, #tpu.memory_space<vmem>>, vector<16xf32>,
        %add3A_800 = arith.constant 7168 : i32
        %add3A_801 = arith.addi %add3A_800, %mul3A_786 : i32
        %get3A_802 = arith.index_cast %add3A_801 : i32 to index
        %get3A_803 = tpu.vector_load %arg5[%get3A_802] {strides = array<i32>} : memref<10752xf32, #tpu.memory_space<vmem>>, vector<16xf32>,
        %add3A_804 = arith.constant 8960 : i32
        %add3A_805 = arith.addi %add3A_804, %mul3A_786 : i32
        %get3A_806 = arith.index_cast %add3A_805 : i32 to index
        %get3A_807 = tpu.vector_load %arg5[%get3A_806] {strides = array<i32>} : memref<10752xf32, #tpu.memory_space<vmem>>, vector<16xf32>,
        %sub3A_808 = arith.constant 1.000000e+00 : f32
        %sub3A_809 = vector.broadcast %sub3A_808 : f32 to vector<16xf32>
        %sub3A_810 = arith.subf %sub3A_809, %get3A_787 : vector<16xf32>
        %mul3A_811 = arith.mulf %sub3A_810, %get3A_799 : vector<16xf32>
        %add3A_812 = arith.addf %get3A_791, %mul3A_811 : vector<16xf32>
        %mul3A_813 = arith.mulf %sub3A_810, %get3A_803 : vector<16xf32>
        %add3A_814 = arith.addf %get3A_795, %mul3A_813 : vector<16xf32>
        %add3A_815 = arith.constant 5.120000e+02 : f32
        %add3A_816 = vector.broadcast %add3A_815 : f32 to vector<16xf32>
        %add3A_817 = arith.addf %add3A_812, %add3A_816 : vector<16xf32>
        %convert_element_type3A = arith.fptosi %add3A_817 : vector<16xf32> to vector<16xi32>
        %convert_element_type3A_818 = arith.sitofp %convert_element_type3A : vector<16xi32> to vector<16xf32>
        %sub3A_819 = arith.constant 5.120000e+02 : f32
        %sub3A_820 = vector.broadcast %sub3A_819 : f32 to vector<16xf32>
        %sub3A_821 = arith.subf %convert_element_type3A_818, %sub3A_820 : vector<16xf32>
        %sub3A_822 = arith.subf %add3A_812, %sub3A_821 : vector<16xf32>
        %add3A_823 = arith.constant 5.120000e+02 : f32
        %add3A_824 = vector.broadcast %add3A_823 : f32 to vector<16xf32>
        %add3A_825 = arith.addf %add3A_814, %add3A_824 : vector<16xf32>
        %convert_element_type3A_826 = arith.fptosi %add3A_825 : vector<16xf32> to vector<16xi32>
        %convert_element_type3A_827 = arith.sitofp %convert_element_type3A_826 : vector<16xi32> to vector<16xf32>
        %sub3A_828 = arith.constant 5.120000e+02 : f32
        %sub3A_829 = vector.broadcast %sub3A_828 : f32 to vector<16xf32>
        %sub3A_830 = arith.subf %convert_element_type3A_827, %sub3A_829 : vector<16xf32>
        %sub3A_831 = arith.subf %add3A_814, %sub3A_830 : vector<16xf32>
        %sub3A_832 = arith.constant 504 : i32
        %sub3A_833 = vector.broadcast %sub3A_832 : i32 to vector<16xi32>
        %sub3A_834 = arith.subi %convert_element_type3A, %sub3A_833 : vector<16xi32>
        %max3A = arith.constant 0 : i32
        %max3A_835 = vector.broadcast %max3A : i32 to vector<16xi32>
        %max3A_836 = arith.maxsi %sub3A_834, %max3A_835 : vector<16xi32>
        %min3A = arith.constant 494 : i32
        %min3A_837 = vector.broadcast %min3A : i32 to vector<16xi32>
        %min3A_838 = arith.minsi %max3A_836, %min3A_837 : vector<16xi32>
        %sub3A_839 = arith.constant 512 : i32
        %sub3A_840 = vector.broadcast %sub3A_839 : i32 to vector<16xi32>
        %sub3A_841 = arith.subi %convert_element_type3A_826, %sub3A_840 : vector<16xi32>
        %ge3A = arith.constant 0 : i32
        %ge3A_842 = vector.broadcast %ge3A : i32 to vector<16xi32>
        %ge3A_843 = arith.cmpi sge, %sub3A_841, %ge3A_842 : vector<16xi32>
        %le3A = arith.constant 639 : i32
        %le3A_844 = vector.broadcast %le3A : i32 to vector<16xi32>
        %le3A_845 = arith.cmpi sle, %sub3A_841, %le3A_844 : vector<16xi32>
        %and3A_846 = arith.andi %ge3A_843, %le3A_845 : vector<16xi1>
        %ge3A_847 = arith.constant -1 : i32
        %ge3A_848 = vector.broadcast %ge3A_847 : i32 to vector<16xi32>
        %ge3A_849 = arith.cmpi sge, %sub3A_841, %ge3A_848 : vector<16xi32>
        %le3A_850 = arith.constant 638 : i32
        %le3A_851 = vector.broadcast %le3A_850 : i32 to vector<16xi32>
        %le3A_852 = arith.cmpi sle, %sub3A_841, %le3A_851 : vector<16xi32>
        %and3A_853 = arith.andi %ge3A_849, %le3A_852 : vector<16xi1>
        %max3A_854 = arith.constant 0 : i32
        %max3A_855 = vector.broadcast %max3A_854 : i32 to vector<16xi32>
        %max3A_856 = arith.maxsi %sub3A_841, %max3A_855 : vector<16xi32>
        %min3A_857 = arith.constant 639 : i32
        %min3A_858 = vector.broadcast %min3A_857 : i32 to vector<16xi32>
        %min3A_859 = arith.minsi %max3A_856, %min3A_858 : vector<16xi32>
        %add3A_860 = arith.constant 1 : i32
        %add3A_861 = vector.broadcast %add3A_860 : i32 to vector<16xi32>
        %add3A_862 = arith.addi %sub3A_841, %add3A_861 : vector<16xi32>
        %max3A_863 = arith.constant 0 : i32
        %max3A_864 = vector.broadcast %max3A_863 : i32 to vector<16xi32>
        %max3A_865 = arith.maxsi %add3A_862, %max3A_864 : vector<16xi32>
        %min3A_866 = arith.constant 639 : i32
        %min3A_867 = vector.broadcast %min3A_866 : i32 to vector<16xi32>
        %min3A_868 = arith.minsi %max3A_865, %min3A_867 : vector<16xi32>
        %convert_element_type3A_869 = arith.fptosi %get3A_807 : vector<16xf32> to vector<16xi32>
        %sub3A_870 = arith.constant 1 : i32
        %sub3A_871 = vector.broadcast %sub3A_870 : i32 to vector<16xi32>
        %sub3A_872 = arith.subi %sub3A_871, %convert_element_type3A_869 : vector<16xi32>
        %mul3A_873 = arith.constant 317440 : i32
        %mul3A_874 = vector.broadcast %mul3A_873 : i32 to vector<16xi32>
        %mul3A_875 = arith.muli %sub3A_872, %mul3A_874 : vector<16xi32>
        %mul3A_876 = arith.constant 640 : i32
        %mul3A_877 = vector.broadcast %mul3A_876 : i32 to vector<16xi32>
        %mul3A_878 = arith.muli %min3A_838, %mul3A_877 : vector<16xi32>
        %add3A_879 = arith.addi %mul3A_875, %mul3A_878 : vector<16xi32>
        %sub3A_880 = arith.constant 1.000000e+00 : f32
        %sub3A_881 = vector.broadcast %sub3A_880 : f32 to vector<16xf32>
        %sub3A_882 = arith.subf %sub3A_881, %sub3A_822 : vector<16xf32>
        %sub3A_883 = arith.constant 1.000000e+00 : f32
        %sub3A_884 = vector.broadcast %sub3A_883 : f32 to vector<16xf32>
        %sub3A_885 = arith.subf %sub3A_884, %sub3A_831 : vector<16xf32>
        %broadcast_in_dim3A = arith.constant 0.000000e+00 : f32
        %broadcast_in_dim3A_886 = vector.broadcast %broadcast_in_dim3A : f32 to vector<16xf32>
        %mul3A_887 = arith.constant 64 : i32
        %mul3A_888 = arith.muli %add3A_784, %mul3A_887 : i32
        %add3A_889 = arith.addi %add3A_879, %min3A_859 : vector<16xi32>
        %swap3A = arith.index_cast %mul3A_888 : i32 to index
        %swap3A_890 = tpu.vector_load %arg7[%swap3A] {strides = array<i32>} : memref<7168xi32, #tpu.memory_space<vmem>>, vector<16xi32>,
        tpu.vector_store %arg7[%swap3A], %add3A_889 {strides = array<i32>} : memref<7168xi32, #tpu.memory_space<vmem>>, vector<16xi32>,
        %mul3A_891 = arith.mulf %sub3A_882, %sub3A_885 : vector<16xf32>
        %select_n3A_892 = arith.select %and3A_846, %mul3A_891, %broadcast_in_dim3A_886 : vector<16xi1>, vector<16xf32>
        %swap3A_893 = arith.index_cast %mul3A_888 : i32 to index
        %swap3A_894 = tpu.vector_load %arg9[%swap3A_893] {strides = array<i32>} : memref<7168xf32, #tpu.memory_space<vmem>>, vector<16xf32>,
        tpu.vector_store %arg9[%swap3A_893], %select_n3A_892 {strides = array<i32>} : memref<7168xf32, #tpu.memory_space<vmem>>, vector<16xf32>,
        %add3A_895 = arith.addi %add3A_879, %min3A_868 : vector<16xi32>
        %add3A_896 = arith.constant 16 : i32
        %add3A_897 = arith.addi %mul3A_888, %add3A_896 : i32
        %swap3A_898 = arith.index_cast %add3A_897 : i32 to index
        %swap3A_899 = tpu.vector_load %arg7[%swap3A_898] {strides = array<i32>} : memref<7168xi32, #tpu.memory_space<vmem>>, vector<16xi32>,
        tpu.vector_store %arg7[%swap3A_898], %add3A_895 {strides = array<i32>} : memref<7168xi32, #tpu.memory_space<vmem>>, vector<16xi32>,
        %mul3A_900 = arith.mulf %sub3A_882, %sub3A_831 : vector<16xf32>
        %select_n3A_901 = arith.select %and3A_853, %mul3A_900, %broadcast_in_dim3A_886 : vector<16xi1>, vector<16xf32>
        %add3A_902 = arith.constant 16 : i32
        %add3A_903 = arith.addi %mul3A_888, %add3A_902 : i32
        %swap3A_904 = arith.index_cast %add3A_903 : i32 to index
        %swap3A_905 = tpu.vector_load %arg9[%swap3A_904] {strides = array<i32>} : memref<7168xf32, #tpu.memory_space<vmem>>, vector<16xf32>,
        tpu.vector_store %arg9[%swap3A_904], %select_n3A_901 {strides = array<i32>} : memref<7168xf32, #tpu.memory_space<vmem>>, vector<16xf32>,
        %add3A_906 = arith.constant 640 : i32
        %add3A_907 = vector.broadcast %add3A_906 : i32 to vector<16xi32>
        %add3A_908 = arith.addi %add3A_879, %add3A_907 : vector<16xi32>
        %add3A_909 = arith.addi %add3A_908, %min3A_859 : vector<16xi32>
        %add3A_910 = arith.constant 32 : i32
        %add3A_911 = arith.addi %mul3A_888, %add3A_910 : i32
        %swap3A_912 = arith.index_cast %add3A_911 : i32 to index
        %swap3A_913 = tpu.vector_load %arg7[%swap3A_912] {strides = array<i32>} : memref<7168xi32, #tpu.memory_space<vmem>>, vector<16xi32>,
        tpu.vector_store %arg7[%swap3A_912], %add3A_909 {strides = array<i32>} : memref<7168xi32, #tpu.memory_space<vmem>>, vector<16xi32>,
        %mul3A_914 = arith.mulf %sub3A_822, %sub3A_885 : vector<16xf32>
        %select_n3A_915 = arith.select %and3A_846, %mul3A_914, %broadcast_in_dim3A_886 : vector<16xi1>, vector<16xf32>
        %add3A_916 = arith.constant 32 : i32
        %add3A_917 = arith.addi %mul3A_888, %add3A_916 : i32
        %swap3A_918 = arith.index_cast %add3A_917 : i32 to index
        %swap3A_919 = tpu.vector_load %arg9[%swap3A_918] {strides = array<i32>} : memref<7168xf32, #tpu.memory_space<vmem>>, vector<16xf32>,
        tpu.vector_store %arg9[%swap3A_918], %select_n3A_915 {strides = array<i32>} : memref<7168xf32, #tpu.memory_space<vmem>>, vector<16xf32>,
        %add3A_920 = arith.constant 640 : i32
        %add3A_921 = vector.broadcast %add3A_920 : i32 to vector<16xi32>
        %add3A_922 = arith.addi %add3A_879, %add3A_921 : vector<16xi32>
        %add3A_923 = arith.addi %add3A_922, %min3A_868 : vector<16xi32>
        %add3A_924 = arith.constant 48 : i32
        %add3A_925 = arith.addi %mul3A_888, %add3A_924 : i32
        %swap3A_926 = arith.index_cast %add3A_925 : i32 to index
        %swap3A_927 = tpu.vector_load %arg7[%swap3A_926] {strides = array<i32>} : memref<7168xi32, #tpu.memory_space<vmem>>, vector<16xi32>,
        tpu.vector_store %arg7[%swap3A_926], %add3A_923 {strides = array<i32>} : memref<7168xi32, #tpu.memory_space<vmem>>, vector<16xi32>,
        %mul3A_928 = arith.mulf %sub3A_822, %sub3A_831 : vector<16xf32>
        %select_n3A_929 = arith.select %and3A_853, %mul3A_928, %broadcast_in_dim3A_886 : vector<16xi1>, vector<16xf32>
        %add3A_930 = arith.constant 48 : i32
        %add3A_931 = arith.addi %mul3A_888, %add3A_930 : i32
        %swap3A_932 = arith.index_cast %add3A_931 : i32 to index
        %swap3A_933 = tpu.vector_load %arg9[%swap3A_932] {strides = array<i32>} : memref<7168xf32, #tpu.memory_space<vmem>>, vector<16xf32>,
        tpu.vector_store %arg9[%swap3A_932], %select_n3A_929 {strides = array<i32>} : memref<7168xf32, #tpu.memory_space<vmem>>, vector<16xf32>,
      }
      %scan3A_276 = arith.constant 112 : i32
      %dma_start3A_277 = arith.constant 0 : i32
      %dma_start3A_278 = tpu.memref_slice %arg10[%dma_start3A_277] : memref<634880xf32, #tpu.memory_space<vmem_shared>> -> memref<634880xf32, #tpu.memory_space<vmem_shared>>
      tpu.enqueue_indirect_dma source(%arg9 : memref<7168xf32, #tpu.memory_space<vmem>>) target(%dma_start3A_278 : memref<634880xf32, #tpu.memory_space<vmem_shared>>) offsets(%arg7 : memref<7168xi32, #tpu.memory_space<vmem>>) semaphore(%arg14 : memref<!tpu.dma_semaphore, #tpu.memory_space<semaphore_mem>>) {add = true}
      %add3A_279 = arith.constant 48 : i32
      %add3A_280 = arith.addi %arg1, %add3A_279 : i32
      %mul3A_281 = arith.constant 1792 : i32
      %mul3A_282 = arith.muli %add3A_280, %mul3A_281 : i32
      %mul3A_283 = arith.constant 6 : i32
      %mul3A_284 = arith.muli %add3A_9, %mul3A_283 : i32
      %mul3A_285 = arith.constant 200704 : i32
      %mul3A_286 = arith.muli %mul3A_284, %mul3A_285 : i32
      %add3A_287 = arith.addi %mul3A_286, %mul3A_282 : i32
      %add3A_288 = arith.constant 0 : i32
      %add3A_289 = arith.addi %add3A_287, %add3A_288 : i32
      %dma_start3A_290 = arith.constant 0 : i32
      %dma_start3A_291 = tpu.memref_slice %arg5[%dma_start3A_290] : memref<10752xf32, #tpu.memory_space<vmem>> -> memref<1792xf32, #tpu.memory_space<vmem>>
      %dma_start3A_292 = tpu.memref_slice %arg2[%add3A_289] : memref<9633792xf32, #tpu.memory_space<hbm>> -> memref<1792xf32, #tpu.memory_space<hbm>>
      %dma_start3A_293 = arith.constant 0 : i32
      %dma_start3A_294 = tpu.memref_slice %arg5[%dma_start3A_293] : memref<10752xf32, #tpu.memory_space<vmem>> -> memref<1792xf32, #tpu.memory_space<vmem>>
      %dma_start3A_295 = tpu.memref_slice %arg2[%add3A_289] : memref<9633792xf32, #tpu.memory_space<hbm>> -> memref<1792xf32, #tpu.memory_space<hbm>>
      tpu.enqueue_dma source(%dma_start3A_295 : memref<1792xf32, #tpu.memory_space<hbm>>) target(%dma_start3A_294 : memref<1792xf32, #tpu.memory_space<vmem>>) target_semaphore(%arg12 : memref<!tpu.dma_semaphore, #tpu.memory_space<semaphore_mem>>)
      %add3A_296 = arith.constant 200704 : i32
      %add3A_297 = arith.addi %add3A_287, %add3A_296 : i32
      %dma_start3A_298 = arith.constant 1792 : i32
      %dma_start3A_299 = tpu.memref_slice %arg5[%dma_start3A_298] : memref<10752xf32, #tpu.memory_space<vmem>> -> memref<1792xf32, #tpu.memory_space<vmem>>
      %dma_start3A_300 = tpu.memref_slice %arg2[%add3A_297] : memref<9633792xf32, #tpu.memory_space<hbm>> -> memref<1792xf32, #tpu.memory_space<hbm>>
      %dma_start3A_301 = arith.constant 1792 : i32
      %dma_start3A_302 = tpu.memref_slice %arg5[%dma_start3A_301] : memref<10752xf32, #tpu.memory_space<vmem>> -> memref<1792xf32, #tpu.memory_space<vmem>>
      %dma_start3A_303 = tpu.memref_slice %arg2[%add3A_297] : memref<9633792xf32, #tpu.memory_space<hbm>> -> memref<1792xf32, #tpu.memory_space<hbm>>
      tpu.enqueue_dma source(%dma_start3A_303 : memref<1792xf32, #tpu.memory_space<hbm>>) target(%dma_start3A_302 : memref<1792xf32, #tpu.memory_space<vmem>>) target_semaphore(%arg12 : memref<!tpu.dma_semaphore, #tpu.memory_space<semaphore_mem>>)
      %add3A_304 = arith.constant 401408 : i32
      %add3A_305 = arith.addi %add3A_287, %add3A_304 : i32
      %dma_start3A_306 = arith.constant 3584 : i32
      %dma_start3A_307 = tpu.memref_slice %arg5[%dma_start3A_306] : memref<10752xf32, #tpu.memory_space<vmem>> -> memref<1792xf32, #tpu.memory_space<vmem>>
      %dma_start3A_308 = tpu.memref_slice %arg2[%add3A_305] : memref<9633792xf32, #tpu.memory_space<hbm>> -> memref<1792xf32, #tpu.memory_space<hbm>>
      %dma_start3A_309 = arith.constant 3584 : i32
      %dma_start3A_310 = tpu.memref_slice %arg5[%dma_start3A_309] : memref<10752xf32, #tpu.memory_space<vmem>> -> memref<1792xf32, #tpu.memory_space<vmem>>
      %dma_start3A_311 = tpu.memref_slice %arg2[%add3A_305] : memref<9633792xf32, #tpu.memory_space<hbm>> -> memref<1792xf32, #tpu.memory_space<hbm>>
      tpu.enqueue_dma source(%dma_start3A_311 : memref<1792xf32, #tpu.memory_space<hbm>>) target(%dma_start3A_310 : memref<1792xf32, #tpu.memory_space<vmem>>) target_semaphore(%arg12 : memref<!tpu.dma_semaphore, #tpu.memory_space<semaphore_mem>>)
      %add3A_312 = arith.constant 602112 : i32
      %add3A_313 = arith.addi %add3A_287, %add3A_312 : i32
      %dma_start3A_314 = arith.constant 5376 : i32
      %dma_start3A_315 = tpu.memref_slice %arg5[%dma_start3A_314] : memref<10752xf32, #tpu.memory_space<vmem>> -> memref<1792xf32, #tpu.memory_space<vmem>>
      %dma_start3A_316 = tpu.memref_slice %arg2[%add3A_313] : memref<9633792xf32, #tpu.memory_space<hbm>> -> memref<1792xf32, #tpu.memory_space<hbm>>
      %dma_start3A_317 = arith.constant 5376 : i32
      %dma_start3A_318 = tpu.memref_slice %arg5[%dma_start3A_317] : memref<10752xf32, #tpu.memory_space<vmem>> -> memref<1792xf32, #tpu.memory_space<vmem>>
      %dma_start3A_319 = tpu.memref_slice %arg2[%add3A_313] : memref<9633792xf32, #tpu.memory_space<hbm>> -> memref<1792xf32, #tpu.memory_space<hbm>>
      tpu.enqueue_dma source(%dma_start3A_319 : memref<1792xf32, #tpu.memory_space<hbm>>) target(%dma_start3A_318 : memref<1792xf32, #tpu.memory_space<vmem>>) target_semaphore(%arg12 : memref<!tpu.dma_semaphore, #tpu.memory_space<semaphore_mem>>)
      %add3A_320 = arith.constant 802816 : i32
      %add3A_321 = arith.addi %add3A_287, %add3A_320 : i32
      %dma_start3A_322 = arith.constant 7168 : i32
      %dma_start3A_323 = tpu.memref_slice %arg5[%dma_start3A_322] : memref<10752xf32, #tpu.memory_space<vmem>> -> memref<1792xf32, #tpu.memory_space<vmem>>
      %dma_start3A_324 = tpu.memref_slice %arg2[%add3A_321] : memref<9633792xf32, #tpu.memory_space<hbm>> -> memref<1792xf32, #tpu.memory_space<hbm>>
      %dma_start3A_325 = arith.constant 7168 : i32
      %dma_start3A_326 = tpu.memref_slice %arg5[%dma_start3A_325] : memref<10752xf32, #tpu.memory_space<vmem>> -> memref<1792xf32, #tpu.memory_space<vmem>>
      %dma_start3A_327 = tpu.memref_slice %arg2[%add3A_321] : memref<9633792xf32, #tpu.memory_space<hbm>> -> memref<1792xf32, #tpu.memory_space<hbm>>
      tpu.enqueue_dma source(%dma_start3A_327 : memref<1792xf32, #tpu.memory_space<hbm>>) target(%dma_start3A_326 : memref<1792xf32, #tpu.memory_space<vmem>>) target_semaphore(%arg12 : memref<!tpu.dma_semaphore, #tpu.memory_space<semaphore_mem>>)
      %add3A_328 = arith.constant 1003520 : i32
      %add3A_329 = arith.addi %add3A_287, %add3A_328 : i32
      %dma_start3A_330 = arith.constant 8960 : i32
      %dma_start3A_331 = tpu.memref_slice %arg5[%dma_start3A_330] : memref<10752xf32, #tpu.memory_space<vmem>> -> memref<1792xf32, #tpu.memory_space<vmem>>
      %dma_start3A_332 = tpu.memref_slice %arg2[%add3A_329] : memref<9633792xf32, #tpu.memory_space<hbm>> -> memref<1792xf32, #tpu.memory_space<hbm>>
      %dma_start3A_333 = arith.constant 8960 : i32
      %dma_start3A_334 = tpu.memref_slice %arg5[%dma_start3A_333] : memref<10752xf32, #tpu.memory_space<vmem>> -> memref<1792xf32, #tpu.memory_space<vmem>>
      %dma_start3A_335 = tpu.memref_slice %arg2[%add3A_329] : memref<9633792xf32, #tpu.memory_space<hbm>> -> memref<1792xf32, #tpu.memory_space<hbm>>
      tpu.enqueue_dma source(%dma_start3A_335 : memref<1792xf32, #tpu.memory_space<hbm>>) target(%dma_start3A_334 : memref<1792xf32, #tpu.memory_space<vmem>>) target_semaphore(%arg12 : memref<!tpu.dma_semaphore, #tpu.memory_space<semaphore_mem>>)
      %dma_wait3A_336 = arith.constant 0 : i32
      %dma_wait3A_337 = tpu.memref_slice %arg4[%dma_wait3A_336] : memref<10752xf32, #tpu.memory_space<vmem>> -> memref<1792xf32, #tpu.memory_space<vmem>>
      %dma_wait3A_338 = tpu.memref_slice %arg2[%add3A_189] : memref<9633792xf32, #tpu.memory_space<hbm>> -> memref<1792xf32, #tpu.memory_space<hbm>>
      %dma_wait3A_339 = arith.constant 0 : i32
      %dma_wait3A_340 = tpu.memref_slice %arg4[%dma_wait3A_339] : memref<10752xf32, #tpu.memory_space<vmem>> -> memref<1792xf32, #tpu.memory_space<vmem>>
      %dma_wait3A_341 = tpu.memref_slice %arg2[%add3A_189] : memref<9633792xf32, #tpu.memory_space<hbm>> -> memref<1792xf32, #tpu.memory_space<hbm>>
      tpu.wait_dma2 semaphore(%arg11 : memref<!tpu.dma_semaphore, #tpu.memory_space<semaphore_mem>>) src(%dma_wait3A_341 : memref<1792xf32, #tpu.memory_space<hbm>>) dst(%dma_wait3A_340 : memref<1792xf32, #tpu.memory_space<vmem>>)
      %dma_wait3A_342 = arith.constant 1792 : i32
      %dma_wait3A_343 = tpu.memref_slice %arg4[%dma_wait3A_342] : memref<10752xf32, #tpu.memory_space<vmem>> -> memref<1792xf32, #tpu.memory_space<vmem>>
      %dma_wait3A_344 = tpu.memref_slice %arg2[%add3A_197] : memref<9633792xf32, #tpu.memory_space<hbm>> -> memref<1792xf32, #tpu.memory_space<hbm>>
      %dma_wait3A_345 = arith.constant 1792 : i32
      %dma_wait3A_346 = tpu.memref_slice %arg4[%dma_wait3A_345] : memref<10752xf32, #tpu.memory_space<vmem>> -> memref<1792xf32, #tpu.memory_space<vmem>>
      %dma_wait3A_347 = tpu.memref_slice %arg2[%add3A_197] : memref<9633792xf32, #tpu.memory_space<hbm>> -> memref<1792xf32, #tpu.memory_space<hbm>>
      tpu.wait_dma2 semaphore(%arg11 : memref<!tpu.dma_semaphore, #tpu.memory_space<semaphore_mem>>) src(%dma_wait3A_347 : memref<1792xf32, #tpu.memory_space<hbm>>) dst(%dma_wait3A_346 : memref<1792xf32, #tpu.memory_space<vmem>>)
      %dma_wait3A_348 = arith.constant 3584 : i32
      %dma_wait3A_349 = tpu.memref_slice %arg4[%dma_wait3A_348] : memref<10752xf32, #tpu.memory_space<vmem>> -> memref<1792xf32, #tpu.memory_space<vmem>>
      %dma_wait3A_350 = tpu.memref_slice %arg2[%add3A_205] : memref<9633792xf32, #tpu.memory_space<hbm>> -> memref<1792xf32, #tpu.memory_space<hbm>>
      %dma_wait3A_351 = arith.constant 3584 : i32
      %dma_wait3A_352 = tpu.memref_slice %arg4[%dma_wait3A_351] : memref<10752xf32, #tpu.memory_space<vmem>> -> memref<1792xf32, #tpu.memory_space<vmem>>
      %dma_wait3A_353 = tpu.memref_slice %arg2[%add3A_205] : memref<9633792xf32, #tpu.memory_space<hbm>> -> memref<1792xf32, #tpu.memory_space<hbm>>
      tpu.wait_dma2 semaphore(%arg11 : memref<!tpu.dma_semaphore, #tpu.memory_space<semaphore_mem>>) src(%dma_wait3A_353 : memref<1792xf32, #tpu.memory_space<hbm>>) dst(%dma_wait3A_352 : memref<1792xf32, #tpu.memory_space<vmem>>)
      %dma_wait3A_354 = arith.constant 5376 : i32
      %dma_wait3A_355 = tpu.memref_slice %arg4[%dma_wait3A_354] : memref<10752xf32, #tpu.memory_space<vmem>> -> memref<1792xf32, #tpu.memory_space<vmem>>
      %dma_wait3A_356 = tpu.memref_slice %arg2[%add3A_213] : memref<9633792xf32, #tpu.memory_space<hbm>> -> memref<1792xf32, #tpu.memory_space<hbm>>
      %dma_wait3A_357 = arith.constant 5376 : i32
      %dma_wait3A_358 = tpu.memref_slice %arg4[%dma_wait3A_357] : memref<10752xf32, #tpu.memory_space<vmem>> -> memref<1792xf32, #tpu.memory_space<vmem>>
      %dma_wait3A_359 = tpu.memref_slice %arg2[%add3A_213] : memref<9633792xf32, #tpu.memory_space<hbm>> -> memref<1792xf32, #tpu.memory_space<hbm>>
      tpu.wait_dma2 semaphore(%arg11 : memref<!tpu.dma_semaphore, #tpu.memory_space<semaphore_mem>>) src(%dma_wait3A_359 : memref<1792xf32, #tpu.memory_space<hbm>>) dst(%dma_wait3A_358 : memref<1792xf32, #tpu.memory_space<vmem>>)
      %dma_wait3A_360 = arith.constant 7168 : i32
      %dma_wait3A_361 = tpu.memref_slice %arg4[%dma_wait3A_360] : memref<10752xf32, #tpu.memory_space<vmem>> -> memref<1792xf32, #tpu.memory_space<vmem>>
      %dma_wait3A_362 = tpu.memref_slice %arg2[%add3A_221] : memref<9633792xf32, #tpu.memory_space<hbm>> -> memref<1792xf32, #tpu.memory_space<hbm>>
      %dma_wait3A_363 = arith.constant 7168 : i32
      %dma_wait3A_364 = tpu.memref_slice %arg4[%dma_wait3A_363] : memref<10752xf32, #tpu.memory_space<vmem>> -> memref<1792xf32, #tpu.memory_space<vmem>>
      %dma_wait3A_365 = tpu.memref_slice %arg2[%add3A_221] : memref<9633792xf32, #tpu.memory_space<hbm>> -> memref<1792xf32, #tpu.memory_space<hbm>>
      tpu.wait_dma2 semaphore(%arg11 : memref<!tpu.dma_semaphore, #tpu.memory_space<semaphore_mem>>) src(%dma_wait3A_365 : memref<1792xf32, #tpu.memory_space<hbm>>) dst(%dma_wait3A_364 : memref<1792xf32, #tpu.memory_space<vmem>>)
      %dma_wait3A_366 = arith.constant 8960 : i32
      %dma_wait3A_367 = tpu.memref_slice %arg4[%dma_wait3A_366] : memref<10752xf32, #tpu.memory_space<vmem>> -> memref<1792xf32, #tpu.memory_space<vmem>>
      %dma_wait3A_368 = tpu.memref_slice %arg2[%add3A_229] : memref<9633792xf32, #tpu.memory_space<hbm>> -> memref<1792xf32, #tpu.memory_space<hbm>>
      %dma_wait3A_369 = arith.constant 8960 : i32
      %dma_wait3A_370 = tpu.memref_slice %arg4[%dma_wait3A_369] : memref<10752xf32, #tpu.memory_space<vmem>> -> memref<1792xf32, #tpu.memory_space<vmem>>
      %dma_wait3A_371 = tpu.memref_slice %arg2[%add3A_229] : memref<9633792xf32, #tpu.memory_space<hbm>> -> memref<1792xf32, #tpu.memory_space<hbm>>
      tpu.wait_dma2 semaphore(%arg11 : memref<!tpu.dma_semaphore, #tpu.memory_space<semaphore_mem>>) src(%dma_wait3A_371 : memref<1792xf32, #tpu.memory_space<hbm>>) dst(%dma_wait3A_370 : memref<1792xf32, #tpu.memory_space<vmem>>)
      %dma_wait3A_372 = arith.constant 0 : i32
      %dma_wait3A_373 = tpu.memref_slice %arg10[%dma_wait3A_372] : memref<634880xf32, #tpu.memory_space<vmem_shared>> -> memref<634880xf32, #tpu.memory_space<vmem_shared>>
      tpu.wait_indirect_dma semaphore(%arg13 : memref<!tpu.dma_semaphore, #tpu.memory_space<semaphore_mem>>) src(%arg8 : memref<7168xf32, #tpu.memory_space<vmem>>) dst(%dma_wait3A_373 : memref<634880xf32, #tpu.memory_space<vmem_shared>>)
      %scan3A_374 = arith.constant 0 : i32
      %scan3A_375 = arith.constant 112 : i32
      %scan3A_376 = arith.addi %scan3A_374, %scan3A_375 : i32
      %scan3A_377 = arith.constant 1 : i32
      scf.for %scan3A_780 = %scan3A_374 to %scan3A_376 step %scan3A_377  : i32 {
        %mul3A_781 = arith.constant 1 : i32
        %mul3A_782 = arith.muli %scan3A_780, %mul3A_781 : i32
        %add3A_783 = arith.constant 0 : i32
        %add3A_784 = arith.addi %add3A_783, %mul3A_782 : i32
        %mul3A_785 = arith.constant 16 : i32
        %mul3A_786 = arith.muli %add3A_784, %mul3A_785 : i32
        %get3A = arith.index_cast %mul3A_786 : i32 to index
        %get3A_787 = tpu.vector_load %arg4[%get3A] {strides = array<i32>} : memref<10752xf32, #tpu.memory_space<vmem>>, vector<16xf32>,
        %add3A_788 = arith.constant 1792 : i32
        %add3A_789 = arith.addi %add3A_788, %mul3A_786 : i32
        %get3A_790 = arith.index_cast %add3A_789 : i32 to index
        %get3A_791 = tpu.vector_load %arg4[%get3A_790] {strides = array<i32>} : memref<10752xf32, #tpu.memory_space<vmem>>, vector<16xf32>,
        %add3A_792 = arith.constant 3584 : i32
        %add3A_793 = arith.addi %add3A_792, %mul3A_786 : i32
        %get3A_794 = arith.index_cast %add3A_793 : i32 to index
        %get3A_795 = tpu.vector_load %arg4[%get3A_794] {strides = array<i32>} : memref<10752xf32, #tpu.memory_space<vmem>>, vector<16xf32>,
        %add3A_796 = arith.constant 5376 : i32
        %add3A_797 = arith.addi %add3A_796, %mul3A_786 : i32
        %get3A_798 = arith.index_cast %add3A_797 : i32 to index
        %get3A_799 = tpu.vector_load %arg4[%get3A_798] {strides = array<i32>} : memref<10752xf32, #tpu.memory_space<vmem>>, vector<16xf32>,
        %add3A_800 = arith.constant 7168 : i32
        %add3A_801 = arith.addi %add3A_800, %mul3A_786 : i32
        %get3A_802 = arith.index_cast %add3A_801 : i32 to index
        %get3A_803 = tpu.vector_load %arg4[%get3A_802] {strides = array<i32>} : memref<10752xf32, #tpu.memory_space<vmem>>, vector<16xf32>,
        %add3A_804 = arith.constant 8960 : i32
        %add3A_805 = arith.addi %add3A_804, %mul3A_786 : i32
        %get3A_806 = arith.index_cast %add3A_805 : i32 to index
        %get3A_807 = tpu.vector_load %arg4[%get3A_806] {strides = array<i32>} : memref<10752xf32, #tpu.memory_space<vmem>>, vector<16xf32>,
        %sub3A_808 = arith.constant 1.000000e+00 : f32
        %sub3A_809 = vector.broadcast %sub3A_808 : f32 to vector<16xf32>
        %sub3A_810 = arith.subf %sub3A_809, %get3A_787 : vector<16xf32>
        %mul3A_811 = arith.mulf %sub3A_810, %get3A_799 : vector<16xf32>
        %add3A_812 = arith.addf %get3A_791, %mul3A_811 : vector<16xf32>
        %mul3A_813 = arith.mulf %sub3A_810, %get3A_803 : vector<16xf32>
        %add3A_814 = arith.addf %get3A_795, %mul3A_813 : vector<16xf32>
        %add3A_815 = arith.constant 5.120000e+02 : f32
        %add3A_816 = vector.broadcast %add3A_815 : f32 to vector<16xf32>
        %add3A_817 = arith.addf %add3A_812, %add3A_816 : vector<16xf32>
        %convert_element_type3A = arith.fptosi %add3A_817 : vector<16xf32> to vector<16xi32>
        %convert_element_type3A_818 = arith.sitofp %convert_element_type3A : vector<16xi32> to vector<16xf32>
        %sub3A_819 = arith.constant 5.120000e+02 : f32
        %sub3A_820 = vector.broadcast %sub3A_819 : f32 to vector<16xf32>
        %sub3A_821 = arith.subf %convert_element_type3A_818, %sub3A_820 : vector<16xf32>
        %sub3A_822 = arith.subf %add3A_812, %sub3A_821 : vector<16xf32>
        %add3A_823 = arith.constant 5.120000e+02 : f32
        %add3A_824 = vector.broadcast %add3A_823 : f32 to vector<16xf32>
        %add3A_825 = arith.addf %add3A_814, %add3A_824 : vector<16xf32>
        %convert_element_type3A_826 = arith.fptosi %add3A_825 : vector<16xf32> to vector<16xi32>
        %convert_element_type3A_827 = arith.sitofp %convert_element_type3A_826 : vector<16xi32> to vector<16xf32>
        %sub3A_828 = arith.constant 5.120000e+02 : f32
        %sub3A_829 = vector.broadcast %sub3A_828 : f32 to vector<16xf32>
        %sub3A_830 = arith.subf %convert_element_type3A_827, %sub3A_829 : vector<16xf32>
        %sub3A_831 = arith.subf %add3A_814, %sub3A_830 : vector<16xf32>
        %sub3A_832 = arith.constant 504 : i32
        %sub3A_833 = vector.broadcast %sub3A_832 : i32 to vector<16xi32>
        %sub3A_834 = arith.subi %convert_element_type3A, %sub3A_833 : vector<16xi32>
        %max3A = arith.constant 0 : i32
        %max3A_835 = vector.broadcast %max3A : i32 to vector<16xi32>
        %max3A_836 = arith.maxsi %sub3A_834, %max3A_835 : vector<16xi32>
        %min3A = arith.constant 494 : i32
        %min3A_837 = vector.broadcast %min3A : i32 to vector<16xi32>
        %min3A_838 = arith.minsi %max3A_836, %min3A_837 : vector<16xi32>
        %sub3A_839 = arith.constant 512 : i32
        %sub3A_840 = vector.broadcast %sub3A_839 : i32 to vector<16xi32>
        %sub3A_841 = arith.subi %convert_element_type3A_826, %sub3A_840 : vector<16xi32>
        %ge3A = arith.constant 0 : i32
        %ge3A_842 = vector.broadcast %ge3A : i32 to vector<16xi32>
        %ge3A_843 = arith.cmpi sge, %sub3A_841, %ge3A_842 : vector<16xi32>
        %le3A = arith.constant 639 : i32
        %le3A_844 = vector.broadcast %le3A : i32 to vector<16xi32>
        %le3A_845 = arith.cmpi sle, %sub3A_841, %le3A_844 : vector<16xi32>
        %and3A_846 = arith.andi %ge3A_843, %le3A_845 : vector<16xi1>
        %ge3A_847 = arith.constant -1 : i32
        %ge3A_848 = vector.broadcast %ge3A_847 : i32 to vector<16xi32>
        %ge3A_849 = arith.cmpi sge, %sub3A_841, %ge3A_848 : vector<16xi32>
        %le3A_850 = arith.constant 638 : i32
        %le3A_851 = vector.broadcast %le3A_850 : i32 to vector<16xi32>
        %le3A_852 = arith.cmpi sle, %sub3A_841, %le3A_851 : vector<16xi32>
        %and3A_853 = arith.andi %ge3A_849, %le3A_852 : vector<16xi1>
        %max3A_854 = arith.constant 0 : i32
        %max3A_855 = vector.broadcast %max3A_854 : i32 to vector<16xi32>
        %max3A_856 = arith.maxsi %sub3A_841, %max3A_855 : vector<16xi32>
        %min3A_857 = arith.constant 639 : i32
        %min3A_858 = vector.broadcast %min3A_857 : i32 to vector<16xi32>
        %min3A_859 = arith.minsi %max3A_856, %min3A_858 : vector<16xi32>
        %add3A_860 = arith.constant 1 : i32
        %add3A_861 = vector.broadcast %add3A_860 : i32 to vector<16xi32>
        %add3A_862 = arith.addi %sub3A_841, %add3A_861 : vector<16xi32>
        %max3A_863 = arith.constant 0 : i32
        %max3A_864 = vector.broadcast %max3A_863 : i32 to vector<16xi32>
        %max3A_865 = arith.maxsi %add3A_862, %max3A_864 : vector<16xi32>
        %min3A_866 = arith.constant 639 : i32
        %min3A_867 = vector.broadcast %min3A_866 : i32 to vector<16xi32>
        %min3A_868 = arith.minsi %max3A_865, %min3A_867 : vector<16xi32>
        %convert_element_type3A_869 = arith.fptosi %get3A_807 : vector<16xf32> to vector<16xi32>
        %sub3A_870 = arith.constant 1 : i32
        %sub3A_871 = vector.broadcast %sub3A_870 : i32 to vector<16xi32>
        %sub3A_872 = arith.subi %sub3A_871, %convert_element_type3A_869 : vector<16xi32>
        %mul3A_873 = arith.constant 317440 : i32
        %mul3A_874 = vector.broadcast %mul3A_873 : i32 to vector<16xi32>
        %mul3A_875 = arith.muli %sub3A_872, %mul3A_874 : vector<16xi32>
        %mul3A_876 = arith.constant 640 : i32
        %mul3A_877 = vector.broadcast %mul3A_876 : i32 to vector<16xi32>
        %mul3A_878 = arith.muli %min3A_838, %mul3A_877 : vector<16xi32>
        %add3A_879 = arith.addi %mul3A_875, %mul3A_878 : vector<16xi32>
        %sub3A_880 = arith.constant 1.000000e+00 : f32
        %sub3A_881 = vector.broadcast %sub3A_880 : f32 to vector<16xf32>
        %sub3A_882 = arith.subf %sub3A_881, %sub3A_822 : vector<16xf32>
        %sub3A_883 = arith.constant 1.000000e+00 : f32
        %sub3A_884 = vector.broadcast %sub3A_883 : f32 to vector<16xf32>
        %sub3A_885 = arith.subf %sub3A_884, %sub3A_831 : vector<16xf32>
        %broadcast_in_dim3A = arith.constant 0.000000e+00 : f32
        %broadcast_in_dim3A_886 = vector.broadcast %broadcast_in_dim3A : f32 to vector<16xf32>
        %mul3A_887 = arith.constant 64 : i32
        %mul3A_888 = arith.muli %add3A_784, %mul3A_887 : i32
        %add3A_889 = arith.addi %add3A_879, %min3A_859 : vector<16xi32>
        %swap3A = arith.index_cast %mul3A_888 : i32 to index
        %swap3A_890 = tpu.vector_load %arg6[%swap3A] {strides = array<i32>} : memref<7168xi32, #tpu.memory_space<vmem>>, vector<16xi32>,
        tpu.vector_store %arg6[%swap3A], %add3A_889 {strides = array<i32>} : memref<7168xi32, #tpu.memory_space<vmem>>, vector<16xi32>,
        %mul3A_891 = arith.mulf %sub3A_882, %sub3A_885 : vector<16xf32>
        %select_n3A_892 = arith.select %and3A_846, %mul3A_891, %broadcast_in_dim3A_886 : vector<16xi1>, vector<16xf32>
        %swap3A_893 = arith.index_cast %mul3A_888 : i32 to index
        %swap3A_894 = tpu.vector_load %arg8[%swap3A_893] {strides = array<i32>} : memref<7168xf32, #tpu.memory_space<vmem>>, vector<16xf32>,
        tpu.vector_store %arg8[%swap3A_893], %select_n3A_892 {strides = array<i32>} : memref<7168xf32, #tpu.memory_space<vmem>>, vector<16xf32>,
        %add3A_895 = arith.addi %add3A_879, %min3A_868 : vector<16xi32>
        %add3A_896 = arith.constant 16 : i32
        %add3A_897 = arith.addi %mul3A_888, %add3A_896 : i32
        %swap3A_898 = arith.index_cast %add3A_897 : i32 to index
        %swap3A_899 = tpu.vector_load %arg6[%swap3A_898] {strides = array<i32>} : memref<7168xi32, #tpu.memory_space<vmem>>, vector<16xi32>,
        tpu.vector_store %arg6[%swap3A_898], %add3A_895 {strides = array<i32>} : memref<7168xi32, #tpu.memory_space<vmem>>, vector<16xi32>,
        %mul3A_900 = arith.mulf %sub3A_882, %sub3A_831 : vector<16xf32>
        %select_n3A_901 = arith.select %and3A_853, %mul3A_900, %broadcast_in_dim3A_886 : vector<16xi1>, vector<16xf32>
        %add3A_902 = arith.constant 16 : i32
        %add3A_903 = arith.addi %mul3A_888, %add3A_902 : i32
        %swap3A_904 = arith.index_cast %add3A_903 : i32 to index
        %swap3A_905 = tpu.vector_load %arg8[%swap3A_904] {strides = array<i32>} : memref<7168xf32, #tpu.memory_space<vmem>>, vector<16xf32>,
        tpu.vector_store %arg8[%swap3A_904], %select_n3A_901 {strides = array<i32>} : memref<7168xf32, #tpu.memory_space<vmem>>, vector<16xf32>,
        %add3A_906 = arith.constant 640 : i32
        %add3A_907 = vector.broadcast %add3A_906 : i32 to vector<16xi32>
        %add3A_908 = arith.addi %add3A_879, %add3A_907 : vector<16xi32>
        %add3A_909 = arith.addi %add3A_908, %min3A_859 : vector<16xi32>
        %add3A_910 = arith.constant 32 : i32
        %add3A_911 = arith.addi %mul3A_888, %add3A_910 : i32
        %swap3A_912 = arith.index_cast %add3A_911 : i32 to index
        %swap3A_913 = tpu.vector_load %arg6[%swap3A_912] {strides = array<i32>} : memref<7168xi32, #tpu.memory_space<vmem>>, vector<16xi32>,
        tpu.vector_store %arg6[%swap3A_912], %add3A_909 {strides = array<i32>} : memref<7168xi32, #tpu.memory_space<vmem>>, vector<16xi32>,
        %mul3A_914 = arith.mulf %sub3A_822, %sub3A_885 : vector<16xf32>
        %select_n3A_915 = arith.select %and3A_846, %mul3A_914, %broadcast_in_dim3A_886 : vector<16xi1>, vector<16xf32>
        %add3A_916 = arith.constant 32 : i32
        %add3A_917 = arith.addi %mul3A_888, %add3A_916 : i32
        %swap3A_918 = arith.index_cast %add3A_917 : i32 to index
        %swap3A_919 = tpu.vector_load %arg8[%swap3A_918] {strides = array<i32>} : memref<7168xf32, #tpu.memory_space<vmem>>, vector<16xf32>,
        tpu.vector_store %arg8[%swap3A_918], %select_n3A_915 {strides = array<i32>} : memref<7168xf32, #tpu.memory_space<vmem>>, vector<16xf32>,
        %add3A_920 = arith.constant 640 : i32
        %add3A_921 = vector.broadcast %add3A_920 : i32 to vector<16xi32>
        %add3A_922 = arith.addi %add3A_879, %add3A_921 : vector<16xi32>
        %add3A_923 = arith.addi %add3A_922, %min3A_868 : vector<16xi32>
        %add3A_924 = arith.constant 48 : i32
        %add3A_925 = arith.addi %mul3A_888, %add3A_924 : i32
        %swap3A_926 = arith.index_cast %add3A_925 : i32 to index
        %swap3A_927 = tpu.vector_load %arg6[%swap3A_926] {strides = array<i32>} : memref<7168xi32, #tpu.memory_space<vmem>>, vector<16xi32>,
        tpu.vector_store %arg6[%swap3A_926], %add3A_923 {strides = array<i32>} : memref<7168xi32, #tpu.memory_space<vmem>>, vector<16xi32>,
        %mul3A_928 = arith.mulf %sub3A_822, %sub3A_831 : vector<16xf32>
        %select_n3A_929 = arith.select %and3A_853, %mul3A_928, %broadcast_in_dim3A_886 : vector<16xi1>, vector<16xf32>
        %add3A_930 = arith.constant 48 : i32
        %add3A_931 = arith.addi %mul3A_888, %add3A_930 : i32
        %swap3A_932 = arith.index_cast %add3A_931 : i32 to index
        %swap3A_933 = tpu.vector_load %arg8[%swap3A_932] {strides = array<i32>} : memref<7168xf32, #tpu.memory_space<vmem>>, vector<16xf32>,
        tpu.vector_store %arg8[%swap3A_932], %select_n3A_929 {strides = array<i32>} : memref<7168xf32, #tpu.memory_space<vmem>>, vector<16xf32>,
      }
      %scan3A_378 = arith.constant 112 : i32
      %dma_start3A_379 = arith.constant 0 : i32
      %dma_start3A_380 = tpu.memref_slice %arg10[%dma_start3A_379] : memref<634880xf32, #tpu.memory_space<vmem_shared>> -> memref<634880xf32, #tpu.memory_space<vmem_shared>>
      tpu.enqueue_indirect_dma source(%arg8 : memref<7168xf32, #tpu.memory_space<vmem>>) target(%dma_start3A_380 : memref<634880xf32, #tpu.memory_space<vmem_shared>>) offsets(%arg6 : memref<7168xi32, #tpu.memory_space<vmem>>) semaphore(%arg13 : memref<!tpu.dma_semaphore, #tpu.memory_space<semaphore_mem>>) {add = true}
      %add3A_381 = arith.constant 64 : i32
      %add3A_382 = arith.addi %arg1, %add3A_381 : i32
      %mul3A_383 = arith.constant 1792 : i32
      %mul3A_384 = arith.muli %add3A_382, %mul3A_383 : i32
      %mul3A_385 = arith.constant 6 : i32
      %mul3A_386 = arith.muli %add3A_9, %mul3A_385 : i32
      %mul3A_387 = arith.constant 200704 : i32
      %mul3A_388 = arith.muli %mul3A_386, %mul3A_387 : i32
      %add3A_389 = arith.addi %mul3A_388, %mul3A_384 : i32
      %add3A_390 = arith.constant 0 : i32
      %add3A_391 = arith.addi %add3A_389, %add3A_390 : i32
      %dma_start3A_392 = arith.constant 0 : i32
      %dma_start3A_393 = tpu.memref_slice %arg4[%dma_start3A_392] : memref<10752xf32, #tpu.memory_space<vmem>> -> memref<1792xf32, #tpu.memory_space<vmem>>
      %dma_start3A_394 = tpu.memref_slice %arg2[%add3A_391] : memref<9633792xf32, #tpu.memory_space<hbm>> -> memref<1792xf32, #tpu.memory_space<hbm>>
      %dma_start3A_395 = arith.constant 0 : i32
      %dma_start3A_396 = tpu.memref_slice %arg4[%dma_start3A_395] : memref<10752xf32, #tpu.memory_space<vmem>> -> memref<1792xf32, #tpu.memory_space<vmem>>
      %dma_start3A_397 = tpu.memref_slice %arg2[%add3A_391] : memref<9633792xf32, #tpu.memory_space<hbm>> -> memref<1792xf32, #tpu.memory_space<hbm>>
      tpu.enqueue_dma source(%dma_start3A_397 : memref<1792xf32, #tpu.memory_space<hbm>>) target(%dma_start3A_396 : memref<1792xf32, #tpu.memory_space<vmem>>) target_semaphore(%arg11 : memref<!tpu.dma_semaphore, #tpu.memory_space<semaphore_mem>>)
      %add3A_398 = arith.constant 200704 : i32
      %add3A_399 = arith.addi %add3A_389, %add3A_398 : i32
      %dma_start3A_400 = arith.constant 1792 : i32
      %dma_start3A_401 = tpu.memref_slice %arg4[%dma_start3A_400] : memref<10752xf32, #tpu.memory_space<vmem>> -> memref<1792xf32, #tpu.memory_space<vmem>>
      %dma_start3A_402 = tpu.memref_slice %arg2[%add3A_399] : memref<9633792xf32, #tpu.memory_space<hbm>> -> memref<1792xf32, #tpu.memory_space<hbm>>
      %dma_start3A_403 = arith.constant 1792 : i32
      %dma_start3A_404 = tpu.memref_slice %arg4[%dma_start3A_403] : memref<10752xf32, #tpu.memory_space<vmem>> -> memref<1792xf32, #tpu.memory_space<vmem>>
      %dma_start3A_405 = tpu.memref_slice %arg2[%add3A_399] : memref<9633792xf32, #tpu.memory_space<hbm>> -> memref<1792xf32, #tpu.memory_space<hbm>>
      tpu.enqueue_dma source(%dma_start3A_405 : memref<1792xf32, #tpu.memory_space<hbm>>) target(%dma_start3A_404 : memref<1792xf32, #tpu.memory_space<vmem>>) target_semaphore(%arg11 : memref<!tpu.dma_semaphore, #tpu.memory_space<semaphore_mem>>)
      %add3A_406 = arith.constant 401408 : i32
      %add3A_407 = arith.addi %add3A_389, %add3A_406 : i32
      %dma_start3A_408 = arith.constant 3584 : i32
      %dma_start3A_409 = tpu.memref_slice %arg4[%dma_start3A_408] : memref<10752xf32, #tpu.memory_space<vmem>> -> memref<1792xf32, #tpu.memory_space<vmem>>
      %dma_start3A_410 = tpu.memref_slice %arg2[%add3A_407] : memref<9633792xf32, #tpu.memory_space<hbm>> -> memref<1792xf32, #tpu.memory_space<hbm>>
      %dma_start3A_411 = arith.constant 3584 : i32
      %dma_start3A_412 = tpu.memref_slice %arg4[%dma_start3A_411] : memref<10752xf32, #tpu.memory_space<vmem>> -> memref<1792xf32, #tpu.memory_space<vmem>>
      %dma_start3A_413 = tpu.memref_slice %arg2[%add3A_407] : memref<9633792xf32, #tpu.memory_space<hbm>> -> memref<1792xf32, #tpu.memory_space<hbm>>
      tpu.enqueue_dma source(%dma_start3A_413 : memref<1792xf32, #tpu.memory_space<hbm>>) target(%dma_start3A_412 : memref<1792xf32, #tpu.memory_space<vmem>>) target_semaphore(%arg11 : memref<!tpu.dma_semaphore, #tpu.memory_space<semaphore_mem>>)
      %add3A_414 = arith.constant 602112 : i32
      %add3A_415 = arith.addi %add3A_389, %add3A_414 : i32
      %dma_start3A_416 = arith.constant 5376 : i32
      %dma_start3A_417 = tpu.memref_slice %arg4[%dma_start3A_416] : memref<10752xf32, #tpu.memory_space<vmem>> -> memref<1792xf32, #tpu.memory_space<vmem>>
      %dma_start3A_418 = tpu.memref_slice %arg2[%add3A_415] : memref<9633792xf32, #tpu.memory_space<hbm>> -> memref<1792xf32, #tpu.memory_space<hbm>>
      %dma_start3A_419 = arith.constant 5376 : i32
      %dma_start3A_420 = tpu.memref_slice %arg4[%dma_start3A_419] : memref<10752xf32, #tpu.memory_space<vmem>> -> memref<1792xf32, #tpu.memory_space<vmem>>
      %dma_start3A_421 = tpu.memref_slice %arg2[%add3A_415] : memref<9633792xf32, #tpu.memory_space<hbm>> -> memref<1792xf32, #tpu.memory_space<hbm>>
      tpu.enqueue_dma source(%dma_start3A_421 : memref<1792xf32, #tpu.memory_space<hbm>>) target(%dma_start3A_420 : memref<1792xf32, #tpu.memory_space<vmem>>) target_semaphore(%arg11 : memref<!tpu.dma_semaphore, #tpu.memory_space<semaphore_mem>>)
      %add3A_422 = arith.constant 802816 : i32
      %add3A_423 = arith.addi %add3A_389, %add3A_422 : i32
      %dma_start3A_424 = arith.constant 7168 : i32
      %dma_start3A_425 = tpu.memref_slice %arg4[%dma_start3A_424] : memref<10752xf32, #tpu.memory_space<vmem>> -> memref<1792xf32, #tpu.memory_space<vmem>>
      %dma_start3A_426 = tpu.memref_slice %arg2[%add3A_423] : memref<9633792xf32, #tpu.memory_space<hbm>> -> memref<1792xf32, #tpu.memory_space<hbm>>
      %dma_start3A_427 = arith.constant 7168 : i32
      %dma_start3A_428 = tpu.memref_slice %arg4[%dma_start3A_427] : memref<10752xf32, #tpu.memory_space<vmem>> -> memref<1792xf32, #tpu.memory_space<vmem>>
      %dma_start3A_429 = tpu.memref_slice %arg2[%add3A_423] : memref<9633792xf32, #tpu.memory_space<hbm>> -> memref<1792xf32, #tpu.memory_space<hbm>>
      tpu.enqueue_dma source(%dma_start3A_429 : memref<1792xf32, #tpu.memory_space<hbm>>) target(%dma_start3A_428 : memref<1792xf32, #tpu.memory_space<vmem>>) target_semaphore(%arg11 : memref<!tpu.dma_semaphore, #tpu.memory_space<semaphore_mem>>)
      %add3A_430 = arith.constant 1003520 : i32
      %add3A_431 = arith.addi %add3A_389, %add3A_430 : i32
      %dma_start3A_432 = arith.constant 8960 : i32
      %dma_start3A_433 = tpu.memref_slice %arg4[%dma_start3A_432] : memref<10752xf32, #tpu.memory_space<vmem>> -> memref<1792xf32, #tpu.memory_space<vmem>>
      %dma_start3A_434 = tpu.memref_slice %arg2[%add3A_431] : memref<9633792xf32, #tpu.memory_space<hbm>> -> memref<1792xf32, #tpu.memory_space<hbm>>
      %dma_start3A_435 = arith.constant 8960 : i32
      %dma_start3A_436 = tpu.memref_slice %arg4[%dma_start3A_435] : memref<10752xf32, #tpu.memory_space<vmem>> -> memref<1792xf32, #tpu.memory_space<vmem>>
      %dma_start3A_437 = tpu.memref_slice %arg2[%add3A_431] : memref<9633792xf32, #tpu.memory_space<hbm>> -> memref<1792xf32, #tpu.memory_space<hbm>>
      tpu.enqueue_dma source(%dma_start3A_437 : memref<1792xf32, #tpu.memory_space<hbm>>) target(%dma_start3A_436 : memref<1792xf32, #tpu.memory_space<vmem>>) target_semaphore(%arg11 : memref<!tpu.dma_semaphore, #tpu.memory_space<semaphore_mem>>)
      %dma_wait3A_438 = arith.constant 0 : i32
      %dma_wait3A_439 = tpu.memref_slice %arg5[%dma_wait3A_438] : memref<10752xf32, #tpu.memory_space<vmem>> -> memref<1792xf32, #tpu.memory_space<vmem>>
      %dma_wait3A_440 = tpu.memref_slice %arg2[%add3A_289] : memref<9633792xf32, #tpu.memory_space<hbm>> -> memref<1792xf32, #tpu.memory_space<hbm>>
      %dma_wait3A_441 = arith.constant 0 : i32
      %dma_wait3A_442 = tpu.memref_slice %arg5[%dma_wait3A_441] : memref<10752xf32, #tpu.memory_space<vmem>> -> memref<1792xf32, #tpu.memory_space<vmem>>
      %dma_wait3A_443 = tpu.memref_slice %arg2[%add3A_289] : memref<9633792xf32, #tpu.memory_space<hbm>> -> memref<1792xf32, #tpu.memory_space<hbm>>
      tpu.wait_dma2 semaphore(%arg12 : memref<!tpu.dma_semaphore, #tpu.memory_space<semaphore_mem>>) src(%dma_wait3A_443 : memref<1792xf32, #tpu.memory_space<hbm>>) dst(%dma_wait3A_442 : memref<1792xf32, #tpu.memory_space<vmem>>)
      %dma_wait3A_444 = arith.constant 1792 : i32
      %dma_wait3A_445 = tpu.memref_slice %arg5[%dma_wait3A_444] : memref<10752xf32, #tpu.memory_space<vmem>> -> memref<1792xf32, #tpu.memory_space<vmem>>
      %dma_wait3A_446 = tpu.memref_slice %arg2[%add3A_297] : memref<9633792xf32, #tpu.memory_space<hbm>> -> memref<1792xf32, #tpu.memory_space<hbm>>
      %dma_wait3A_447 = arith.constant 1792 : i32
      %dma_wait3A_448 = tpu.memref_slice %arg5[%dma_wait3A_447] : memref<10752xf32, #tpu.memory_space<vmem>> -> memref<1792xf32, #tpu.memory_space<vmem>>
      %dma_wait3A_449 = tpu.memref_slice %arg2[%add3A_297] : memref<9633792xf32, #tpu.memory_space<hbm>> -> memref<1792xf32, #tpu.memory_space<hbm>>
      tpu.wait_dma2 semaphore(%arg12 : memref<!tpu.dma_semaphore, #tpu.memory_space<semaphore_mem>>) src(%dma_wait3A_449 : memref<1792xf32, #tpu.memory_space<hbm>>) dst(%dma_wait3A_448 : memref<1792xf32, #tpu.memory_space<vmem>>)
      %dma_wait3A_450 = arith.constant 3584 : i32
      %dma_wait3A_451 = tpu.memref_slice %arg5[%dma_wait3A_450] : memref<10752xf32, #tpu.memory_space<vmem>> -> memref<1792xf32, #tpu.memory_space<vmem>>
      %dma_wait3A_452 = tpu.memref_slice %arg2[%add3A_305] : memref<9633792xf32, #tpu.memory_space<hbm>> -> memref<1792xf32, #tpu.memory_space<hbm>>
      %dma_wait3A_453 = arith.constant 3584 : i32
      %dma_wait3A_454 = tpu.memref_slice %arg5[%dma_wait3A_453] : memref<10752xf32, #tpu.memory_space<vmem>> -> memref<1792xf32, #tpu.memory_space<vmem>>
      %dma_wait3A_455 = tpu.memref_slice %arg2[%add3A_305] : memref<9633792xf32, #tpu.memory_space<hbm>> -> memref<1792xf32, #tpu.memory_space<hbm>>
      tpu.wait_dma2 semaphore(%arg12 : memref<!tpu.dma_semaphore, #tpu.memory_space<semaphore_mem>>) src(%dma_wait3A_455 : memref<1792xf32, #tpu.memory_space<hbm>>) dst(%dma_wait3A_454 : memref<1792xf32, #tpu.memory_space<vmem>>)
      %dma_wait3A_456 = arith.constant 5376 : i32
      %dma_wait3A_457 = tpu.memref_slice %arg5[%dma_wait3A_456] : memref<10752xf32, #tpu.memory_space<vmem>> -> memref<1792xf32, #tpu.memory_space<vmem>>
      %dma_wait3A_458 = tpu.memref_slice %arg2[%add3A_313] : memref<9633792xf32, #tpu.memory_space<hbm>> -> memref<1792xf32, #tpu.memory_space<hbm>>
      %dma_wait3A_459 = arith.constant 5376 : i32
      %dma_wait3A_460 = tpu.memref_slice %arg5[%dma_wait3A_459] : memref<10752xf32, #tpu.memory_space<vmem>> -> memref<1792xf32, #tpu.memory_space<vmem>>
      %dma_wait3A_461 = tpu.memref_slice %arg2[%add3A_313] : memref<9633792xf32, #tpu.memory_space<hbm>> -> memref<1792xf32, #tpu.memory_space<hbm>>
      tpu.wait_dma2 semaphore(%arg12 : memref<!tpu.dma_semaphore, #tpu.memory_space<semaphore_mem>>) src(%dma_wait3A_461 : memref<1792xf32, #tpu.memory_space<hbm>>) dst(%dma_wait3A_460 : memref<1792xf32, #tpu.memory_space<vmem>>)
      %dma_wait3A_462 = arith.constant 7168 : i32
      %dma_wait3A_463 = tpu.memref_slice %arg5[%dma_wait3A_462] : memref<10752xf32, #tpu.memory_space<vmem>> -> memref<1792xf32, #tpu.memory_space<vmem>>
      %dma_wait3A_464 = tpu.memref_slice %arg2[%add3A_321] : memref<9633792xf32, #tpu.memory_space<hbm>> -> memref<1792xf32, #tpu.memory_space<hbm>>
      %dma_wait3A_465 = arith.constant 7168 : i32
      %dma_wait3A_466 = tpu.memref_slice %arg5[%dma_wait3A_465] : memref<10752xf32, #tpu.memory_space<vmem>> -> memref<1792xf32, #tpu.memory_space<vmem>>
      %dma_wait3A_467 = tpu.memref_slice %arg2[%add3A_321] : memref<9633792xf32, #tpu.memory_space<hbm>> -> memref<1792xf32, #tpu.memory_space<hbm>>
      tpu.wait_dma2 semaphore(%arg12 : memref<!tpu.dma_semaphore, #tpu.memory_space<semaphore_mem>>) src(%dma_wait3A_467 : memref<1792xf32, #tpu.memory_space<hbm>>) dst(%dma_wait3A_466 : memref<1792xf32, #tpu.memory_space<vmem>>)
      %dma_wait3A_468 = arith.constant 8960 : i32
      %dma_wait3A_469 = tpu.memref_slice %arg5[%dma_wait3A_468] : memref<10752xf32, #tpu.memory_space<vmem>> -> memref<1792xf32, #tpu.memory_space<vmem>>
      %dma_wait3A_470 = tpu.memref_slice %arg2[%add3A_329] : memref<9633792xf32, #tpu.memory_space<hbm>> -> memref<1792xf32, #tpu.memory_space<hbm>>
      %dma_wait3A_471 = arith.constant 8960 : i32
      %dma_wait3A_472 = tpu.memref_slice %arg5[%dma_wait3A_471] : memref<10752xf32, #tpu.memory_space<vmem>> -> memref<1792xf32, #tpu.memory_space<vmem>>
      %dma_wait3A_473 = tpu.memref_slice %arg2[%add3A_329] : memref<9633792xf32, #tpu.memory_space<hbm>> -> memref<1792xf32, #tpu.memory_space<hbm>>
      tpu.wait_dma2 semaphore(%arg12 : memref<!tpu.dma_semaphore, #tpu.memory_space<semaphore_mem>>) src(%dma_wait3A_473 : memref<1792xf32, #tpu.memory_space<hbm>>) dst(%dma_wait3A_472 : memref<1792xf32, #tpu.memory_space<vmem>>)
      %dma_wait3A_474 = arith.constant 0 : i32
      %dma_wait3A_475 = tpu.memref_slice %arg10[%dma_wait3A_474] : memref<634880xf32, #tpu.memory_space<vmem_shared>> -> memref<634880xf32, #tpu.memory_space<vmem_shared>>
      tpu.wait_indirect_dma semaphore(%arg14 : memref<!tpu.dma_semaphore, #tpu.memory_space<semaphore_mem>>) src(%arg9 : memref<7168xf32, #tpu.memory_space<vmem>>) dst(%dma_wait3A_475 : memref<634880xf32, #tpu.memory_space<vmem_shared>>)
      %scan3A_476 = arith.constant 0 : i32
      %scan3A_477 = arith.constant 112 : i32
      %scan3A_478 = arith.addi %scan3A_476, %scan3A_477 : i32
      %scan3A_479 = arith.constant 1 : i32
      scf.for %scan3A_780 = %scan3A_476 to %scan3A_478 step %scan3A_479  : i32 {
        %mul3A_781 = arith.constant 1 : i32
        %mul3A_782 = arith.muli %scan3A_780, %mul3A_781 : i32
        %add3A_783 = arith.constant 0 : i32
        %add3A_784 = arith.addi %add3A_783, %mul3A_782 : i32
        %mul3A_785 = arith.constant 16 : i32
        %mul3A_786 = arith.muli %add3A_784, %mul3A_785 : i32
        %get3A = arith.index_cast %mul3A_786 : i32 to index
        %get3A_787 = tpu.vector_load %arg5[%get3A] {strides = array<i32>} : memref<10752xf32, #tpu.memory_space<vmem>>, vector<16xf32>,
        %add3A_788 = arith.constant 1792 : i32
        %add3A_789 = arith.addi %add3A_788, %mul3A_786 : i32
        %get3A_790 = arith.index_cast %add3A_789 : i32 to index
        %get3A_791 = tpu.vector_load %arg5[%get3A_790] {strides = array<i32>} : memref<10752xf32, #tpu.memory_space<vmem>>, vector<16xf32>,
        %add3A_792 = arith.constant 3584 : i32
        %add3A_793 = arith.addi %add3A_792, %mul3A_786 : i32
        %get3A_794 = arith.index_cast %add3A_793 : i32 to index
        %get3A_795 = tpu.vector_load %arg5[%get3A_794] {strides = array<i32>} : memref<10752xf32, #tpu.memory_space<vmem>>, vector<16xf32>,
        %add3A_796 = arith.constant 5376 : i32
        %add3A_797 = arith.addi %add3A_796, %mul3A_786 : i32
        %get3A_798 = arith.index_cast %add3A_797 : i32 to index
        %get3A_799 = tpu.vector_load %arg5[%get3A_798] {strides = array<i32>} : memref<10752xf32, #tpu.memory_space<vmem>>, vector<16xf32>,
        %add3A_800 = arith.constant 7168 : i32
        %add3A_801 = arith.addi %add3A_800, %mul3A_786 : i32
        %get3A_802 = arith.index_cast %add3A_801 : i32 to index
        %get3A_803 = tpu.vector_load %arg5[%get3A_802] {strides = array<i32>} : memref<10752xf32, #tpu.memory_space<vmem>>, vector<16xf32>,
        %add3A_804 = arith.constant 8960 : i32
        %add3A_805 = arith.addi %add3A_804, %mul3A_786 : i32
        %get3A_806 = arith.index_cast %add3A_805 : i32 to index
        %get3A_807 = tpu.vector_load %arg5[%get3A_806] {strides = array<i32>} : memref<10752xf32, #tpu.memory_space<vmem>>, vector<16xf32>,
        %sub3A_808 = arith.constant 1.000000e+00 : f32
        %sub3A_809 = vector.broadcast %sub3A_808 : f32 to vector<16xf32>
        %sub3A_810 = arith.subf %sub3A_809, %get3A_787 : vector<16xf32>
        %mul3A_811 = arith.mulf %sub3A_810, %get3A_799 : vector<16xf32>
        %add3A_812 = arith.addf %get3A_791, %mul3A_811 : vector<16xf32>
        %mul3A_813 = arith.mulf %sub3A_810, %get3A_803 : vector<16xf32>
        %add3A_814 = arith.addf %get3A_795, %mul3A_813 : vector<16xf32>
        %add3A_815 = arith.constant 5.120000e+02 : f32
        %add3A_816 = vector.broadcast %add3A_815 : f32 to vector<16xf32>
        %add3A_817 = arith.addf %add3A_812, %add3A_816 : vector<16xf32>
        %convert_element_type3A = arith.fptosi %add3A_817 : vector<16xf32> to vector<16xi32>
        %convert_element_type3A_818 = arith.sitofp %convert_element_type3A : vector<16xi32> to vector<16xf32>
        %sub3A_819 = arith.constant 5.120000e+02 : f32
        %sub3A_820 = vector.broadcast %sub3A_819 : f32 to vector<16xf32>
        %sub3A_821 = arith.subf %convert_element_type3A_818, %sub3A_820 : vector<16xf32>
        %sub3A_822 = arith.subf %add3A_812, %sub3A_821 : vector<16xf32>
        %add3A_823 = arith.constant 5.120000e+02 : f32
        %add3A_824 = vector.broadcast %add3A_823 : f32 to vector<16xf32>
        %add3A_825 = arith.addf %add3A_814, %add3A_824 : vector<16xf32>
        %convert_element_type3A_826 = arith.fptosi %add3A_825 : vector<16xf32> to vector<16xi32>
        %convert_element_type3A_827 = arith.sitofp %convert_element_type3A_826 : vector<16xi32> to vector<16xf32>
        %sub3A_828 = arith.constant 5.120000e+02 : f32
        %sub3A_829 = vector.broadcast %sub3A_828 : f32 to vector<16xf32>
        %sub3A_830 = arith.subf %convert_element_type3A_827, %sub3A_829 : vector<16xf32>
        %sub3A_831 = arith.subf %add3A_814, %sub3A_830 : vector<16xf32>
        %sub3A_832 = arith.constant 504 : i32
        %sub3A_833 = vector.broadcast %sub3A_832 : i32 to vector<16xi32>
        %sub3A_834 = arith.subi %convert_element_type3A, %sub3A_833 : vector<16xi32>
        %max3A = arith.constant 0 : i32
        %max3A_835 = vector.broadcast %max3A : i32 to vector<16xi32>
        %max3A_836 = arith.maxsi %sub3A_834, %max3A_835 : vector<16xi32>
        %min3A = arith.constant 494 : i32
        %min3A_837 = vector.broadcast %min3A : i32 to vector<16xi32>
        %min3A_838 = arith.minsi %max3A_836, %min3A_837 : vector<16xi32>
        %sub3A_839 = arith.constant 512 : i32
        %sub3A_840 = vector.broadcast %sub3A_839 : i32 to vector<16xi32>
        %sub3A_841 = arith.subi %convert_element_type3A_826, %sub3A_840 : vector<16xi32>
        %ge3A = arith.constant 0 : i32
        %ge3A_842 = vector.broadcast %ge3A : i32 to vector<16xi32>
        %ge3A_843 = arith.cmpi sge, %sub3A_841, %ge3A_842 : vector<16xi32>
        %le3A = arith.constant 639 : i32
        %le3A_844 = vector.broadcast %le3A : i32 to vector<16xi32>
        %le3A_845 = arith.cmpi sle, %sub3A_841, %le3A_844 : vector<16xi32>
        %and3A_846 = arith.andi %ge3A_843, %le3A_845 : vector<16xi1>
        %ge3A_847 = arith.constant -1 : i32
        %ge3A_848 = vector.broadcast %ge3A_847 : i32 to vector<16xi32>
        %ge3A_849 = arith.cmpi sge, %sub3A_841, %ge3A_848 : vector<16xi32>
        %le3A_850 = arith.constant 638 : i32
        %le3A_851 = vector.broadcast %le3A_850 : i32 to vector<16xi32>
        %le3A_852 = arith.cmpi sle, %sub3A_841, %le3A_851 : vector<16xi32>
        %and3A_853 = arith.andi %ge3A_849, %le3A_852 : vector<16xi1>
        %max3A_854 = arith.constant 0 : i32
        %max3A_855 = vector.broadcast %max3A_854 : i32 to vector<16xi32>
        %max3A_856 = arith.maxsi %sub3A_841, %max3A_855 : vector<16xi32>
        %min3A_857 = arith.constant 639 : i32
        %min3A_858 = vector.broadcast %min3A_857 : i32 to vector<16xi32>
        %min3A_859 = arith.minsi %max3A_856, %min3A_858 : vector<16xi32>
        %add3A_860 = arith.constant 1 : i32
        %add3A_861 = vector.broadcast %add3A_860 : i32 to vector<16xi32>
        %add3A_862 = arith.addi %sub3A_841, %add3A_861 : vector<16xi32>
        %max3A_863 = arith.constant 0 : i32
        %max3A_864 = vector.broadcast %max3A_863 : i32 to vector<16xi32>
        %max3A_865 = arith.maxsi %add3A_862, %max3A_864 : vector<16xi32>
        %min3A_866 = arith.constant 639 : i32
        %min3A_867 = vector.broadcast %min3A_866 : i32 to vector<16xi32>
        %min3A_868 = arith.minsi %max3A_865, %min3A_867 : vector<16xi32>
        %convert_element_type3A_869 = arith.fptosi %get3A_807 : vector<16xf32> to vector<16xi32>
        %sub3A_870 = arith.constant 1 : i32
        %sub3A_871 = vector.broadcast %sub3A_870 : i32 to vector<16xi32>
        %sub3A_872 = arith.subi %sub3A_871, %convert_element_type3A_869 : vector<16xi32>
        %mul3A_873 = arith.constant 317440 : i32
        %mul3A_874 = vector.broadcast %mul3A_873 : i32 to vector<16xi32>
        %mul3A_875 = arith.muli %sub3A_872, %mul3A_874 : vector<16xi32>
        %mul3A_876 = arith.constant 640 : i32
        %mul3A_877 = vector.broadcast %mul3A_876 : i32 to vector<16xi32>
        %mul3A_878 = arith.muli %min3A_838, %mul3A_877 : vector<16xi32>
        %add3A_879 = arith.addi %mul3A_875, %mul3A_878 : vector<16xi32>
        %sub3A_880 = arith.constant 1.000000e+00 : f32
        %sub3A_881 = vector.broadcast %sub3A_880 : f32 to vector<16xf32>
        %sub3A_882 = arith.subf %sub3A_881, %sub3A_822 : vector<16xf32>
        %sub3A_883 = arith.constant 1.000000e+00 : f32
        %sub3A_884 = vector.broadcast %sub3A_883 : f32 to vector<16xf32>
        %sub3A_885 = arith.subf %sub3A_884, %sub3A_831 : vector<16xf32>
        %broadcast_in_dim3A = arith.constant 0.000000e+00 : f32
        %broadcast_in_dim3A_886 = vector.broadcast %broadcast_in_dim3A : f32 to vector<16xf32>
        %mul3A_887 = arith.constant 64 : i32
        %mul3A_888 = arith.muli %add3A_784, %mul3A_887 : i32
        %add3A_889 = arith.addi %add3A_879, %min3A_859 : vector<16xi32>
        %swap3A = arith.index_cast %mul3A_888 : i32 to index
        %swap3A_890 = tpu.vector_load %arg7[%swap3A] {strides = array<i32>} : memref<7168xi32, #tpu.memory_space<vmem>>, vector<16xi32>,
        tpu.vector_store %arg7[%swap3A], %add3A_889 {strides = array<i32>} : memref<7168xi32, #tpu.memory_space<vmem>>, vector<16xi32>,
        %mul3A_891 = arith.mulf %sub3A_882, %sub3A_885 : vector<16xf32>
        %select_n3A_892 = arith.select %and3A_846, %mul3A_891, %broadcast_in_dim3A_886 : vector<16xi1>, vector<16xf32>
        %swap3A_893 = arith.index_cast %mul3A_888 : i32 to index
        %swap3A_894 = tpu.vector_load %arg9[%swap3A_893] {strides = array<i32>} : memref<7168xf32, #tpu.memory_space<vmem>>, vector<16xf32>,
        tpu.vector_store %arg9[%swap3A_893], %select_n3A_892 {strides = array<i32>} : memref<7168xf32, #tpu.memory_space<vmem>>, vector<16xf32>,
        %add3A_895 = arith.addi %add3A_879, %min3A_868 : vector<16xi32>
        %add3A_896 = arith.constant 16 : i32
        %add3A_897 = arith.addi %mul3A_888, %add3A_896 : i32
        %swap3A_898 = arith.index_cast %add3A_897 : i32 to index
        %swap3A_899 = tpu.vector_load %arg7[%swap3A_898] {strides = array<i32>} : memref<7168xi32, #tpu.memory_space<vmem>>, vector<16xi32>,
        tpu.vector_store %arg7[%swap3A_898], %add3A_895 {strides = array<i32>} : memref<7168xi32, #tpu.memory_space<vmem>>, vector<16xi32>,
        %mul3A_900 = arith.mulf %sub3A_882, %sub3A_831 : vector<16xf32>
        %select_n3A_901 = arith.select %and3A_853, %mul3A_900, %broadcast_in_dim3A_886 : vector<16xi1>, vector<16xf32>
        %add3A_902 = arith.constant 16 : i32
        %add3A_903 = arith.addi %mul3A_888, %add3A_902 : i32
        %swap3A_904 = arith.index_cast %add3A_903 : i32 to index
        %swap3A_905 = tpu.vector_load %arg9[%swap3A_904] {strides = array<i32>} : memref<7168xf32, #tpu.memory_space<vmem>>, vector<16xf32>,
        tpu.vector_store %arg9[%swap3A_904], %select_n3A_901 {strides = array<i32>} : memref<7168xf32, #tpu.memory_space<vmem>>, vector<16xf32>,
        %add3A_906 = arith.constant 640 : i32
        %add3A_907 = vector.broadcast %add3A_906 : i32 to vector<16xi32>
        %add3A_908 = arith.addi %add3A_879, %add3A_907 : vector<16xi32>
        %add3A_909 = arith.addi %add3A_908, %min3A_859 : vector<16xi32>
        %add3A_910 = arith.constant 32 : i32
        %add3A_911 = arith.addi %mul3A_888, %add3A_910 : i32
        %swap3A_912 = arith.index_cast %add3A_911 : i32 to index
        %swap3A_913 = tpu.vector_load %arg7[%swap3A_912] {strides = array<i32>} : memref<7168xi32, #tpu.memory_space<vmem>>, vector<16xi32>,
        tpu.vector_store %arg7[%swap3A_912], %add3A_909 {strides = array<i32>} : memref<7168xi32, #tpu.memory_space<vmem>>, vector<16xi32>,
        %mul3A_914 = arith.mulf %sub3A_822, %sub3A_885 : vector<16xf32>
        %select_n3A_915 = arith.select %and3A_846, %mul3A_914, %broadcast_in_dim3A_886 : vector<16xi1>, vector<16xf32>
        %add3A_916 = arith.constant 32 : i32
        %add3A_917 = arith.addi %mul3A_888, %add3A_916 : i32
        %swap3A_918 = arith.index_cast %add3A_917 : i32 to index
        %swap3A_919 = tpu.vector_load %arg9[%swap3A_918] {strides = array<i32>} : memref<7168xf32, #tpu.memory_space<vmem>>, vector<16xf32>,
        tpu.vector_store %arg9[%swap3A_918], %select_n3A_915 {strides = array<i32>} : memref<7168xf32, #tpu.memory_space<vmem>>, vector<16xf32>,
        %add3A_920 = arith.constant 640 : i32
        %add3A_921 = vector.broadcast %add3A_920 : i32 to vector<16xi32>
        %add3A_922 = arith.addi %add3A_879, %add3A_921 : vector<16xi32>
        %add3A_923 = arith.addi %add3A_922, %min3A_868 : vector<16xi32>
        %add3A_924 = arith.constant 48 : i32
        %add3A_925 = arith.addi %mul3A_888, %add3A_924 : i32
        %swap3A_926 = arith.index_cast %add3A_925 : i32 to index
        %swap3A_927 = tpu.vector_load %arg7[%swap3A_926] {strides = array<i32>} : memref<7168xi32, #tpu.memory_space<vmem>>, vector<16xi32>,
        tpu.vector_store %arg7[%swap3A_926], %add3A_923 {strides = array<i32>} : memref<7168xi32, #tpu.memory_space<vmem>>, vector<16xi32>,
        %mul3A_928 = arith.mulf %sub3A_822, %sub3A_831 : vector<16xf32>
        %select_n3A_929 = arith.select %and3A_853, %mul3A_928, %broadcast_in_dim3A_886 : vector<16xi1>, vector<16xf32>
        %add3A_930 = arith.constant 48 : i32
        %add3A_931 = arith.addi %mul3A_888, %add3A_930 : i32
        %swap3A_932 = arith.index_cast %add3A_931 : i32 to index
        %swap3A_933 = tpu.vector_load %arg9[%swap3A_932] {strides = array<i32>} : memref<7168xf32, #tpu.memory_space<vmem>>, vector<16xf32>,
        tpu.vector_store %arg9[%swap3A_932], %select_n3A_929 {strides = array<i32>} : memref<7168xf32, #tpu.memory_space<vmem>>, vector<16xf32>,
      }
      %scan3A_480 = arith.constant 112 : i32
      %dma_start3A_481 = arith.constant 0 : i32
      %dma_start3A_482 = tpu.memref_slice %arg10[%dma_start3A_481] : memref<634880xf32, #tpu.memory_space<vmem_shared>> -> memref<634880xf32, #tpu.memory_space<vmem_shared>>
      tpu.enqueue_indirect_dma source(%arg9 : memref<7168xf32, #tpu.memory_space<vmem>>) target(%dma_start3A_482 : memref<634880xf32, #tpu.memory_space<vmem_shared>>) offsets(%arg7 : memref<7168xi32, #tpu.memory_space<vmem>>) semaphore(%arg14 : memref<!tpu.dma_semaphore, #tpu.memory_space<semaphore_mem>>) {add = true}
      %add3A_483 = arith.constant 80 : i32
      %add3A_484 = arith.addi %arg1, %add3A_483 : i32
      %mul3A_485 = arith.constant 1792 : i32
      %mul3A_486 = arith.muli %add3A_484, %mul3A_485 : i32
      %mul3A_487 = arith.constant 6 : i32
      %mul3A_488 = arith.muli %add3A_9, %mul3A_487 : i32
      %mul3A_489 = arith.constant 200704 : i32
      %mul3A_490 = arith.muli %mul3A_488, %mul3A_489 : i32
      %add3A_491 = arith.addi %mul3A_490, %mul3A_486 : i32
      %add3A_492 = arith.constant 0 : i32
      %add3A_493 = arith.addi %add3A_491, %add3A_492 : i32
      %dma_start3A_494 = arith.constant 0 : i32
      %dma_start3A_495 = tpu.memref_slice %arg5[%dma_start3A_494] : memref<10752xf32, #tpu.memory_space<vmem>> -> memref<1792xf32, #tpu.memory_space<vmem>>
      %dma_start3A_496 = tpu.memref_slice %arg2[%add3A_493] : memref<9633792xf32, #tpu.memory_space<hbm>> -> memref<1792xf32, #tpu.memory_space<hbm>>
      %dma_start3A_497 = arith.constant 0 : i32
      %dma_start3A_498 = tpu.memref_slice %arg5[%dma_start3A_497] : memref<10752xf32, #tpu.memory_space<vmem>> -> memref<1792xf32, #tpu.memory_space<vmem>>
      %dma_start3A_499 = tpu.memref_slice %arg2[%add3A_493] : memref<9633792xf32, #tpu.memory_space<hbm>> -> memref<1792xf32, #tpu.memory_space<hbm>>
      tpu.enqueue_dma source(%dma_start3A_499 : memref<1792xf32, #tpu.memory_space<hbm>>) target(%dma_start3A_498 : memref<1792xf32, #tpu.memory_space<vmem>>) target_semaphore(%arg12 : memref<!tpu.dma_semaphore, #tpu.memory_space<semaphore_mem>>)
      %add3A_500 = arith.constant 200704 : i32
      %add3A_501 = arith.addi %add3A_491, %add3A_500 : i32
      %dma_start3A_502 = arith.constant 1792 : i32
      %dma_start3A_503 = tpu.memref_slice %arg5[%dma_start3A_502] : memref<10752xf32, #tpu.memory_space<vmem>> -> memref<1792xf32, #tpu.memory_space<vmem>>
      %dma_start3A_504 = tpu.memref_slice %arg2[%add3A_501] : memref<9633792xf32, #tpu.memory_space<hbm>> -> memref<1792xf32, #tpu.memory_space<hbm>>
      %dma_start3A_505 = arith.constant 1792 : i32
      %dma_start3A_506 = tpu.memref_slice %arg5[%dma_start3A_505] : memref<10752xf32, #tpu.memory_space<vmem>> -> memref<1792xf32, #tpu.memory_space<vmem>>
      %dma_start3A_507 = tpu.memref_slice %arg2[%add3A_501] : memref<9633792xf32, #tpu.memory_space<hbm>> -> memref<1792xf32, #tpu.memory_space<hbm>>
      tpu.enqueue_dma source(%dma_start3A_507 : memref<1792xf32, #tpu.memory_space<hbm>>) target(%dma_start3A_506 : memref<1792xf32, #tpu.memory_space<vmem>>) target_semaphore(%arg12 : memref<!tpu.dma_semaphore, #tpu.memory_space<semaphore_mem>>)
      %add3A_508 = arith.constant 401408 : i32
      %add3A_509 = arith.addi %add3A_491, %add3A_508 : i32
      %dma_start3A_510 = arith.constant 3584 : i32
      %dma_start3A_511 = tpu.memref_slice %arg5[%dma_start3A_510] : memref<10752xf32, #tpu.memory_space<vmem>> -> memref<1792xf32, #tpu.memory_space<vmem>>
      %dma_start3A_512 = tpu.memref_slice %arg2[%add3A_509] : memref<9633792xf32, #tpu.memory_space<hbm>> -> memref<1792xf32, #tpu.memory_space<hbm>>
      %dma_start3A_513 = arith.constant 3584 : i32
      %dma_start3A_514 = tpu.memref_slice %arg5[%dma_start3A_513] : memref<10752xf32, #tpu.memory_space<vmem>> -> memref<1792xf32, #tpu.memory_space<vmem>>
      %dma_start3A_515 = tpu.memref_slice %arg2[%add3A_509] : memref<9633792xf32, #tpu.memory_space<hbm>> -> memref<1792xf32, #tpu.memory_space<hbm>>
      tpu.enqueue_dma source(%dma_start3A_515 : memref<1792xf32, #tpu.memory_space<hbm>>) target(%dma_start3A_514 : memref<1792xf32, #tpu.memory_space<vmem>>) target_semaphore(%arg12 : memref<!tpu.dma_semaphore, #tpu.memory_space<semaphore_mem>>)
      %add3A_516 = arith.constant 602112 : i32
      %add3A_517 = arith.addi %add3A_491, %add3A_516 : i32
      %dma_start3A_518 = arith.constant 5376 : i32
      %dma_start3A_519 = tpu.memref_slice %arg5[%dma_start3A_518] : memref<10752xf32, #tpu.memory_space<vmem>> -> memref<1792xf32, #tpu.memory_space<vmem>>
      %dma_start3A_520 = tpu.memref_slice %arg2[%add3A_517] : memref<9633792xf32, #tpu.memory_space<hbm>> -> memref<1792xf32, #tpu.memory_space<hbm>>
      %dma_start3A_521 = arith.constant 5376 : i32
      %dma_start3A_522 = tpu.memref_slice %arg5[%dma_start3A_521] : memref<10752xf32, #tpu.memory_space<vmem>> -> memref<1792xf32, #tpu.memory_space<vmem>>
      %dma_start3A_523 = tpu.memref_slice %arg2[%add3A_517] : memref<9633792xf32, #tpu.memory_space<hbm>> -> memref<1792xf32, #tpu.memory_space<hbm>>
      tpu.enqueue_dma source(%dma_start3A_523 : memref<1792xf32, #tpu.memory_space<hbm>>) target(%dma_start3A_522 : memref<1792xf32, #tpu.memory_space<vmem>>) target_semaphore(%arg12 : memref<!tpu.dma_semaphore, #tpu.memory_space<semaphore_mem>>)
      %add3A_524 = arith.constant 802816 : i32
      %add3A_525 = arith.addi %add3A_491, %add3A_524 : i32
      %dma_start3A_526 = arith.constant 7168 : i32
      %dma_start3A_527 = tpu.memref_slice %arg5[%dma_start3A_526] : memref<10752xf32, #tpu.memory_space<vmem>> -> memref<1792xf32, #tpu.memory_space<vmem>>
      %dma_start3A_528 = tpu.memref_slice %arg2[%add3A_525] : memref<9633792xf32, #tpu.memory_space<hbm>> -> memref<1792xf32, #tpu.memory_space<hbm>>
      %dma_start3A_529 = arith.constant 7168 : i32
      %dma_start3A_530 = tpu.memref_slice %arg5[%dma_start3A_529] : memref<10752xf32, #tpu.memory_space<vmem>> -> memref<1792xf32, #tpu.memory_space<vmem>>
      %dma_start3A_531 = tpu.memref_slice %arg2[%add3A_525] : memref<9633792xf32, #tpu.memory_space<hbm>> -> memref<1792xf32, #tpu.memory_space<hbm>>
      tpu.enqueue_dma source(%dma_start3A_531 : memref<1792xf32, #tpu.memory_space<hbm>>) target(%dma_start3A_530 : memref<1792xf32, #tpu.memory_space<vmem>>) target_semaphore(%arg12 : memref<!tpu.dma_semaphore, #tpu.memory_space<semaphore_mem>>)
      %add3A_532 = arith.constant 1003520 : i32
      %add3A_533 = arith.addi %add3A_491, %add3A_532 : i32
      %dma_start3A_534 = arith.constant 8960 : i32
      %dma_start3A_535 = tpu.memref_slice %arg5[%dma_start3A_534] : memref<10752xf32, #tpu.memory_space<vmem>> -> memref<1792xf32, #tpu.memory_space<vmem>>
      %dma_start3A_536 = tpu.memref_slice %arg2[%add3A_533] : memref<9633792xf32, #tpu.memory_space<hbm>> -> memref<1792xf32, #tpu.memory_space<hbm>>
      %dma_start3A_537 = arith.constant 8960 : i32
      %dma_start3A_538 = tpu.memref_slice %arg5[%dma_start3A_537] : memref<10752xf32, #tpu.memory_space<vmem>> -> memref<1792xf32, #tpu.memory_space<vmem>>
      %dma_start3A_539 = tpu.memref_slice %arg2[%add3A_533] : memref<9633792xf32, #tpu.memory_space<hbm>> -> memref<1792xf32, #tpu.memory_space<hbm>>
      tpu.enqueue_dma source(%dma_start3A_539 : memref<1792xf32, #tpu.memory_space<hbm>>) target(%dma_start3A_538 : memref<1792xf32, #tpu.memory_space<vmem>>) target_semaphore(%arg12 : memref<!tpu.dma_semaphore, #tpu.memory_space<semaphore_mem>>)
      %dma_wait3A_540 = arith.constant 0 : i32
      %dma_wait3A_541 = tpu.memref_slice %arg4[%dma_wait3A_540] : memref<10752xf32, #tpu.memory_space<vmem>> -> memref<1792xf32, #tpu.memory_space<vmem>>
      %dma_wait3A_542 = tpu.memref_slice %arg2[%add3A_391] : memref<9633792xf32, #tpu.memory_space<hbm>> -> memref<1792xf32, #tpu.memory_space<hbm>>
      %dma_wait3A_543 = arith.constant 0 : i32
      %dma_wait3A_544 = tpu.memref_slice %arg4[%dma_wait3A_543] : memref<10752xf32, #tpu.memory_space<vmem>> -> memref<1792xf32, #tpu.memory_space<vmem>>
      %dma_wait3A_545 = tpu.memref_slice %arg2[%add3A_391] : memref<9633792xf32, #tpu.memory_space<hbm>> -> memref<1792xf32, #tpu.memory_space<hbm>>
      tpu.wait_dma2 semaphore(%arg11 : memref<!tpu.dma_semaphore, #tpu.memory_space<semaphore_mem>>) src(%dma_wait3A_545 : memref<1792xf32, #tpu.memory_space<hbm>>) dst(%dma_wait3A_544 : memref<1792xf32, #tpu.memory_space<vmem>>)
      %dma_wait3A_546 = arith.constant 1792 : i32
      %dma_wait3A_547 = tpu.memref_slice %arg4[%dma_wait3A_546] : memref<10752xf32, #tpu.memory_space<vmem>> -> memref<1792xf32, #tpu.memory_space<vmem>>
      %dma_wait3A_548 = tpu.memref_slice %arg2[%add3A_399] : memref<9633792xf32, #tpu.memory_space<hbm>> -> memref<1792xf32, #tpu.memory_space<hbm>>
      %dma_wait3A_549 = arith.constant 1792 : i32
      %dma_wait3A_550 = tpu.memref_slice %arg4[%dma_wait3A_549] : memref<10752xf32, #tpu.memory_space<vmem>> -> memref<1792xf32, #tpu.memory_space<vmem>>
      %dma_wait3A_551 = tpu.memref_slice %arg2[%add3A_399] : memref<9633792xf32, #tpu.memory_space<hbm>> -> memref<1792xf32, #tpu.memory_space<hbm>>
      tpu.wait_dma2 semaphore(%arg11 : memref<!tpu.dma_semaphore, #tpu.memory_space<semaphore_mem>>) src(%dma_wait3A_551 : memref<1792xf32, #tpu.memory_space<hbm>>) dst(%dma_wait3A_550 : memref<1792xf32, #tpu.memory_space<vmem>>)
      %dma_wait3A_552 = arith.constant 3584 : i32
      %dma_wait3A_553 = tpu.memref_slice %arg4[%dma_wait3A_552] : memref<10752xf32, #tpu.memory_space<vmem>> -> memref<1792xf32, #tpu.memory_space<vmem>>
      %dma_wait3A_554 = tpu.memref_slice %arg2[%add3A_407] : memref<9633792xf32, #tpu.memory_space<hbm>> -> memref<1792xf32, #tpu.memory_space<hbm>>
      %dma_wait3A_555 = arith.constant 3584 : i32
      %dma_wait3A_556 = tpu.memref_slice %arg4[%dma_wait3A_555] : memref<10752xf32, #tpu.memory_space<vmem>> -> memref<1792xf32, #tpu.memory_space<vmem>>
      %dma_wait3A_557 = tpu.memref_slice %arg2[%add3A_407] : memref<9633792xf32, #tpu.memory_space<hbm>> -> memref<1792xf32, #tpu.memory_space<hbm>>
      tpu.wait_dma2 semaphore(%arg11 : memref<!tpu.dma_semaphore, #tpu.memory_space<semaphore_mem>>) src(%dma_wait3A_557 : memref<1792xf32, #tpu.memory_space<hbm>>) dst(%dma_wait3A_556 : memref<1792xf32, #tpu.memory_space<vmem>>)
      %dma_wait3A_558 = arith.constant 5376 : i32
      %dma_wait3A_559 = tpu.memref_slice %arg4[%dma_wait3A_558] : memref<10752xf32, #tpu.memory_space<vmem>> -> memref<1792xf32, #tpu.memory_space<vmem>>
      %dma_wait3A_560 = tpu.memref_slice %arg2[%add3A_415] : memref<9633792xf32, #tpu.memory_space<hbm>> -> memref<1792xf32, #tpu.memory_space<hbm>>
      %dma_wait3A_561 = arith.constant 5376 : i32
      %dma_wait3A_562 = tpu.memref_slice %arg4[%dma_wait3A_561] : memref<10752xf32, #tpu.memory_space<vmem>> -> memref<1792xf32, #tpu.memory_space<vmem>>
      %dma_wait3A_563 = tpu.memref_slice %arg2[%add3A_415] : memref<9633792xf32, #tpu.memory_space<hbm>> -> memref<1792xf32, #tpu.memory_space<hbm>>
      tpu.wait_dma2 semaphore(%arg11 : memref<!tpu.dma_semaphore, #tpu.memory_space<semaphore_mem>>) src(%dma_wait3A_563 : memref<1792xf32, #tpu.memory_space<hbm>>) dst(%dma_wait3A_562 : memref<1792xf32, #tpu.memory_space<vmem>>)
      %dma_wait3A_564 = arith.constant 7168 : i32
      %dma_wait3A_565 = tpu.memref_slice %arg4[%dma_wait3A_564] : memref<10752xf32, #tpu.memory_space<vmem>> -> memref<1792xf32, #tpu.memory_space<vmem>>
      %dma_wait3A_566 = tpu.memref_slice %arg2[%add3A_423] : memref<9633792xf32, #tpu.memory_space<hbm>> -> memref<1792xf32, #tpu.memory_space<hbm>>
      %dma_wait3A_567 = arith.constant 7168 : i32
      %dma_wait3A_568 = tpu.memref_slice %arg4[%dma_wait3A_567] : memref<10752xf32, #tpu.memory_space<vmem>> -> memref<1792xf32, #tpu.memory_space<vmem>>
      %dma_wait3A_569 = tpu.memref_slice %arg2[%add3A_423] : memref<9633792xf32, #tpu.memory_space<hbm>> -> memref<1792xf32, #tpu.memory_space<hbm>>
      tpu.wait_dma2 semaphore(%arg11 : memref<!tpu.dma_semaphore, #tpu.memory_space<semaphore_mem>>) src(%dma_wait3A_569 : memref<1792xf32, #tpu.memory_space<hbm>>) dst(%dma_wait3A_568 : memref<1792xf32, #tpu.memory_space<vmem>>)
      %dma_wait3A_570 = arith.constant 8960 : i32
      %dma_wait3A_571 = tpu.memref_slice %arg4[%dma_wait3A_570] : memref<10752xf32, #tpu.memory_space<vmem>> -> memref<1792xf32, #tpu.memory_space<vmem>>
      %dma_wait3A_572 = tpu.memref_slice %arg2[%add3A_431] : memref<9633792xf32, #tpu.memory_space<hbm>> -> memref<1792xf32, #tpu.memory_space<hbm>>
      %dma_wait3A_573 = arith.constant 8960 : i32
      %dma_wait3A_574 = tpu.memref_slice %arg4[%dma_wait3A_573] : memref<10752xf32, #tpu.memory_space<vmem>> -> memref<1792xf32, #tpu.memory_space<vmem>>
      %dma_wait3A_575 = tpu.memref_slice %arg2[%add3A_431] : memref<9633792xf32, #tpu.memory_space<hbm>> -> memref<1792xf32, #tpu.memory_space<hbm>>
      tpu.wait_dma2 semaphore(%arg11 : memref<!tpu.dma_semaphore, #tpu.memory_space<semaphore_mem>>) src(%dma_wait3A_575 : memref<1792xf32, #tpu.memory_space<hbm>>) dst(%dma_wait3A_574 : memref<1792xf32, #tpu.memory_space<vmem>>)
      %dma_wait3A_576 = arith.constant 0 : i32
      %dma_wait3A_577 = tpu.memref_slice %arg10[%dma_wait3A_576] : memref<634880xf32, #tpu.memory_space<vmem_shared>> -> memref<634880xf32, #tpu.memory_space<vmem_shared>>
      tpu.wait_indirect_dma semaphore(%arg13 : memref<!tpu.dma_semaphore, #tpu.memory_space<semaphore_mem>>) src(%arg8 : memref<7168xf32, #tpu.memory_space<vmem>>) dst(%dma_wait3A_577 : memref<634880xf32, #tpu.memory_space<vmem_shared>>)
      %scan3A_578 = arith.constant 0 : i32
      %scan3A_579 = arith.constant 112 : i32
      %scan3A_580 = arith.addi %scan3A_578, %scan3A_579 : i32
      %scan3A_581 = arith.constant 1 : i32
      scf.for %scan3A_780 = %scan3A_578 to %scan3A_580 step %scan3A_581  : i32 {
        %mul3A_781 = arith.constant 1 : i32
        %mul3A_782 = arith.muli %scan3A_780, %mul3A_781 : i32
        %add3A_783 = arith.constant 0 : i32
        %add3A_784 = arith.addi %add3A_783, %mul3A_782 : i32
        %mul3A_785 = arith.constant 16 : i32
        %mul3A_786 = arith.muli %add3A_784, %mul3A_785 : i32
        %get3A = arith.index_cast %mul3A_786 : i32 to index
        %get3A_787 = tpu.vector_load %arg4[%get3A] {strides = array<i32>} : memref<10752xf32, #tpu.memory_space<vmem>>, vector<16xf32>,
        %add3A_788 = arith.constant 1792 : i32
        %add3A_789 = arith.addi %add3A_788, %mul3A_786 : i32
        %get3A_790 = arith.index_cast %add3A_789 : i32 to index
        %get3A_791 = tpu.vector_load %arg4[%get3A_790] {strides = array<i32>} : memref<10752xf32, #tpu.memory_space<vmem>>, vector<16xf32>,
        %add3A_792 = arith.constant 3584 : i32
        %add3A_793 = arith.addi %add3A_792, %mul3A_786 : i32
        %get3A_794 = arith.index_cast %add3A_793 : i32 to index
        %get3A_795 = tpu.vector_load %arg4[%get3A_794] {strides = array<i32>} : memref<10752xf32, #tpu.memory_space<vmem>>, vector<16xf32>,
        %add3A_796 = arith.constant 5376 : i32
        %add3A_797 = arith.addi %add3A_796, %mul3A_786 : i32
        %get3A_798 = arith.index_cast %add3A_797 : i32 to index
        %get3A_799 = tpu.vector_load %arg4[%get3A_798] {strides = array<i32>} : memref<10752xf32, #tpu.memory_space<vmem>>, vector<16xf32>,
        %add3A_800 = arith.constant 7168 : i32
        %add3A_801 = arith.addi %add3A_800, %mul3A_786 : i32
        %get3A_802 = arith.index_cast %add3A_801 : i32 to index
        %get3A_803 = tpu.vector_load %arg4[%get3A_802] {strides = array<i32>} : memref<10752xf32, #tpu.memory_space<vmem>>, vector<16xf32>,
        %add3A_804 = arith.constant 8960 : i32
        %add3A_805 = arith.addi %add3A_804, %mul3A_786 : i32
        %get3A_806 = arith.index_cast %add3A_805 : i32 to index
        %get3A_807 = tpu.vector_load %arg4[%get3A_806] {strides = array<i32>} : memref<10752xf32, #tpu.memory_space<vmem>>, vector<16xf32>,
        %sub3A_808 = arith.constant 1.000000e+00 : f32
        %sub3A_809 = vector.broadcast %sub3A_808 : f32 to vector<16xf32>
        %sub3A_810 = arith.subf %sub3A_809, %get3A_787 : vector<16xf32>
        %mul3A_811 = arith.mulf %sub3A_810, %get3A_799 : vector<16xf32>
        %add3A_812 = arith.addf %get3A_791, %mul3A_811 : vector<16xf32>
        %mul3A_813 = arith.mulf %sub3A_810, %get3A_803 : vector<16xf32>
        %add3A_814 = arith.addf %get3A_795, %mul3A_813 : vector<16xf32>
        %add3A_815 = arith.constant 5.120000e+02 : f32
        %add3A_816 = vector.broadcast %add3A_815 : f32 to vector<16xf32>
        %add3A_817 = arith.addf %add3A_812, %add3A_816 : vector<16xf32>
        %convert_element_type3A = arith.fptosi %add3A_817 : vector<16xf32> to vector<16xi32>
        %convert_element_type3A_818 = arith.sitofp %convert_element_type3A : vector<16xi32> to vector<16xf32>
        %sub3A_819 = arith.constant 5.120000e+02 : f32
        %sub3A_820 = vector.broadcast %sub3A_819 : f32 to vector<16xf32>
        %sub3A_821 = arith.subf %convert_element_type3A_818, %sub3A_820 : vector<16xf32>
        %sub3A_822 = arith.subf %add3A_812, %sub3A_821 : vector<16xf32>
        %add3A_823 = arith.constant 5.120000e+02 : f32
        %add3A_824 = vector.broadcast %add3A_823 : f32 to vector<16xf32>
        %add3A_825 = arith.addf %add3A_814, %add3A_824 : vector<16xf32>
        %convert_element_type3A_826 = arith.fptosi %add3A_825 : vector<16xf32> to vector<16xi32>
        %convert_element_type3A_827 = arith.sitofp %convert_element_type3A_826 : vector<16xi32> to vector<16xf32>
        %sub3A_828 = arith.constant 5.120000e+02 : f32
        %sub3A_829 = vector.broadcast %sub3A_828 : f32 to vector<16xf32>
        %sub3A_830 = arith.subf %convert_element_type3A_827, %sub3A_829 : vector<16xf32>
        %sub3A_831 = arith.subf %add3A_814, %sub3A_830 : vector<16xf32>
        %sub3A_832 = arith.constant 504 : i32
        %sub3A_833 = vector.broadcast %sub3A_832 : i32 to vector<16xi32>
        %sub3A_834 = arith.subi %convert_element_type3A, %sub3A_833 : vector<16xi32>
        %max3A = arith.constant 0 : i32
        %max3A_835 = vector.broadcast %max3A : i32 to vector<16xi32>
        %max3A_836 = arith.maxsi %sub3A_834, %max3A_835 : vector<16xi32>
        %min3A = arith.constant 494 : i32
        %min3A_837 = vector.broadcast %min3A : i32 to vector<16xi32>
        %min3A_838 = arith.minsi %max3A_836, %min3A_837 : vector<16xi32>
        %sub3A_839 = arith.constant 512 : i32
        %sub3A_840 = vector.broadcast %sub3A_839 : i32 to vector<16xi32>
        %sub3A_841 = arith.subi %convert_element_type3A_826, %sub3A_840 : vector<16xi32>
        %ge3A = arith.constant 0 : i32
        %ge3A_842 = vector.broadcast %ge3A : i32 to vector<16xi32>
        %ge3A_843 = arith.cmpi sge, %sub3A_841, %ge3A_842 : vector<16xi32>
        %le3A = arith.constant 639 : i32
        %le3A_844 = vector.broadcast %le3A : i32 to vector<16xi32>
        %le3A_845 = arith.cmpi sle, %sub3A_841, %le3A_844 : vector<16xi32>
        %and3A_846 = arith.andi %ge3A_843, %le3A_845 : vector<16xi1>
        %ge3A_847 = arith.constant -1 : i32
        %ge3A_848 = vector.broadcast %ge3A_847 : i32 to vector<16xi32>
        %ge3A_849 = arith.cmpi sge, %sub3A_841, %ge3A_848 : vector<16xi32>
        %le3A_850 = arith.constant 638 : i32
        %le3A_851 = vector.broadcast %le3A_850 : i32 to vector<16xi32>
        %le3A_852 = arith.cmpi sle, %sub3A_841, %le3A_851 : vector<16xi32>
        %and3A_853 = arith.andi %ge3A_849, %le3A_852 : vector<16xi1>
        %max3A_854 = arith.constant 0 : i32
        %max3A_855 = vector.broadcast %max3A_854 : i32 to vector<16xi32>
        %max3A_856 = arith.maxsi %sub3A_841, %max3A_855 : vector<16xi32>
        %min3A_857 = arith.constant 639 : i32
        %min3A_858 = vector.broadcast %min3A_857 : i32 to vector<16xi32>
        %min3A_859 = arith.minsi %max3A_856, %min3A_858 : vector<16xi32>
        %add3A_860 = arith.constant 1 : i32
        %add3A_861 = vector.broadcast %add3A_860 : i32 to vector<16xi32>
        %add3A_862 = arith.addi %sub3A_841, %add3A_861 : vector<16xi32>
        %max3A_863 = arith.constant 0 : i32
        %max3A_864 = vector.broadcast %max3A_863 : i32 to vector<16xi32>
        %max3A_865 = arith.maxsi %add3A_862, %max3A_864 : vector<16xi32>
        %min3A_866 = arith.constant 639 : i32
        %min3A_867 = vector.broadcast %min3A_866 : i32 to vector<16xi32>
        %min3A_868 = arith.minsi %max3A_865, %min3A_867 : vector<16xi32>
        %convert_element_type3A_869 = arith.fptosi %get3A_807 : vector<16xf32> to vector<16xi32>
        %sub3A_870 = arith.constant 1 : i32
        %sub3A_871 = vector.broadcast %sub3A_870 : i32 to vector<16xi32>
        %sub3A_872 = arith.subi %sub3A_871, %convert_element_type3A_869 : vector<16xi32>
        %mul3A_873 = arith.constant 317440 : i32
        %mul3A_874 = vector.broadcast %mul3A_873 : i32 to vector<16xi32>
        %mul3A_875 = arith.muli %sub3A_872, %mul3A_874 : vector<16xi32>
        %mul3A_876 = arith.constant 640 : i32
        %mul3A_877 = vector.broadcast %mul3A_876 : i32 to vector<16xi32>
        %mul3A_878 = arith.muli %min3A_838, %mul3A_877 : vector<16xi32>
        %add3A_879 = arith.addi %mul3A_875, %mul3A_878 : vector<16xi32>
        %sub3A_880 = arith.constant 1.000000e+00 : f32
        %sub3A_881 = vector.broadcast %sub3A_880 : f32 to vector<16xf32>
        %sub3A_882 = arith.subf %sub3A_881, %sub3A_822 : vector<16xf32>
        %sub3A_883 = arith.constant 1.000000e+00 : f32
        %sub3A_884 = vector.broadcast %sub3A_883 : f32 to vector<16xf32>
        %sub3A_885 = arith.subf %sub3A_884, %sub3A_831 : vector<16xf32>
        %broadcast_in_dim3A = arith.constant 0.000000e+00 : f32
        %broadcast_in_dim3A_886 = vector.broadcast %broadcast_in_dim3A : f32 to vector<16xf32>
        %mul3A_887 = arith.constant 64 : i32
        %mul3A_888 = arith.muli %add3A_784, %mul3A_887 : i32
        %add3A_889 = arith.addi %add3A_879, %min3A_859 : vector<16xi32>
        %swap3A = arith.index_cast %mul3A_888 : i32 to index
        %swap3A_890 = tpu.vector_load %arg6[%swap3A] {strides = array<i32>} : memref<7168xi32, #tpu.memory_space<vmem>>, vector<16xi32>,
        tpu.vector_store %arg6[%swap3A], %add3A_889 {strides = array<i32>} : memref<7168xi32, #tpu.memory_space<vmem>>, vector<16xi32>,
        %mul3A_891 = arith.mulf %sub3A_882, %sub3A_885 : vector<16xf32>
        %select_n3A_892 = arith.select %and3A_846, %mul3A_891, %broadcast_in_dim3A_886 : vector<16xi1>, vector<16xf32>
        %swap3A_893 = arith.index_cast %mul3A_888 : i32 to index
        %swap3A_894 = tpu.vector_load %arg8[%swap3A_893] {strides = array<i32>} : memref<7168xf32, #tpu.memory_space<vmem>>, vector<16xf32>,
        tpu.vector_store %arg8[%swap3A_893], %select_n3A_892 {strides = array<i32>} : memref<7168xf32, #tpu.memory_space<vmem>>, vector<16xf32>,
        %add3A_895 = arith.addi %add3A_879, %min3A_868 : vector<16xi32>
        %add3A_896 = arith.constant 16 : i32
        %add3A_897 = arith.addi %mul3A_888, %add3A_896 : i32
        %swap3A_898 = arith.index_cast %add3A_897 : i32 to index
        %swap3A_899 = tpu.vector_load %arg6[%swap3A_898] {strides = array<i32>} : memref<7168xi32, #tpu.memory_space<vmem>>, vector<16xi32>,
        tpu.vector_store %arg6[%swap3A_898], %add3A_895 {strides = array<i32>} : memref<7168xi32, #tpu.memory_space<vmem>>, vector<16xi32>,
        %mul3A_900 = arith.mulf %sub3A_882, %sub3A_831 : vector<16xf32>
        %select_n3A_901 = arith.select %and3A_853, %mul3A_900, %broadcast_in_dim3A_886 : vector<16xi1>, vector<16xf32>
        %add3A_902 = arith.constant 16 : i32
        %add3A_903 = arith.addi %mul3A_888, %add3A_902 : i32
        %swap3A_904 = arith.index_cast %add3A_903 : i32 to index
        %swap3A_905 = tpu.vector_load %arg8[%swap3A_904] {strides = array<i32>} : memref<7168xf32, #tpu.memory_space<vmem>>, vector<16xf32>,
        tpu.vector_store %arg8[%swap3A_904], %select_n3A_901 {strides = array<i32>} : memref<7168xf32, #tpu.memory_space<vmem>>, vector<16xf32>,
        %add3A_906 = arith.constant 640 : i32
        %add3A_907 = vector.broadcast %add3A_906 : i32 to vector<16xi32>
        %add3A_908 = arith.addi %add3A_879, %add3A_907 : vector<16xi32>
        %add3A_909 = arith.addi %add3A_908, %min3A_859 : vector<16xi32>
        %add3A_910 = arith.constant 32 : i32
        %add3A_911 = arith.addi %mul3A_888, %add3A_910 : i32
        %swap3A_912 = arith.index_cast %add3A_911 : i32 to index
        %swap3A_913 = tpu.vector_load %arg6[%swap3A_912] {strides = array<i32>} : memref<7168xi32, #tpu.memory_space<vmem>>, vector<16xi32>,
        tpu.vector_store %arg6[%swap3A_912], %add3A_909 {strides = array<i32>} : memref<7168xi32, #tpu.memory_space<vmem>>, vector<16xi32>,
        %mul3A_914 = arith.mulf %sub3A_822, %sub3A_885 : vector<16xf32>
        %select_n3A_915 = arith.select %and3A_846, %mul3A_914, %broadcast_in_dim3A_886 : vector<16xi1>, vector<16xf32>
        %add3A_916 = arith.constant 32 : i32
        %add3A_917 = arith.addi %mul3A_888, %add3A_916 : i32
        %swap3A_918 = arith.index_cast %add3A_917 : i32 to index
        %swap3A_919 = tpu.vector_load %arg8[%swap3A_918] {strides = array<i32>} : memref<7168xf32, #tpu.memory_space<vmem>>, vector<16xf32>,
        tpu.vector_store %arg8[%swap3A_918], %select_n3A_915 {strides = array<i32>} : memref<7168xf32, #tpu.memory_space<vmem>>, vector<16xf32>,
        %add3A_920 = arith.constant 640 : i32
        %add3A_921 = vector.broadcast %add3A_920 : i32 to vector<16xi32>
        %add3A_922 = arith.addi %add3A_879, %add3A_921 : vector<16xi32>
        %add3A_923 = arith.addi %add3A_922, %min3A_868 : vector<16xi32>
        %add3A_924 = arith.constant 48 : i32
        %add3A_925 = arith.addi %mul3A_888, %add3A_924 : i32
        %swap3A_926 = arith.index_cast %add3A_925 : i32 to index
        %swap3A_927 = tpu.vector_load %arg6[%swap3A_926] {strides = array<i32>} : memref<7168xi32, #tpu.memory_space<vmem>>, vector<16xi32>,
        tpu.vector_store %arg6[%swap3A_926], %add3A_923 {strides = array<i32>} : memref<7168xi32, #tpu.memory_space<vmem>>, vector<16xi32>,
        %mul3A_928 = arith.mulf %sub3A_822, %sub3A_831 : vector<16xf32>
        %select_n3A_929 = arith.select %and3A_853, %mul3A_928, %broadcast_in_dim3A_886 : vector<16xi1>, vector<16xf32>
        %add3A_930 = arith.constant 48 : i32
        %add3A_931 = arith.addi %mul3A_888, %add3A_930 : i32
        %swap3A_932 = arith.index_cast %add3A_931 : i32 to index
        %swap3A_933 = tpu.vector_load %arg8[%swap3A_932] {strides = array<i32>} : memref<7168xf32, #tpu.memory_space<vmem>>, vector<16xf32>,
        tpu.vector_store %arg8[%swap3A_932], %select_n3A_929 {strides = array<i32>} : memref<7168xf32, #tpu.memory_space<vmem>>, vector<16xf32>,
      }
      %scan3A_582 = arith.constant 112 : i32
      %dma_start3A_583 = arith.constant 0 : i32
      %dma_start3A_584 = tpu.memref_slice %arg10[%dma_start3A_583] : memref<634880xf32, #tpu.memory_space<vmem_shared>> -> memref<634880xf32, #tpu.memory_space<vmem_shared>>
      tpu.enqueue_indirect_dma source(%arg8 : memref<7168xf32, #tpu.memory_space<vmem>>) target(%dma_start3A_584 : memref<634880xf32, #tpu.memory_space<vmem_shared>>) offsets(%arg6 : memref<7168xi32, #tpu.memory_space<vmem>>) semaphore(%arg13 : memref<!tpu.dma_semaphore, #tpu.memory_space<semaphore_mem>>) {add = true}
      %add3A_585 = arith.constant 96 : i32
      %add3A_586 = arith.addi %arg1, %add3A_585 : i32
      %mul3A_587 = arith.constant 1792 : i32
      %mul3A_588 = arith.muli %add3A_586, %mul3A_587 : i32
      %mul3A_589 = arith.constant 6 : i32
      %mul3A_590 = arith.muli %add3A_9, %mul3A_589 : i32
      %mul3A_591 = arith.constant 200704 : i32
      %mul3A_592 = arith.muli %mul3A_590, %mul3A_591 : i32
      %add3A_593 = arith.addi %mul3A_592, %mul3A_588 : i32
      %add3A_594 = arith.constant 0 : i32
      %add3A_595 = arith.addi %add3A_593, %add3A_594 : i32
      %dma_start3A_596 = arith.constant 0 : i32
      %dma_start3A_597 = tpu.memref_slice %arg4[%dma_start3A_596] : memref<10752xf32, #tpu.memory_space<vmem>> -> memref<1792xf32, #tpu.memory_space<vmem>>
      %dma_start3A_598 = tpu.memref_slice %arg2[%add3A_595] : memref<9633792xf32, #tpu.memory_space<hbm>> -> memref<1792xf32, #tpu.memory_space<hbm>>
      %dma_start3A_599 = arith.constant 0 : i32
      %dma_start3A_600 = tpu.memref_slice %arg4[%dma_start3A_599] : memref<10752xf32, #tpu.memory_space<vmem>> -> memref<1792xf32, #tpu.memory_space<vmem>>
      %dma_start3A_601 = tpu.memref_slice %arg2[%add3A_595] : memref<9633792xf32, #tpu.memory_space<hbm>> -> memref<1792xf32, #tpu.memory_space<hbm>>
      tpu.enqueue_dma source(%dma_start3A_601 : memref<1792xf32, #tpu.memory_space<hbm>>) target(%dma_start3A_600 : memref<1792xf32, #tpu.memory_space<vmem>>) target_semaphore(%arg11 : memref<!tpu.dma_semaphore, #tpu.memory_space<semaphore_mem>>)
      %add3A_602 = arith.constant 200704 : i32
      %add3A_603 = arith.addi %add3A_593, %add3A_602 : i32
      %dma_start3A_604 = arith.constant 1792 : i32
      %dma_start3A_605 = tpu.memref_slice %arg4[%dma_start3A_604] : memref<10752xf32, #tpu.memory_space<vmem>> -> memref<1792xf32, #tpu.memory_space<vmem>>
      %dma_start3A_606 = tpu.memref_slice %arg2[%add3A_603] : memref<9633792xf32, #tpu.memory_space<hbm>> -> memref<1792xf32, #tpu.memory_space<hbm>>
      %dma_start3A_607 = arith.constant 1792 : i32
      %dma_start3A_608 = tpu.memref_slice %arg4[%dma_start3A_607] : memref<10752xf32, #tpu.memory_space<vmem>> -> memref<1792xf32, #tpu.memory_space<vmem>>
      %dma_start3A_609 = tpu.memref_slice %arg2[%add3A_603] : memref<9633792xf32, #tpu.memory_space<hbm>> -> memref<1792xf32, #tpu.memory_space<hbm>>
      tpu.enqueue_dma source(%dma_start3A_609 : memref<1792xf32, #tpu.memory_space<hbm>>) target(%dma_start3A_608 : memref<1792xf32, #tpu.memory_space<vmem>>) target_semaphore(%arg11 : memref<!tpu.dma_semaphore, #tpu.memory_space<semaphore_mem>>)
      %add3A_610 = arith.constant 401408 : i32
      %add3A_611 = arith.addi %add3A_593, %add3A_610 : i32
      %dma_start3A_612 = arith.constant 3584 : i32
      %dma_start3A_613 = tpu.memref_slice %arg4[%dma_start3A_612] : memref<10752xf32, #tpu.memory_space<vmem>> -> memref<1792xf32, #tpu.memory_space<vmem>>
      %dma_start3A_614 = tpu.memref_slice %arg2[%add3A_611] : memref<9633792xf32, #tpu.memory_space<hbm>> -> memref<1792xf32, #tpu.memory_space<hbm>>
      %dma_start3A_615 = arith.constant 3584 : i32
      %dma_start3A_616 = tpu.memref_slice %arg4[%dma_start3A_615] : memref<10752xf32, #tpu.memory_space<vmem>> -> memref<1792xf32, #tpu.memory_space<vmem>>
      %dma_start3A_617 = tpu.memref_slice %arg2[%add3A_611] : memref<9633792xf32, #tpu.memory_space<hbm>> -> memref<1792xf32, #tpu.memory_space<hbm>>
      tpu.enqueue_dma source(%dma_start3A_617 : memref<1792xf32, #tpu.memory_space<hbm>>) target(%dma_start3A_616 : memref<1792xf32, #tpu.memory_space<vmem>>) target_semaphore(%arg11 : memref<!tpu.dma_semaphore, #tpu.memory_space<semaphore_mem>>)
      %add3A_618 = arith.constant 602112 : i32
      %add3A_619 = arith.addi %add3A_593, %add3A_618 : i32
      %dma_start3A_620 = arith.constant 5376 : i32
      %dma_start3A_621 = tpu.memref_slice %arg4[%dma_start3A_620] : memref<10752xf32, #tpu.memory_space<vmem>> -> memref<1792xf32, #tpu.memory_space<vmem>>
      %dma_start3A_622 = tpu.memref_slice %arg2[%add3A_619] : memref<9633792xf32, #tpu.memory_space<hbm>> -> memref<1792xf32, #tpu.memory_space<hbm>>
      %dma_start3A_623 = arith.constant 5376 : i32
      %dma_start3A_624 = tpu.memref_slice %arg4[%dma_start3A_623] : memref<10752xf32, #tpu.memory_space<vmem>> -> memref<1792xf32, #tpu.memory_space<vmem>>
      %dma_start3A_625 = tpu.memref_slice %arg2[%add3A_619] : memref<9633792xf32, #tpu.memory_space<hbm>> -> memref<1792xf32, #tpu.memory_space<hbm>>
      tpu.enqueue_dma source(%dma_start3A_625 : memref<1792xf32, #tpu.memory_space<hbm>>) target(%dma_start3A_624 : memref<1792xf32, #tpu.memory_space<vmem>>) target_semaphore(%arg11 : memref<!tpu.dma_semaphore, #tpu.memory_space<semaphore_mem>>)
      %add3A_626 = arith.constant 802816 : i32
      %add3A_627 = arith.addi %add3A_593, %add3A_626 : i32
      %dma_start3A_628 = arith.constant 7168 : i32
      %dma_start3A_629 = tpu.memref_slice %arg4[%dma_start3A_628] : memref<10752xf32, #tpu.memory_space<vmem>> -> memref<1792xf32, #tpu.memory_space<vmem>>
      %dma_start3A_630 = tpu.memref_slice %arg2[%add3A_627] : memref<9633792xf32, #tpu.memory_space<hbm>> -> memref<1792xf32, #tpu.memory_space<hbm>>
      %dma_start3A_631 = arith.constant 7168 : i32
      %dma_start3A_632 = tpu.memref_slice %arg4[%dma_start3A_631] : memref<10752xf32, #tpu.memory_space<vmem>> -> memref<1792xf32, #tpu.memory_space<vmem>>
      %dma_start3A_633 = tpu.memref_slice %arg2[%add3A_627] : memref<9633792xf32, #tpu.memory_space<hbm>> -> memref<1792xf32, #tpu.memory_space<hbm>>
      tpu.enqueue_dma source(%dma_start3A_633 : memref<1792xf32, #tpu.memory_space<hbm>>) target(%dma_start3A_632 : memref<1792xf32, #tpu.memory_space<vmem>>) target_semaphore(%arg11 : memref<!tpu.dma_semaphore, #tpu.memory_space<semaphore_mem>>)
      %add3A_634 = arith.constant 1003520 : i32
      %add3A_635 = arith.addi %add3A_593, %add3A_634 : i32
      %dma_start3A_636 = arith.constant 8960 : i32
      %dma_start3A_637 = tpu.memref_slice %arg4[%dma_start3A_636] : memref<10752xf32, #tpu.memory_space<vmem>> -> memref<1792xf32, #tpu.memory_space<vmem>>
      %dma_start3A_638 = tpu.memref_slice %arg2[%add3A_635] : memref<9633792xf32, #tpu.memory_space<hbm>> -> memref<1792xf32, #tpu.memory_space<hbm>>
      %dma_start3A_639 = arith.constant 8960 : i32
      %dma_start3A_640 = tpu.memref_slice %arg4[%dma_start3A_639] : memref<10752xf32, #tpu.memory_space<vmem>> -> memref<1792xf32, #tpu.memory_space<vmem>>
      %dma_start3A_641 = tpu.memref_slice %arg2[%add3A_635] : memref<9633792xf32, #tpu.memory_space<hbm>> -> memref<1792xf32, #tpu.memory_space<hbm>>
      tpu.enqueue_dma source(%dma_start3A_641 : memref<1792xf32, #tpu.memory_space<hbm>>) target(%dma_start3A_640 : memref<1792xf32, #tpu.memory_space<vmem>>) target_semaphore(%arg11 : memref<!tpu.dma_semaphore, #tpu.memory_space<semaphore_mem>>)
      %dma_wait3A_642 = arith.constant 0 : i32
      %dma_wait3A_643 = tpu.memref_slice %arg5[%dma_wait3A_642] : memref<10752xf32, #tpu.memory_space<vmem>> -> memref<1792xf32, #tpu.memory_space<vmem>>
      %dma_wait3A_644 = tpu.memref_slice %arg2[%add3A_493] : memref<9633792xf32, #tpu.memory_space<hbm>> -> memref<1792xf32, #tpu.memory_space<hbm>>
      %dma_wait3A_645 = arith.constant 0 : i32
      %dma_wait3A_646 = tpu.memref_slice %arg5[%dma_wait3A_645] : memref<10752xf32, #tpu.memory_space<vmem>> -> memref<1792xf32, #tpu.memory_space<vmem>>
      %dma_wait3A_647 = tpu.memref_slice %arg2[%add3A_493] : memref<9633792xf32, #tpu.memory_space<hbm>> -> memref<1792xf32, #tpu.memory_space<hbm>>
      tpu.wait_dma2 semaphore(%arg12 : memref<!tpu.dma_semaphore, #tpu.memory_space<semaphore_mem>>) src(%dma_wait3A_647 : memref<1792xf32, #tpu.memory_space<hbm>>) dst(%dma_wait3A_646 : memref<1792xf32, #tpu.memory_space<vmem>>)
      %dma_wait3A_648 = arith.constant 1792 : i32
      %dma_wait3A_649 = tpu.memref_slice %arg5[%dma_wait3A_648] : memref<10752xf32, #tpu.memory_space<vmem>> -> memref<1792xf32, #tpu.memory_space<vmem>>
      %dma_wait3A_650 = tpu.memref_slice %arg2[%add3A_501] : memref<9633792xf32, #tpu.memory_space<hbm>> -> memref<1792xf32, #tpu.memory_space<hbm>>
      %dma_wait3A_651 = arith.constant 1792 : i32
      %dma_wait3A_652 = tpu.memref_slice %arg5[%dma_wait3A_651] : memref<10752xf32, #tpu.memory_space<vmem>> -> memref<1792xf32, #tpu.memory_space<vmem>>
      %dma_wait3A_653 = tpu.memref_slice %arg2[%add3A_501] : memref<9633792xf32, #tpu.memory_space<hbm>> -> memref<1792xf32, #tpu.memory_space<hbm>>
      tpu.wait_dma2 semaphore(%arg12 : memref<!tpu.dma_semaphore, #tpu.memory_space<semaphore_mem>>) src(%dma_wait3A_653 : memref<1792xf32, #tpu.memory_space<hbm>>) dst(%dma_wait3A_652 : memref<1792xf32, #tpu.memory_space<vmem>>)
      %dma_wait3A_654 = arith.constant 3584 : i32
      %dma_wait3A_655 = tpu.memref_slice %arg5[%dma_wait3A_654] : memref<10752xf32, #tpu.memory_space<vmem>> -> memref<1792xf32, #tpu.memory_space<vmem>>
      %dma_wait3A_656 = tpu.memref_slice %arg2[%add3A_509] : memref<9633792xf32, #tpu.memory_space<hbm>> -> memref<1792xf32, #tpu.memory_space<hbm>>
      %dma_wait3A_657 = arith.constant 3584 : i32
      %dma_wait3A_658 = tpu.memref_slice %arg5[%dma_wait3A_657] : memref<10752xf32, #tpu.memory_space<vmem>> -> memref<1792xf32, #tpu.memory_space<vmem>>
      %dma_wait3A_659 = tpu.memref_slice %arg2[%add3A_509] : memref<9633792xf32, #tpu.memory_space<hbm>> -> memref<1792xf32, #tpu.memory_space<hbm>>
      tpu.wait_dma2 semaphore(%arg12 : memref<!tpu.dma_semaphore, #tpu.memory_space<semaphore_mem>>) src(%dma_wait3A_659 : memref<1792xf32, #tpu.memory_space<hbm>>) dst(%dma_wait3A_658 : memref<1792xf32, #tpu.memory_space<vmem>>)
      %dma_wait3A_660 = arith.constant 5376 : i32
      %dma_wait3A_661 = tpu.memref_slice %arg5[%dma_wait3A_660] : memref<10752xf32, #tpu.memory_space<vmem>> -> memref<1792xf32, #tpu.memory_space<vmem>>
      %dma_wait3A_662 = tpu.memref_slice %arg2[%add3A_517] : memref<9633792xf32, #tpu.memory_space<hbm>> -> memref<1792xf32, #tpu.memory_space<hbm>>
      %dma_wait3A_663 = arith.constant 5376 : i32
      %dma_wait3A_664 = tpu.memref_slice %arg5[%dma_wait3A_663] : memref<10752xf32, #tpu.memory_space<vmem>> -> memref<1792xf32, #tpu.memory_space<vmem>>
      %dma_wait3A_665 = tpu.memref_slice %arg2[%add3A_517] : memref<9633792xf32, #tpu.memory_space<hbm>> -> memref<1792xf32, #tpu.memory_space<hbm>>
      tpu.wait_dma2 semaphore(%arg12 : memref<!tpu.dma_semaphore, #tpu.memory_space<semaphore_mem>>) src(%dma_wait3A_665 : memref<1792xf32, #tpu.memory_space<hbm>>) dst(%dma_wait3A_664 : memref<1792xf32, #tpu.memory_space<vmem>>)
      %dma_wait3A_666 = arith.constant 7168 : i32
      %dma_wait3A_667 = tpu.memref_slice %arg5[%dma_wait3A_666] : memref<10752xf32, #tpu.memory_space<vmem>> -> memref<1792xf32, #tpu.memory_space<vmem>>
      %dma_wait3A_668 = tpu.memref_slice %arg2[%add3A_525] : memref<9633792xf32, #tpu.memory_space<hbm>> -> memref<1792xf32, #tpu.memory_space<hbm>>
      %dma_wait3A_669 = arith.constant 7168 : i32
      %dma_wait3A_670 = tpu.memref_slice %arg5[%dma_wait3A_669] : memref<10752xf32, #tpu.memory_space<vmem>> -> memref<1792xf32, #tpu.memory_space<vmem>>
      %dma_wait3A_671 = tpu.memref_slice %arg2[%add3A_525] : memref<9633792xf32, #tpu.memory_space<hbm>> -> memref<1792xf32, #tpu.memory_space<hbm>>
      tpu.wait_dma2 semaphore(%arg12 : memref<!tpu.dma_semaphore, #tpu.memory_space<semaphore_mem>>) src(%dma_wait3A_671 : memref<1792xf32, #tpu.memory_space<hbm>>) dst(%dma_wait3A_670 : memref<1792xf32, #tpu.memory_space<vmem>>)
      %dma_wait3A_672 = arith.constant 8960 : i32
      %dma_wait3A_673 = tpu.memref_slice %arg5[%dma_wait3A_672] : memref<10752xf32, #tpu.memory_space<vmem>> -> memref<1792xf32, #tpu.memory_space<vmem>>
      %dma_wait3A_674 = tpu.memref_slice %arg2[%add3A_533] : memref<9633792xf32, #tpu.memory_space<hbm>> -> memref<1792xf32, #tpu.memory_space<hbm>>
      %dma_wait3A_675 = arith.constant 8960 : i32
      %dma_wait3A_676 = tpu.memref_slice %arg5[%dma_wait3A_675] : memref<10752xf32, #tpu.memory_space<vmem>> -> memref<1792xf32, #tpu.memory_space<vmem>>
      %dma_wait3A_677 = tpu.memref_slice %arg2[%add3A_533] : memref<9633792xf32, #tpu.memory_space<hbm>> -> memref<1792xf32, #tpu.memory_space<hbm>>
      tpu.wait_dma2 semaphore(%arg12 : memref<!tpu.dma_semaphore, #tpu.memory_space<semaphore_mem>>) src(%dma_wait3A_677 : memref<1792xf32, #tpu.memory_space<hbm>>) dst(%dma_wait3A_676 : memref<1792xf32, #tpu.memory_space<vmem>>)
      %dma_wait3A_678 = arith.constant 0 : i32
      %dma_wait3A_679 = tpu.memref_slice %arg10[%dma_wait3A_678] : memref<634880xf32, #tpu.memory_space<vmem_shared>> -> memref<634880xf32, #tpu.memory_space<vmem_shared>>
      tpu.wait_indirect_dma semaphore(%arg14 : memref<!tpu.dma_semaphore, #tpu.memory_space<semaphore_mem>>) src(%arg9 : memref<7168xf32, #tpu.memory_space<vmem>>) dst(%dma_wait3A_679 : memref<634880xf32, #tpu.memory_space<vmem_shared>>)
      %scan3A_680 = arith.constant 0 : i32
      %scan3A_681 = arith.constant 112 : i32
      %scan3A_682 = arith.addi %scan3A_680, %scan3A_681 : i32
      %scan3A_683 = arith.constant 1 : i32
      scf.for %scan3A_780 = %scan3A_680 to %scan3A_682 step %scan3A_683  : i32 {
        %mul3A_781 = arith.constant 1 : i32
        %mul3A_782 = arith.muli %scan3A_780, %mul3A_781 : i32
        %add3A_783 = arith.constant 0 : i32
        %add3A_784 = arith.addi %add3A_783, %mul3A_782 : i32
        %mul3A_785 = arith.constant 16 : i32
        %mul3A_786 = arith.muli %add3A_784, %mul3A_785 : i32
        %get3A = arith.index_cast %mul3A_786 : i32 to index
        %get3A_787 = tpu.vector_load %arg5[%get3A] {strides = array<i32>} : memref<10752xf32, #tpu.memory_space<vmem>>, vector<16xf32>,
        %add3A_788 = arith.constant 1792 : i32
        %add3A_789 = arith.addi %add3A_788, %mul3A_786 : i32
        %get3A_790 = arith.index_cast %add3A_789 : i32 to index
        %get3A_791 = tpu.vector_load %arg5[%get3A_790] {strides = array<i32>} : memref<10752xf32, #tpu.memory_space<vmem>>, vector<16xf32>,
        %add3A_792 = arith.constant 3584 : i32
        %add3A_793 = arith.addi %add3A_792, %mul3A_786 : i32
        %get3A_794 = arith.index_cast %add3A_793 : i32 to index
        %get3A_795 = tpu.vector_load %arg5[%get3A_794] {strides = array<i32>} : memref<10752xf32, #tpu.memory_space<vmem>>, vector<16xf32>,
        %add3A_796 = arith.constant 5376 : i32
        %add3A_797 = arith.addi %add3A_796, %mul3A_786 : i32
        %get3A_798 = arith.index_cast %add3A_797 : i32 to index
        %get3A_799 = tpu.vector_load %arg5[%get3A_798] {strides = array<i32>} : memref<10752xf32, #tpu.memory_space<vmem>>, vector<16xf32>,
        %add3A_800 = arith.constant 7168 : i32
        %add3A_801 = arith.addi %add3A_800, %mul3A_786 : i32
        %get3A_802 = arith.index_cast %add3A_801 : i32 to index
        %get3A_803 = tpu.vector_load %arg5[%get3A_802] {strides = array<i32>} : memref<10752xf32, #tpu.memory_space<vmem>>, vector<16xf32>,
        %add3A_804 = arith.constant 8960 : i32
        %add3A_805 = arith.addi %add3A_804, %mul3A_786 : i32
        %get3A_806 = arith.index_cast %add3A_805 : i32 to index
        %get3A_807 = tpu.vector_load %arg5[%get3A_806] {strides = array<i32>} : memref<10752xf32, #tpu.memory_space<vmem>>, vector<16xf32>,
        %sub3A_808 = arith.constant 1.000000e+00 : f32
        %sub3A_809 = vector.broadcast %sub3A_808 : f32 to vector<16xf32>
        %sub3A_810 = arith.subf %sub3A_809, %get3A_787 : vector<16xf32>
        %mul3A_811 = arith.mulf %sub3A_810, %get3A_799 : vector<16xf32>
        %add3A_812 = arith.addf %get3A_791, %mul3A_811 : vector<16xf32>
        %mul3A_813 = arith.mulf %sub3A_810, %get3A_803 : vector<16xf32>
        %add3A_814 = arith.addf %get3A_795, %mul3A_813 : vector<16xf32>
        %add3A_815 = arith.constant 5.120000e+02 : f32
        %add3A_816 = vector.broadcast %add3A_815 : f32 to vector<16xf32>
        %add3A_817 = arith.addf %add3A_812, %add3A_816 : vector<16xf32>
        %convert_element_type3A = arith.fptosi %add3A_817 : vector<16xf32> to vector<16xi32>
        %convert_element_type3A_818 = arith.sitofp %convert_element_type3A : vector<16xi32> to vector<16xf32>
        %sub3A_819 = arith.constant 5.120000e+02 : f32
        %sub3A_820 = vector.broadcast %sub3A_819 : f32 to vector<16xf32>
        %sub3A_821 = arith.subf %convert_element_type3A_818, %sub3A_820 : vector<16xf32>
        %sub3A_822 = arith.subf %add3A_812, %sub3A_821 : vector<16xf32>
        %add3A_823 = arith.constant 5.120000e+02 : f32
        %add3A_824 = vector.broadcast %add3A_823 : f32 to vector<16xf32>
        %add3A_825 = arith.addf %add3A_814, %add3A_824 : vector<16xf32>
        %convert_element_type3A_826 = arith.fptosi %add3A_825 : vector<16xf32> to vector<16xi32>
        %convert_element_type3A_827 = arith.sitofp %convert_element_type3A_826 : vector<16xi32> to vector<16xf32>
        %sub3A_828 = arith.constant 5.120000e+02 : f32
        %sub3A_829 = vector.broadcast %sub3A_828 : f32 to vector<16xf32>
        %sub3A_830 = arith.subf %convert_element_type3A_827, %sub3A_829 : vector<16xf32>
        %sub3A_831 = arith.subf %add3A_814, %sub3A_830 : vector<16xf32>
        %sub3A_832 = arith.constant 504 : i32
        %sub3A_833 = vector.broadcast %sub3A_832 : i32 to vector<16xi32>
        %sub3A_834 = arith.subi %convert_element_type3A, %sub3A_833 : vector<16xi32>
        %max3A = arith.constant 0 : i32
        %max3A_835 = vector.broadcast %max3A : i32 to vector<16xi32>
        %max3A_836 = arith.maxsi %sub3A_834, %max3A_835 : vector<16xi32>
        %min3A = arith.constant 494 : i32
        %min3A_837 = vector.broadcast %min3A : i32 to vector<16xi32>
        %min3A_838 = arith.minsi %max3A_836, %min3A_837 : vector<16xi32>
        %sub3A_839 = arith.constant 512 : i32
        %sub3A_840 = vector.broadcast %sub3A_839 : i32 to vector<16xi32>
        %sub3A_841 = arith.subi %convert_element_type3A_826, %sub3A_840 : vector<16xi32>
        %ge3A = arith.constant 0 : i32
        %ge3A_842 = vector.broadcast %ge3A : i32 to vector<16xi32>
        %ge3A_843 = arith.cmpi sge, %sub3A_841, %ge3A_842 : vector<16xi32>
        %le3A = arith.constant 639 : i32
        %le3A_844 = vector.broadcast %le3A : i32 to vector<16xi32>
        %le3A_845 = arith.cmpi sle, %sub3A_841, %le3A_844 : vector<16xi32>
        %and3A_846 = arith.andi %ge3A_843, %le3A_845 : vector<16xi1>
        %ge3A_847 = arith.constant -1 : i32
        %ge3A_848 = vector.broadcast %ge3A_847 : i32 to vector<16xi32>
        %ge3A_849 = arith.cmpi sge, %sub3A_841, %ge3A_848 : vector<16xi32>
        %le3A_850 = arith.constant 638 : i32
        %le3A_851 = vector.broadcast %le3A_850 : i32 to vector<16xi32>
        %le3A_852 = arith.cmpi sle, %sub3A_841, %le3A_851 : vector<16xi32>
        %and3A_853 = arith.andi %ge3A_849, %le3A_852 : vector<16xi1>
        %max3A_854 = arith.constant 0 : i32
        %max3A_855 = vector.broadcast %max3A_854 : i32 to vector<16xi32>
        %max3A_856 = arith.maxsi %sub3A_841, %max3A_855 : vector<16xi32>
        %min3A_857 = arith.constant 639 : i32
        %min3A_858 = vector.broadcast %min3A_857 : i32 to vector<16xi32>
        %min3A_859 = arith.minsi %max3A_856, %min3A_858 : vector<16xi32>
        %add3A_860 = arith.constant 1 : i32
        %add3A_861 = vector.broadcast %add3A_860 : i32 to vector<16xi32>
        %add3A_862 = arith.addi %sub3A_841, %add3A_861 : vector<16xi32>
        %max3A_863 = arith.constant 0 : i32
        %max3A_864 = vector.broadcast %max3A_863 : i32 to vector<16xi32>
        %max3A_865 = arith.maxsi %add3A_862, %max3A_864 : vector<16xi32>
        %min3A_866 = arith.constant 639 : i32
        %min3A_867 = vector.broadcast %min3A_866 : i32 to vector<16xi32>
        %min3A_868 = arith.minsi %max3A_865, %min3A_867 : vector<16xi32>
        %convert_element_type3A_869 = arith.fptosi %get3A_807 : vector<16xf32> to vector<16xi32>
        %sub3A_870 = arith.constant 1 : i32
        %sub3A_871 = vector.broadcast %sub3A_870 : i32 to vector<16xi32>
        %sub3A_872 = arith.subi %sub3A_871, %convert_element_type3A_869 : vector<16xi32>
        %mul3A_873 = arith.constant 317440 : i32
        %mul3A_874 = vector.broadcast %mul3A_873 : i32 to vector<16xi32>
        %mul3A_875 = arith.muli %sub3A_872, %mul3A_874 : vector<16xi32>
        %mul3A_876 = arith.constant 640 : i32
        %mul3A_877 = vector.broadcast %mul3A_876 : i32 to vector<16xi32>
        %mul3A_878 = arith.muli %min3A_838, %mul3A_877 : vector<16xi32>
        %add3A_879 = arith.addi %mul3A_875, %mul3A_878 : vector<16xi32>
        %sub3A_880 = arith.constant 1.000000e+00 : f32
        %sub3A_881 = vector.broadcast %sub3A_880 : f32 to vector<16xf32>
        %sub3A_882 = arith.subf %sub3A_881, %sub3A_822 : vector<16xf32>
        %sub3A_883 = arith.constant 1.000000e+00 : f32
        %sub3A_884 = vector.broadcast %sub3A_883 : f32 to vector<16xf32>
        %sub3A_885 = arith.subf %sub3A_884, %sub3A_831 : vector<16xf32>
        %broadcast_in_dim3A = arith.constant 0.000000e+00 : f32
        %broadcast_in_dim3A_886 = vector.broadcast %broadcast_in_dim3A : f32 to vector<16xf32>
        %mul3A_887 = arith.constant 64 : i32
        %mul3A_888 = arith.muli %add3A_784, %mul3A_887 : i32
        %add3A_889 = arith.addi %add3A_879, %min3A_859 : vector<16xi32>
        %swap3A = arith.index_cast %mul3A_888 : i32 to index
        %swap3A_890 = tpu.vector_load %arg7[%swap3A] {strides = array<i32>} : memref<7168xi32, #tpu.memory_space<vmem>>, vector<16xi32>,
        tpu.vector_store %arg7[%swap3A], %add3A_889 {strides = array<i32>} : memref<7168xi32, #tpu.memory_space<vmem>>, vector<16xi32>,
        %mul3A_891 = arith.mulf %sub3A_882, %sub3A_885 : vector<16xf32>
        %select_n3A_892 = arith.select %and3A_846, %mul3A_891, %broadcast_in_dim3A_886 : vector<16xi1>, vector<16xf32>
        %swap3A_893 = arith.index_cast %mul3A_888 : i32 to index
        %swap3A_894 = tpu.vector_load %arg9[%swap3A_893] {strides = array<i32>} : memref<7168xf32, #tpu.memory_space<vmem>>, vector<16xf32>,
        tpu.vector_store %arg9[%swap3A_893], %select_n3A_892 {strides = array<i32>} : memref<7168xf32, #tpu.memory_space<vmem>>, vector<16xf32>,
        %add3A_895 = arith.addi %add3A_879, %min3A_868 : vector<16xi32>
        %add3A_896 = arith.constant 16 : i32
        %add3A_897 = arith.addi %mul3A_888, %add3A_896 : i32
        %swap3A_898 = arith.index_cast %add3A_897 : i32 to index
        %swap3A_899 = tpu.vector_load %arg7[%swap3A_898] {strides = array<i32>} : memref<7168xi32, #tpu.memory_space<vmem>>, vector<16xi32>,
        tpu.vector_store %arg7[%swap3A_898], %add3A_895 {strides = array<i32>} : memref<7168xi32, #tpu.memory_space<vmem>>, vector<16xi32>,
        %mul3A_900 = arith.mulf %sub3A_882, %sub3A_831 : vector<16xf32>
        %select_n3A_901 = arith.select %and3A_853, %mul3A_900, %broadcast_in_dim3A_886 : vector<16xi1>, vector<16xf32>
        %add3A_902 = arith.constant 16 : i32
        %add3A_903 = arith.addi %mul3A_888, %add3A_902 : i32
        %swap3A_904 = arith.index_cast %add3A_903 : i32 to index
        %swap3A_905 = tpu.vector_load %arg9[%swap3A_904] {strides = array<i32>} : memref<7168xf32, #tpu.memory_space<vmem>>, vector<16xf32>,
        tpu.vector_store %arg9[%swap3A_904], %select_n3A_901 {strides = array<i32>} : memref<7168xf32, #tpu.memory_space<vmem>>, vector<16xf32>,
        %add3A_906 = arith.constant 640 : i32
        %add3A_907 = vector.broadcast %add3A_906 : i32 to vector<16xi32>
        %add3A_908 = arith.addi %add3A_879, %add3A_907 : vector<16xi32>
        %add3A_909 = arith.addi %add3A_908, %min3A_859 : vector<16xi32>
        %add3A_910 = arith.constant 32 : i32
        %add3A_911 = arith.addi %mul3A_888, %add3A_910 : i32
        %swap3A_912 = arith.index_cast %add3A_911 : i32 to index
        %swap3A_913 = tpu.vector_load %arg7[%swap3A_912] {strides = array<i32>} : memref<7168xi32, #tpu.memory_space<vmem>>, vector<16xi32>,
        tpu.vector_store %arg7[%swap3A_912], %add3A_909 {strides = array<i32>} : memref<7168xi32, #tpu.memory_space<vmem>>, vector<16xi32>,
        %mul3A_914 = arith.mulf %sub3A_822, %sub3A_885 : vector<16xf32>
        %select_n3A_915 = arith.select %and3A_846, %mul3A_914, %broadcast_in_dim3A_886 : vector<16xi1>, vector<16xf32>
        %add3A_916 = arith.constant 32 : i32
        %add3A_917 = arith.addi %mul3A_888, %add3A_916 : i32
        %swap3A_918 = arith.index_cast %add3A_917 : i32 to index
        %swap3A_919 = tpu.vector_load %arg9[%swap3A_918] {strides = array<i32>} : memref<7168xf32, #tpu.memory_space<vmem>>, vector<16xf32>,
        tpu.vector_store %arg9[%swap3A_918], %select_n3A_915 {strides = array<i32>} : memref<7168xf32, #tpu.memory_space<vmem>>, vector<16xf32>,
        %add3A_920 = arith.constant 640 : i32
        %add3A_921 = vector.broadcast %add3A_920 : i32 to vector<16xi32>
        %add3A_922 = arith.addi %add3A_879, %add3A_921 : vector<16xi32>
        %add3A_923 = arith.addi %add3A_922, %min3A_868 : vector<16xi32>
        %add3A_924 = arith.constant 48 : i32
        %add3A_925 = arith.addi %mul3A_888, %add3A_924 : i32
        %swap3A_926 = arith.index_cast %add3A_925 : i32 to index
        %swap3A_927 = tpu.vector_load %arg7[%swap3A_926] {strides = array<i32>} : memref<7168xi32, #tpu.memory_space<vmem>>, vector<16xi32>,
        tpu.vector_store %arg7[%swap3A_926], %add3A_923 {strides = array<i32>} : memref<7168xi32, #tpu.memory_space<vmem>>, vector<16xi32>,
        %mul3A_928 = arith.mulf %sub3A_822, %sub3A_831 : vector<16xf32>
        %select_n3A_929 = arith.select %and3A_853, %mul3A_928, %broadcast_in_dim3A_886 : vector<16xi1>, vector<16xf32>
        %add3A_930 = arith.constant 48 : i32
        %add3A_931 = arith.addi %mul3A_888, %add3A_930 : i32
        %swap3A_932 = arith.index_cast %add3A_931 : i32 to index
        %swap3A_933 = tpu.vector_load %arg9[%swap3A_932] {strides = array<i32>} : memref<7168xf32, #tpu.memory_space<vmem>>, vector<16xf32>,
        tpu.vector_store %arg9[%swap3A_932], %select_n3A_929 {strides = array<i32>} : memref<7168xf32, #tpu.memory_space<vmem>>, vector<16xf32>,
      }
      %scan3A_684 = arith.constant 112 : i32
      %dma_start3A_685 = arith.constant 0 : i32
      %dma_start3A_686 = tpu.memref_slice %arg10[%dma_start3A_685] : memref<634880xf32, #tpu.memory_space<vmem_shared>> -> memref<634880xf32, #tpu.memory_space<vmem_shared>>
      tpu.enqueue_indirect_dma source(%arg9 : memref<7168xf32, #tpu.memory_space<vmem>>) target(%dma_start3A_686 : memref<634880xf32, #tpu.memory_space<vmem_shared>>) offsets(%arg7 : memref<7168xi32, #tpu.memory_space<vmem>>) semaphore(%arg14 : memref<!tpu.dma_semaphore, #tpu.memory_space<semaphore_mem>>) {add = true}
      %dma_wait3A_687 = arith.constant 0 : i32
      %dma_wait3A_688 = tpu.memref_slice %arg4[%dma_wait3A_687] : memref<10752xf32, #tpu.memory_space<vmem>> -> memref<1792xf32, #tpu.memory_space<vmem>>
      %dma_wait3A_689 = tpu.memref_slice %arg2[%add3A_595] : memref<9633792xf32, #tpu.memory_space<hbm>> -> memref<1792xf32, #tpu.memory_space<hbm>>
      %dma_wait3A_690 = arith.constant 0 : i32
      %dma_wait3A_691 = tpu.memref_slice %arg4[%dma_wait3A_690] : memref<10752xf32, #tpu.memory_space<vmem>> -> memref<1792xf32, #tpu.memory_space<vmem>>
      %dma_wait3A_692 = tpu.memref_slice %arg2[%add3A_595] : memref<9633792xf32, #tpu.memory_space<hbm>> -> memref<1792xf32, #tpu.memory_space<hbm>>
      tpu.wait_dma2 semaphore(%arg11 : memref<!tpu.dma_semaphore, #tpu.memory_space<semaphore_mem>>) src(%dma_wait3A_692 : memref<1792xf32, #tpu.memory_space<hbm>>) dst(%dma_wait3A_691 : memref<1792xf32, #tpu.memory_space<vmem>>)
      %dma_wait3A_693 = arith.constant 1792 : i32
      %dma_wait3A_694 = tpu.memref_slice %arg4[%dma_wait3A_693] : memref<10752xf32, #tpu.memory_space<vmem>> -> memref<1792xf32, #tpu.memory_space<vmem>>
      %dma_wait3A_695 = tpu.memref_slice %arg2[%add3A_603] : memref<9633792xf32, #tpu.memory_space<hbm>> -> memref<1792xf32, #tpu.memory_space<hbm>>
      %dma_wait3A_696 = arith.constant 1792 : i32
      %dma_wait3A_697 = tpu.memref_slice %arg4[%dma_wait3A_696] : memref<10752xf32, #tpu.memory_space<vmem>> -> memref<1792xf32, #tpu.memory_space<vmem>>
      %dma_wait3A_698 = tpu.memref_slice %arg2[%add3A_603] : memref<9633792xf32, #tpu.memory_space<hbm>> -> memref<1792xf32, #tpu.memory_space<hbm>>
      tpu.wait_dma2 semaphore(%arg11 : memref<!tpu.dma_semaphore, #tpu.memory_space<semaphore_mem>>) src(%dma_wait3A_698 : memref<1792xf32, #tpu.memory_space<hbm>>) dst(%dma_wait3A_697 : memref<1792xf32, #tpu.memory_space<vmem>>)
      %dma_wait3A_699 = arith.constant 3584 : i32
      %dma_wait3A_700 = tpu.memref_slice %arg4[%dma_wait3A_699] : memref<10752xf32, #tpu.memory_space<vmem>> -> memref<1792xf32, #tpu.memory_space<vmem>>
      %dma_wait3A_701 = tpu.memref_slice %arg2[%add3A_611] : memref<9633792xf32, #tpu.memory_space<hbm>> -> memref<1792xf32, #tpu.memory_space<hbm>>
      %dma_wait3A_702 = arith.constant 3584 : i32
      %dma_wait3A_703 = tpu.memref_slice %arg4[%dma_wait3A_702] : memref<10752xf32, #tpu.memory_space<vmem>> -> memref<1792xf32, #tpu.memory_space<vmem>>
      %dma_wait3A_704 = tpu.memref_slice %arg2[%add3A_611] : memref<9633792xf32, #tpu.memory_space<hbm>> -> memref<1792xf32, #tpu.memory_space<hbm>>
      tpu.wait_dma2 semaphore(%arg11 : memref<!tpu.dma_semaphore, #tpu.memory_space<semaphore_mem>>) src(%dma_wait3A_704 : memref<1792xf32, #tpu.memory_space<hbm>>) dst(%dma_wait3A_703 : memref<1792xf32, #tpu.memory_space<vmem>>)
      %dma_wait3A_705 = arith.constant 5376 : i32
      %dma_wait3A_706 = tpu.memref_slice %arg4[%dma_wait3A_705] : memref<10752xf32, #tpu.memory_space<vmem>> -> memref<1792xf32, #tpu.memory_space<vmem>>
      %dma_wait3A_707 = tpu.memref_slice %arg2[%add3A_619] : memref<9633792xf32, #tpu.memory_space<hbm>> -> memref<1792xf32, #tpu.memory_space<hbm>>
      %dma_wait3A_708 = arith.constant 5376 : i32
      %dma_wait3A_709 = tpu.memref_slice %arg4[%dma_wait3A_708] : memref<10752xf32, #tpu.memory_space<vmem>> -> memref<1792xf32, #tpu.memory_space<vmem>>
      %dma_wait3A_710 = tpu.memref_slice %arg2[%add3A_619] : memref<9633792xf32, #tpu.memory_space<hbm>> -> memref<1792xf32, #tpu.memory_space<hbm>>
      tpu.wait_dma2 semaphore(%arg11 : memref<!tpu.dma_semaphore, #tpu.memory_space<semaphore_mem>>) src(%dma_wait3A_710 : memref<1792xf32, #tpu.memory_space<hbm>>) dst(%dma_wait3A_709 : memref<1792xf32, #tpu.memory_space<vmem>>)
      %dma_wait3A_711 = arith.constant 7168 : i32
      %dma_wait3A_712 = tpu.memref_slice %arg4[%dma_wait3A_711] : memref<10752xf32, #tpu.memory_space<vmem>> -> memref<1792xf32, #tpu.memory_space<vmem>>
      %dma_wait3A_713 = tpu.memref_slice %arg2[%add3A_627] : memref<9633792xf32, #tpu.memory_space<hbm>> -> memref<1792xf32, #tpu.memory_space<hbm>>
      %dma_wait3A_714 = arith.constant 7168 : i32
      %dma_wait3A_715 = tpu.memref_slice %arg4[%dma_wait3A_714] : memref<10752xf32, #tpu.memory_space<vmem>> -> memref<1792xf32, #tpu.memory_space<vmem>>
      %dma_wait3A_716 = tpu.memref_slice %arg2[%add3A_627] : memref<9633792xf32, #tpu.memory_space<hbm>> -> memref<1792xf32, #tpu.memory_space<hbm>>
      tpu.wait_dma2 semaphore(%arg11 : memref<!tpu.dma_semaphore, #tpu.memory_space<semaphore_mem>>) src(%dma_wait3A_716 : memref<1792xf32, #tpu.memory_space<hbm>>) dst(%dma_wait3A_715 : memref<1792xf32, #tpu.memory_space<vmem>>)
      %dma_wait3A_717 = arith.constant 8960 : i32
      %dma_wait3A_718 = tpu.memref_slice %arg4[%dma_wait3A_717] : memref<10752xf32, #tpu.memory_space<vmem>> -> memref<1792xf32, #tpu.memory_space<vmem>>
      %dma_wait3A_719 = tpu.memref_slice %arg2[%add3A_635] : memref<9633792xf32, #tpu.memory_space<hbm>> -> memref<1792xf32, #tpu.memory_space<hbm>>
      %dma_wait3A_720 = arith.constant 8960 : i32
      %dma_wait3A_721 = tpu.memref_slice %arg4[%dma_wait3A_720] : memref<10752xf32, #tpu.memory_space<vmem>> -> memref<1792xf32, #tpu.memory_space<vmem>>
      %dma_wait3A_722 = tpu.memref_slice %arg2[%add3A_635] : memref<9633792xf32, #tpu.memory_space<hbm>> -> memref<1792xf32, #tpu.memory_space<hbm>>
      tpu.wait_dma2 semaphore(%arg11 : memref<!tpu.dma_semaphore, #tpu.memory_space<semaphore_mem>>) src(%dma_wait3A_722 : memref<1792xf32, #tpu.memory_space<hbm>>) dst(%dma_wait3A_721 : memref<1792xf32, #tpu.memory_space<vmem>>)
      %dma_wait3A_723 = arith.constant 0 : i32
      %dma_wait3A_724 = tpu.memref_slice %arg10[%dma_wait3A_723] : memref<634880xf32, #tpu.memory_space<vmem_shared>> -> memref<634880xf32, #tpu.memory_space<vmem_shared>>
      tpu.wait_indirect_dma semaphore(%arg13 : memref<!tpu.dma_semaphore, #tpu.memory_space<semaphore_mem>>) src(%arg8 : memref<7168xf32, #tpu.memory_space<vmem>>) dst(%dma_wait3A_724 : memref<634880xf32, #tpu.memory_space<vmem_shared>>)
      %scan3A_725 = arith.constant 0 : i32
      %scan3A_726 = arith.constant 112 : i32
      %scan3A_727 = arith.addi %scan3A_725, %scan3A_726 : i32
      %scan3A_728 = arith.constant 1 : i32
      scf.for %scan3A_780 = %scan3A_725 to %scan3A_727 step %scan3A_728  : i32 {
        %mul3A_781 = arith.constant 1 : i32
        %mul3A_782 = arith.muli %scan3A_780, %mul3A_781 : i32
        %add3A_783 = arith.constant 0 : i32
        %add3A_784 = arith.addi %add3A_783, %mul3A_782 : i32
        %mul3A_785 = arith.constant 16 : i32
        %mul3A_786 = arith.muli %add3A_784, %mul3A_785 : i32
        %get3A = arith.index_cast %mul3A_786 : i32 to index
        %get3A_787 = tpu.vector_load %arg4[%get3A] {strides = array<i32>} : memref<10752xf32, #tpu.memory_space<vmem>>, vector<16xf32>,
        %add3A_788 = arith.constant 1792 : i32
        %add3A_789 = arith.addi %add3A_788, %mul3A_786 : i32
        %get3A_790 = arith.index_cast %add3A_789 : i32 to index
        %get3A_791 = tpu.vector_load %arg4[%get3A_790] {strides = array<i32>} : memref<10752xf32, #tpu.memory_space<vmem>>, vector<16xf32>,
        %add3A_792 = arith.constant 3584 : i32
        %add3A_793 = arith.addi %add3A_792, %mul3A_786 : i32
        %get3A_794 = arith.index_cast %add3A_793 : i32 to index
        %get3A_795 = tpu.vector_load %arg4[%get3A_794] {strides = array<i32>} : memref<10752xf32, #tpu.memory_space<vmem>>, vector<16xf32>,
        %add3A_796 = arith.constant 5376 : i32
        %add3A_797 = arith.addi %add3A_796, %mul3A_786 : i32
        %get3A_798 = arith.index_cast %add3A_797 : i32 to index
        %get3A_799 = tpu.vector_load %arg4[%get3A_798] {strides = array<i32>} : memref<10752xf32, #tpu.memory_space<vmem>>, vector<16xf32>,
        %add3A_800 = arith.constant 7168 : i32
        %add3A_801 = arith.addi %add3A_800, %mul3A_786 : i32
        %get3A_802 = arith.index_cast %add3A_801 : i32 to index
        %get3A_803 = tpu.vector_load %arg4[%get3A_802] {strides = array<i32>} : memref<10752xf32, #tpu.memory_space<vmem>>, vector<16xf32>,
        %add3A_804 = arith.constant 8960 : i32
        %add3A_805 = arith.addi %add3A_804, %mul3A_786 : i32
        %get3A_806 = arith.index_cast %add3A_805 : i32 to index
        %get3A_807 = tpu.vector_load %arg4[%get3A_806] {strides = array<i32>} : memref<10752xf32, #tpu.memory_space<vmem>>, vector<16xf32>,
        %sub3A_808 = arith.constant 1.000000e+00 : f32
        %sub3A_809 = vector.broadcast %sub3A_808 : f32 to vector<16xf32>
        %sub3A_810 = arith.subf %sub3A_809, %get3A_787 : vector<16xf32>
        %mul3A_811 = arith.mulf %sub3A_810, %get3A_799 : vector<16xf32>
        %add3A_812 = arith.addf %get3A_791, %mul3A_811 : vector<16xf32>
        %mul3A_813 = arith.mulf %sub3A_810, %get3A_803 : vector<16xf32>
        %add3A_814 = arith.addf %get3A_795, %mul3A_813 : vector<16xf32>
        %add3A_815 = arith.constant 5.120000e+02 : f32
        %add3A_816 = vector.broadcast %add3A_815 : f32 to vector<16xf32>
        %add3A_817 = arith.addf %add3A_812, %add3A_816 : vector<16xf32>
        %convert_element_type3A = arith.fptosi %add3A_817 : vector<16xf32> to vector<16xi32>
        %convert_element_type3A_818 = arith.sitofp %convert_element_type3A : vector<16xi32> to vector<16xf32>
        %sub3A_819 = arith.constant 5.120000e+02 : f32
        %sub3A_820 = vector.broadcast %sub3A_819 : f32 to vector<16xf32>
        %sub3A_821 = arith.subf %convert_element_type3A_818, %sub3A_820 : vector<16xf32>
        %sub3A_822 = arith.subf %add3A_812, %sub3A_821 : vector<16xf32>
        %add3A_823 = arith.constant 5.120000e+02 : f32
        %add3A_824 = vector.broadcast %add3A_823 : f32 to vector<16xf32>
        %add3A_825 = arith.addf %add3A_814, %add3A_824 : vector<16xf32>
        %convert_element_type3A_826 = arith.fptosi %add3A_825 : vector<16xf32> to vector<16xi32>
        %convert_element_type3A_827 = arith.sitofp %convert_element_type3A_826 : vector<16xi32> to vector<16xf32>
        %sub3A_828 = arith.constant 5.120000e+02 : f32
        %sub3A_829 = vector.broadcast %sub3A_828 : f32 to vector<16xf32>
        %sub3A_830 = arith.subf %convert_element_type3A_827, %sub3A_829 : vector<16xf32>
        %sub3A_831 = arith.subf %add3A_814, %sub3A_830 : vector<16xf32>
        %sub3A_832 = arith.constant 504 : i32
        %sub3A_833 = vector.broadcast %sub3A_832 : i32 to vector<16xi32>
        %sub3A_834 = arith.subi %convert_element_type3A, %sub3A_833 : vector<16xi32>
        %max3A = arith.constant 0 : i32
        %max3A_835 = vector.broadcast %max3A : i32 to vector<16xi32>
        %max3A_836 = arith.maxsi %sub3A_834, %max3A_835 : vector<16xi32>
        %min3A = arith.constant 494 : i32
        %min3A_837 = vector.broadcast %min3A : i32 to vector<16xi32>
        %min3A_838 = arith.minsi %max3A_836, %min3A_837 : vector<16xi32>
        %sub3A_839 = arith.constant 512 : i32
        %sub3A_840 = vector.broadcast %sub3A_839 : i32 to vector<16xi32>
        %sub3A_841 = arith.subi %convert_element_type3A_826, %sub3A_840 : vector<16xi32>
        %ge3A = arith.constant 0 : i32
        %ge3A_842 = vector.broadcast %ge3A : i32 to vector<16xi32>
        %ge3A_843 = arith.cmpi sge, %sub3A_841, %ge3A_842 : vector<16xi32>
        %le3A = arith.constant 639 : i32
        %le3A_844 = vector.broadcast %le3A : i32 to vector<16xi32>
        %le3A_845 = arith.cmpi sle, %sub3A_841, %le3A_844 : vector<16xi32>
        %and3A_846 = arith.andi %ge3A_843, %le3A_845 : vector<16xi1>
        %ge3A_847 = arith.constant -1 : i32
        %ge3A_848 = vector.broadcast %ge3A_847 : i32 to vector<16xi32>
        %ge3A_849 = arith.cmpi sge, %sub3A_841, %ge3A_848 : vector<16xi32>
        %le3A_850 = arith.constant 638 : i32
        %le3A_851 = vector.broadcast %le3A_850 : i32 to vector<16xi32>
        %le3A_852 = arith.cmpi sle, %sub3A_841, %le3A_851 : vector<16xi32>
        %and3A_853 = arith.andi %ge3A_849, %le3A_852 : vector<16xi1>
        %max3A_854 = arith.constant 0 : i32
        %max3A_855 = vector.broadcast %max3A_854 : i32 to vector<16xi32>
        %max3A_856 = arith.maxsi %sub3A_841, %max3A_855 : vector<16xi32>
        %min3A_857 = arith.constant 639 : i32
        %min3A_858 = vector.broadcast %min3A_857 : i32 to vector<16xi32>
        %min3A_859 = arith.minsi %max3A_856, %min3A_858 : vector<16xi32>
        %add3A_860 = arith.constant 1 : i32
        %add3A_861 = vector.broadcast %add3A_860 : i32 to vector<16xi32>
        %add3A_862 = arith.addi %sub3A_841, %add3A_861 : vector<16xi32>
        %max3A_863 = arith.constant 0 : i32
        %max3A_864 = vector.broadcast %max3A_863 : i32 to vector<16xi32>
        %max3A_865 = arith.maxsi %add3A_862, %max3A_864 : vector<16xi32>
        %min3A_866 = arith.constant 639 : i32
        %min3A_867 = vector.broadcast %min3A_866 : i32 to vector<16xi32>
        %min3A_868 = arith.minsi %max3A_865, %min3A_867 : vector<16xi32>
        %convert_element_type3A_869 = arith.fptosi %get3A_807 : vector<16xf32> to vector<16xi32>
        %sub3A_870 = arith.constant 1 : i32
        %sub3A_871 = vector.broadcast %sub3A_870 : i32 to vector<16xi32>
        %sub3A_872 = arith.subi %sub3A_871, %convert_element_type3A_869 : vector<16xi32>
        %mul3A_873 = arith.constant 317440 : i32
        %mul3A_874 = vector.broadcast %mul3A_873 : i32 to vector<16xi32>
        %mul3A_875 = arith.muli %sub3A_872, %mul3A_874 : vector<16xi32>
        %mul3A_876 = arith.constant 640 : i32
        %mul3A_877 = vector.broadcast %mul3A_876 : i32 to vector<16xi32>
        %mul3A_878 = arith.muli %min3A_838, %mul3A_877 : vector<16xi32>
        %add3A_879 = arith.addi %mul3A_875, %mul3A_878 : vector<16xi32>
        %sub3A_880 = arith.constant 1.000000e+00 : f32
        %sub3A_881 = vector.broadcast %sub3A_880 : f32 to vector<16xf32>
        %sub3A_882 = arith.subf %sub3A_881, %sub3A_822 : vector<16xf32>
        %sub3A_883 = arith.constant 1.000000e+00 : f32
        %sub3A_884 = vector.broadcast %sub3A_883 : f32 to vector<16xf32>
        %sub3A_885 = arith.subf %sub3A_884, %sub3A_831 : vector<16xf32>
        %broadcast_in_dim3A = arith.constant 0.000000e+00 : f32
        %broadcast_in_dim3A_886 = vector.broadcast %broadcast_in_dim3A : f32 to vector<16xf32>
        %mul3A_887 = arith.constant 64 : i32
        %mul3A_888 = arith.muli %add3A_784, %mul3A_887 : i32
        %add3A_889 = arith.addi %add3A_879, %min3A_859 : vector<16xi32>
        %swap3A = arith.index_cast %mul3A_888 : i32 to index
        %swap3A_890 = tpu.vector_load %arg6[%swap3A] {strides = array<i32>} : memref<7168xi32, #tpu.memory_space<vmem>>, vector<16xi32>,
        tpu.vector_store %arg6[%swap3A], %add3A_889 {strides = array<i32>} : memref<7168xi32, #tpu.memory_space<vmem>>, vector<16xi32>,
        %mul3A_891 = arith.mulf %sub3A_882, %sub3A_885 : vector<16xf32>
        %select_n3A_892 = arith.select %and3A_846, %mul3A_891, %broadcast_in_dim3A_886 : vector<16xi1>, vector<16xf32>
        %swap3A_893 = arith.index_cast %mul3A_888 : i32 to index
        %swap3A_894 = tpu.vector_load %arg8[%swap3A_893] {strides = array<i32>} : memref<7168xf32, #tpu.memory_space<vmem>>, vector<16xf32>,
        tpu.vector_store %arg8[%swap3A_893], %select_n3A_892 {strides = array<i32>} : memref<7168xf32, #tpu.memory_space<vmem>>, vector<16xf32>,
        %add3A_895 = arith.addi %add3A_879, %min3A_868 : vector<16xi32>
        %add3A_896 = arith.constant 16 : i32
        %add3A_897 = arith.addi %mul3A_888, %add3A_896 : i32
        %swap3A_898 = arith.index_cast %add3A_897 : i32 to index
        %swap3A_899 = tpu.vector_load %arg6[%swap3A_898] {strides = array<i32>} : memref<7168xi32, #tpu.memory_space<vmem>>, vector<16xi32>,
        tpu.vector_store %arg6[%swap3A_898], %add3A_895 {strides = array<i32>} : memref<7168xi32, #tpu.memory_space<vmem>>, vector<16xi32>,
        %mul3A_900 = arith.mulf %sub3A_882, %sub3A_831 : vector<16xf32>
        %select_n3A_901 = arith.select %and3A_853, %mul3A_900, %broadcast_in_dim3A_886 : vector<16xi1>, vector<16xf32>
        %add3A_902 = arith.constant 16 : i32
        %add3A_903 = arith.addi %mul3A_888, %add3A_902 : i32
        %swap3A_904 = arith.index_cast %add3A_903 : i32 to index
        %swap3A_905 = tpu.vector_load %arg8[%swap3A_904] {strides = array<i32>} : memref<7168xf32, #tpu.memory_space<vmem>>, vector<16xf32>,
        tpu.vector_store %arg8[%swap3A_904], %select_n3A_901 {strides = array<i32>} : memref<7168xf32, #tpu.memory_space<vmem>>, vector<16xf32>,
        %add3A_906 = arith.constant 640 : i32
        %add3A_907 = vector.broadcast %add3A_906 : i32 to vector<16xi32>
        %add3A_908 = arith.addi %add3A_879, %add3A_907 : vector<16xi32>
        %add3A_909 = arith.addi %add3A_908, %min3A_859 : vector<16xi32>
        %add3A_910 = arith.constant 32 : i32
        %add3A_911 = arith.addi %mul3A_888, %add3A_910 : i32
        %swap3A_912 = arith.index_cast %add3A_911 : i32 to index
        %swap3A_913 = tpu.vector_load %arg6[%swap3A_912] {strides = array<i32>} : memref<7168xi32, #tpu.memory_space<vmem>>, vector<16xi32>,
        tpu.vector_store %arg6[%swap3A_912], %add3A_909 {strides = array<i32>} : memref<7168xi32, #tpu.memory_space<vmem>>, vector<16xi32>,
        %mul3A_914 = arith.mulf %sub3A_822, %sub3A_885 : vector<16xf32>
        %select_n3A_915 = arith.select %and3A_846, %mul3A_914, %broadcast_in_dim3A_886 : vector<16xi1>, vector<16xf32>
        %add3A_916 = arith.constant 32 : i32
        %add3A_917 = arith.addi %mul3A_888, %add3A_916 : i32
        %swap3A_918 = arith.index_cast %add3A_917 : i32 to index
        %swap3A_919 = tpu.vector_load %arg8[%swap3A_918] {strides = array<i32>} : memref<7168xf32, #tpu.memory_space<vmem>>, vector<16xf32>,
        tpu.vector_store %arg8[%swap3A_918], %select_n3A_915 {strides = array<i32>} : memref<7168xf32, #tpu.memory_space<vmem>>, vector<16xf32>,
        %add3A_920 = arith.constant 640 : i32
        %add3A_921 = vector.broadcast %add3A_920 : i32 to vector<16xi32>
        %add3A_922 = arith.addi %add3A_879, %add3A_921 : vector<16xi32>
        %add3A_923 = arith.addi %add3A_922, %min3A_868 : vector<16xi32>
        %add3A_924 = arith.constant 48 : i32
        %add3A_925 = arith.addi %mul3A_888, %add3A_924 : i32
        %swap3A_926 = arith.index_cast %add3A_925 : i32 to index
        %swap3A_927 = tpu.vector_load %arg6[%swap3A_926] {strides = array<i32>} : memref<7168xi32, #tpu.memory_space<vmem>>, vector<16xi32>,
        tpu.vector_store %arg6[%swap3A_926], %add3A_923 {strides = array<i32>} : memref<7168xi32, #tpu.memory_space<vmem>>, vector<16xi32>,
        %mul3A_928 = arith.mulf %sub3A_822, %sub3A_831 : vector<16xf32>
        %select_n3A_929 = arith.select %and3A_853, %mul3A_928, %broadcast_in_dim3A_886 : vector<16xi1>, vector<16xf32>
        %add3A_930 = arith.constant 48 : i32
        %add3A_931 = arith.addi %mul3A_888, %add3A_930 : i32
        %swap3A_932 = arith.index_cast %add3A_931 : i32 to index
        %swap3A_933 = tpu.vector_load %arg8[%swap3A_932] {strides = array<i32>} : memref<7168xf32, #tpu.memory_space<vmem>>, vector<16xf32>,
        tpu.vector_store %arg8[%swap3A_932], %select_n3A_929 {strides = array<i32>} : memref<7168xf32, #tpu.memory_space<vmem>>, vector<16xf32>,
      }
      %scan3A_729 = arith.constant 112 : i32
      %dma_start3A_730 = arith.constant 0 : i32
      %dma_start3A_731 = tpu.memref_slice %arg10[%dma_start3A_730] : memref<634880xf32, #tpu.memory_space<vmem_shared>> -> memref<634880xf32, #tpu.memory_space<vmem_shared>>
      tpu.enqueue_indirect_dma source(%arg8 : memref<7168xf32, #tpu.memory_space<vmem>>) target(%dma_start3A_731 : memref<634880xf32, #tpu.memory_space<vmem_shared>>) offsets(%arg6 : memref<7168xi32, #tpu.memory_space<vmem>>) semaphore(%arg13 : memref<!tpu.dma_semaphore, #tpu.memory_space<semaphore_mem>>) {add = true}
      %dma_wait3A_732 = arith.constant 0 : i32
      %dma_wait3A_733 = tpu.memref_slice %arg10[%dma_wait3A_732] : memref<634880xf32, #tpu.memory_space<vmem_shared>> -> memref<634880xf32, #tpu.memory_space<vmem_shared>>
      tpu.wait_indirect_dma semaphore(%arg13 : memref<!tpu.dma_semaphore, #tpu.memory_space<semaphore_mem>>) src(%arg8 : memref<7168xf32, #tpu.memory_space<vmem>>) dst(%dma_wait3A_733 : memref<634880xf32, #tpu.memory_space<vmem_shared>>)
      %dma_wait3A_734 = arith.constant 0 : i32
      %dma_wait3A_735 = tpu.memref_slice %arg10[%dma_wait3A_734] : memref<634880xf32, #tpu.memory_space<vmem_shared>> -> memref<634880xf32, #tpu.memory_space<vmem_shared>>
      tpu.wait_indirect_dma semaphore(%arg14 : memref<!tpu.dma_semaphore, #tpu.memory_space<semaphore_mem>>) src(%arg9 : memref<7168xf32, #tpu.memory_space<vmem>>) dst(%dma_wait3A_735 : memref<634880xf32, #tpu.memory_space<vmem_shared>>)
      %barrier3A_736 = arith.constant 0 : index
      tpu.barrier barrier_id(%barrier3A_736)
      %jit3A = arith.constant 8 : i32
      %div3A = arith.divsi %arg1, %jit3A : i32
      %sign3A = arith.constant 0 : i32
      %sign3A_737 = arith.cmpi sgt, %arg1, %sign3A : i32
      %sign3A_738 = arith.extui %sign3A_737 : i1 to i32
      %sign3A_739 = arith.constant 0 : i32
      %sign3A_740 = arith.cmpi slt, %arg1, %sign3A_739 : i32
      %sign3A_741 = arith.extui %sign3A_740 : i1 to i32
      %sign3A_742 = arith.subi %sign3A_738, %sign3A_741 : i32
      %sign3A_743 = arith.constant 0 : i32
      %sign3A_744 = arith.cmpi sgt, %jit3A, %sign3A_743 : i32
      %sign3A_745 = arith.extui %sign3A_744 : i1 to i32
      %sign3A_746 = arith.constant 0 : i32
      %sign3A_747 = arith.cmpi slt, %jit3A, %sign3A_746 : i32
      %sign3A_748 = arith.extui %sign3A_747 : i1 to i32
      %sign3A_749 = arith.subi %sign3A_745, %sign3A_748 : i32
      %ne3A = arith.cmpi ne, %sign3A_742, %sign3A_749 : i32
      %rem3A = arith.remsi %arg1, %jit3A : i32
      %ne3A_750 = arith.constant 0 : i32
      %ne3A_751 = arith.cmpi ne, %rem3A, %ne3A_750 : i32
      %and3A = arith.andi %ne3A, %ne3A_751 : i1
      %sub3A = arith.constant 1 : i32
      %sub3A_752 = arith.subi %div3A, %sub3A : i32
      %select_n3A = arith.select %and3A, %sub3A_752, %div3A : i32
      %mul3A_753 = arith.constant 317440 : i32
      %mul3A_754 = arith.muli %select_n3A, %mul3A_753 : i32
      %add3A_755 = arith.constant 5120 : i32
      %add3A_756 = arith.addi %mul3A_754, %add3A_755 : i32
      %jit3A_757 = arith.constant 8 : i32
      %eq3A = arith.constant 0 : i32
      %eq3A_758 = arith.cmpi eq, %jit3A_757, %eq3A : i32
      %jit3A_759 = arith.constant 1 : i32
      %select_n3A_760 = arith.select %eq3A_758, %jit3A_759, %jit3A_757 : i32
      %rem3A_761 = arith.remsi %arg1, %select_n3A_760 : i32
      %ne3A_762 = arith.constant 0 : i32
      %ne3A_763 = arith.cmpi ne, %rem3A_761, %ne3A_762 : i32
      %lt3A = arith.constant 0 : i32
      %lt3A_764 = arith.cmpi slt, %rem3A_761, %lt3A : i32
      %lt3A_765 = arith.constant 0 : i32
      %lt3A_766 = arith.cmpi slt, %select_n3A_760, %lt3A_765 : i32
      %ne3A_767 = arith.xori %lt3A_764, %lt3A_766 : i1
      %and3A_768 = arith.andi %ne3A_767, %ne3A_763 : i1
      %add3A_769 = arith.addi %rem3A_761, %select_n3A_760 : i32
      %select_n3A_770 = arith.select %and3A_768, %add3A_769, %rem3A_761 : i32
      %mul3A_771 = arith.constant 38400 : i32
      %mul3A_772 = arith.muli %select_n3A_770, %mul3A_771 : i32
      %add3A_773 = arith.addi %add3A_756, %mul3A_772 : i32
      %mul3A_774 = arith.constant 614400 : i32
      %mul3A_775 = arith.muli %add3A_9, %mul3A_774 : i32
      %mul3A_776 = arith.constant 38400 : i32
      %mul3A_777 = arith.muli %arg1, %mul3A_776 : i32
      %add3A_778 = arith.addi %mul3A_775, %mul3A_777 : i32
      "tpu.region"() ({
        %run_scoped3A = tpu.sem_alloc : memref<!tpu.dma_semaphore, #tpu.memory_space<semaphore_mem>>
        %dma_start3A_780 = tpu.memref_slice %arg3[%add3A_778] : memref<4915200xf32, #tpu.memory_space<hbm>> -> memref<38400xf32, #tpu.memory_space<hbm>>
        %dma_start3A_781 = tpu.memref_slice %arg10[%add3A_773] : memref<634880xf32, #tpu.memory_space<vmem_shared>> -> memref<38400xf32, #tpu.memory_space<vmem_shared>>
        tpu.enqueue_dma source(%dma_start3A_781 : memref<38400xf32, #tpu.memory_space<vmem_shared>>) target(%dma_start3A_780 : memref<38400xf32, #tpu.memory_space<hbm>>) target_semaphore(%run_scoped3A : memref<!tpu.dma_semaphore, #tpu.memory_space<semaphore_mem>>)
        %dma_wait3A_782 = tpu.memref_slice %arg3[%add3A_778] : memref<4915200xf32, #tpu.memory_space<hbm>> -> memref<38400xf32, #tpu.memory_space<hbm>>
        %dma_wait3A_783 = tpu.memref_slice %arg10[%add3A_773] : memref<634880xf32, #tpu.memory_space<vmem_shared>> -> memref<38400xf32, #tpu.memory_space<vmem_shared>>
        tpu.wait_dma2 semaphore(%run_scoped3A : memref<!tpu.dma_semaphore, #tpu.memory_space<semaphore_mem>>) src(%dma_wait3A_783 : memref<38400xf32, #tpu.memory_space<vmem_shared>>) dst(%dma_wait3A_782 : memref<38400xf32, #tpu.memory_space<hbm>>)
        tpu.yield
      }) : () -> ()
      %barrier3A_779 = arith.constant 0 : index
      tpu.barrier barrier_id(%barrier3A_779)
    }
    %scan3A_3 = arith.constant 4 : i32
    return
  }
}

</mosaic_0001>

<sc_bundles>
// kernel: kernel.3.cloned.1.call-start
scs
__scs_entry_jumppad:
0x0: {  	(pc) =	sbr.rel $0x88, $3  }
0x1: {  	(tag) =	ssettag $0x0;
	lr =	simm.s32 $0x1  }
0x2: {  	[smem:$0x3F9D] =	sst lr;
	_ =	strace $0xD0000000  }
0x3: {  	_ = 	snop  }
0x4: {  	_ = 	snop  }
0x5: {  	_ = 	snop  }
0x6: {  	_ = 	snop  }
0x7: {  	_ = 	snop  }
__scs_overlays_trampoline_lowered:
0x8: {  	[smem:$0x3FAC] =	sst s0  }
0x9: {  	[smem:$0x3FAD] =	sst s1  }
0xa: {  	[smem:$0x3FAE] =	sst s2  }
0xb: {  	[smem:$0x3FAF] =	sst s3  }
0xc: {  	[smem:$0x3FB0] =	sst s4  }
0xd: {  	[smem:$0x3FB1] =	sst s5  }
0xe: {  	[smem:$0x3FB2] =	sst s6  }
0xf: {  	[smem:$0x3FB3] =	sst s7  }
0x10: {  	[smem:$0x3FB4] =	sst s8  }
0x11: {  	[smem:$0x3FB5] =	sst s9;
	s0 =	simm.s32 @!p0 $0x0  }
0x12: {  	s1 =	sld [smem:$0x3F9B];
	s0 =	simm.s32 @p0 $0x1  }
0x13: {  	[smem:$0x3FB6] =	sst s0;
	s0 =	simm.s32 @!p1 $0x0  }
0x14: {  	s2 =	sld [smem:$0x3F9A];
	s0 =	simm.s32 @p1 $0x1  }
0x15: {  	[smem:$0x3FB7] =	sst s0;
	s0 =	simm.s32 @!p2 $0x0  }
0x16: {  	s3 =	sld [smem:$0x3FDB];
	s0 =	simm.s32 @p2 $0x1  }
0x17: {  	s4 =	simm.s32 $0x1BF5;
	[smem:$0x3FB9] =	sst s0  }
0x18: {  	s0 =	sld [smem:$0x3F9C];
	_ =	swait.ge [sflag:s4], $0x0  }
0x19: {  	s7 =	sld [smem:$0x3F9D]  }
0x1a: {  	s8 =	sadd.s32 $0xFFFFE003, lr  }
0x1b: {  	s9 =	sadd.s32 $0xFFFFFEF7, lr;
	s5 =	simm.s32 $0xFFFFFFFF;
	p2 =	slt.u32 s8, $0xFFFFF086  }
0x1c: {  	p1 =	slt.u32 s9, $0xF7A;
	s5 =	simm.s32 @!p2 $0x0  }
0x1d: {  	s5 =	simm.s32 @p1 $0x1;
	p0 =	seq.s32 s7, s2  }
0x1e: {  	s7 =	smul.u32 @!p0 $0xF7A, s2;
	p2 =	seq.s32 @!p0 s5, $0x0  }
0x1f: {  	s9 =	smul.u32 $0xF7A, s1;
	s8 =	simm.s32 @!p0 $0x1BF5;
	p2 =	por !p2, p0  }
0x20: {  	[sflag:s8] =	ssyncset.s32 @!p0 $0xFFFFF086;
	s6 =	sadd.s32 @!p0 s3, s7;
	s7 =	simm.s32 @!p0 $0x108  }
0x21: {  	s3 =	sadd.s32 s3, s9;
	s6 =	sadd.s32 @!p0 $0x88, s6;
	s7 =	simm.s32 @p2 $0x1082  }
0x22: {  	[simem:s7], [sflag:s8] =	dma.local @!p0 [hbm:s6], $0xF7A  }
0x23: {  	s9 =	sor.u32 $0xD0000000, s2;
	s6 =	simm.s32 $0x108;
	_ =	swait.ge @!p0 [sflag:s8], $0x0  }
0x24: {  	s3 =	sadd.s32 $0x88, s3;
	s6 =	simm.s32 @!p1 $0x1082;
	[sflag:s4] =	ssyncset.s32 $0xFFFFF086  }
0x25: {  	[simem:s6], [sflag:s4] =	dma.local [hbm:s3], $0xF7A  }
0x26: {  	[smem:$0x3F9D] =	sst s1;
	(tag) =	ssettag s2;
	_ =	strace s9  }
0x27: {  	s1 =	sld [smem:$0x3FAD]  }
0x28: {  	s2 =	sld [smem:$0x3FAE]  }
0x29: {  	s4 =	sld [smem:$0x3FB0]  }
0x2a: {  	p0 =	seq.s32 s5, $0x0;
	s5 =	sld [smem:$0x3FB1]  }
0x2b: {  	s6 =	sld [smem:$0x3FB2]  }
0x2c: {  	s7 =	sld [smem:$0x3FB3]  }
0x2d: {  	s3 =	simm.s32 $0x108;
	s8 =	sld [smem:$0x3FB4]  }
0x2e: {  	s3 =	simm.s32 @!p0 $0x1082;
	s9 =	sld [smem:$0x3FB5]  }
0x2f: {  	lr =	sadd.s32 s0, s3;
	s0 =	sld [smem:$0x3FAC]  }
0x30: {  	s3 =	sld [smem:$0x3FAF]  }
0x31: {  	[smem:$0x3FB8] =	sst s10  }
0x32: {  	s10 =	sld [smem:$0x3FB6];
	_ =	sdelay $0x3  }
0x33: {  	p0 =	seq.s32 s10, $0x1;
	s10 =	sld [smem:$0x3FB8];
	_ =	sdelay $0x3  }
0x34: {  	[smem:$0x3FB8] =	sst s10  }
0x35: {  	s10 =	sld [smem:$0x3FB7];
	_ =	sdelay $0x3  }
0x36: {  	p1 =	seq.s32 s10, $0x1;
	s10 =	sld [smem:$0x3FB8];
	_ =	sdelay $0x3  }
0x37: {  	[smem:$0x3FB8] =	sst s10  }
0x38: {  	s10 =	sld [smem:$0x3FB9]  }
0x39: {  	_ = 	snop;
	(pc) =	sbr.ind lr, $3  }
0x3a: {  	_ = 	snop  }
0x3b: {  	_ = 	snop  }
0x3c: {  	p2 =	seq.s32 s10, $0x1;
	s10 =	sld [smem:$0x3FB8]  }
0x3d: {  	_ =	shalt  }
0x3e: {  	_ =	shalt  }
0x3f: {  	_ =	shalt  }
0x40: {  	_ =	shalt  }
0x41: {  	_ =	shalt  }
0x42: {  	_ =	shalt  }
0x43: {  	_ =	shalt  }
0x44: {  	_ =	shalt  }
0x45: {  	_ =	shalt  }
0x46: {  	_ =	shalt  }
0x47: {  	_ =	shalt  }
0x48: {  	_ =	shalt  }
0x49: {  	_ =	shalt  }
0x4a: {  	_ =	shalt  }
0x4b: {  	_ =	shalt  }
0x4c: {  	_ =	shalt  }
0x4d: {  	_ =	shalt  }
0x4e: {  	_ =	shalt  }
0x4f: {  	_ =	shalt  }
0x50: {  	_ =	shalt  }
0x51: {  	_ =	shalt  }
0x52: {  	_ =	shalt  }
0x53: {  	_ =	shalt  }
0x54: {  	_ =	shalt  }
0x55: {  	_ =	shalt  }
0x56: {  	_ =	shalt  }
0x57: {  	_ =	shalt  }
0x58: {  	_ =	shalt  }
0x59: {  	_ =	shalt  }
0x5a: {  	_ =	shalt  }
0x5b: {  	_ =	shalt  }
0x5c: {  	_ =	shalt  }
0x5d: {  	_ =	shalt  }
0x5e: {  	_ =	shalt  }
0x5f: {  	_ =	shalt  }
0x60: {  	_ =	shalt  }
0x61: {  	_ =	shalt  }
0x62: {  	_ =	shalt  }
0x63: {  	_ =	shalt  }
0x64: {  	_ =	shalt  }
0x65: {  	_ =	shalt  }
0x66: {  	_ =	shalt  }
0x67: {  	_ =	shalt  }
0x68: {  	_ =	shalt  }
0x69: {  	_ =	shalt  }
0x6a: {  	_ =	shalt  }
0x6b: {  	_ =	shalt  }
0x6c: {  	_ =	shalt  }
0x6d: {  	_ =	shalt  }
0x6e: {  	_ =	shalt  }
0x6f: {  	_ =	shalt  }
0x70: {  	_ =	shalt  }
0x71: {  	_ =	shalt  }
0x72: {  	_ =	shalt  }
0x73: {  	_ =	shalt  }
0x74: {  	_ =	shalt  }
0x75: {  	_ =	shalt  }
0x76: {  	_ =	shalt  }
0x77: {  	_ =	shalt  }
0x78: {  	_ =	shalt  }
0x79: {  	_ =	shalt  }
0x7a: {  	_ =	shalt  }
0x7b: {  	_ =	shalt  }
0x7c: {  	_ =	shalt  }
0x7d: {  	_ =	shalt  }
0x7e: {  	_ =	shalt  }
0x7f: {  	_ =	shalt  }
0x80: {  	_ =	shalt  }
0x81: {  	_ =	shalt  }
0x82: {  	_ =	shalt  }
0x83: {  	_ =	shalt  }
0x84: {  	_ =	shalt  }
0x85: {  	_ =	shalt  }
0x86: {  	_ =	shalt  }
0x87: {  	_ =	shalt  }
.Lfunc_end0:
.L_simem_size_0:
called_computation.1_lowered:
.L_overlay_start_0:
0x88: {  	s2 =	sld [smem:$0x3FD9]  }
0x89: {  	s3 =	sld [smem:$0x3FFE];
	_ =	sdelay $0x1  }
0x8a: {  	s1 =	srdreg.scid  }
0x8b: {  	s0 =	sand.u32 $0x1, s1  }
0x8c: {  	s16 =	sshll.u32 s0, $0xA;
	s2 =	sadd.s32 s3, s2  }
0x8d: {  	s2 =	sadd.s32 s2, s16  }
0x8e: {  	[smem:$0x3FC4] =	sst s2  }
0x8f: {  	_ = 	snop  }
0x90: {  	(tm) =	ssettm $0x1  }
0x91: {  	s17 =	sld [smem:$0x3FFB];
	_ =	sdelay $0x3  }
0x92: {  	_ =	strace s17  }
0x93: {  	s2 =	sld [smem:$0x3FFC];
	_ =	sdelay $0x3  }
0x94: {  	_ =	strace s2  }
0x95: {  	s2 =	sld [smem:$0x3FFD];
	_ =	sdelay $0x3  }
0x96: {  	_ =	strace s2  }
0x97: {  	_ =	strace $0x8FFFFFFF  }
0x98: {  	s18 =	sld [smem:$0x3FDB];
	_ =	sdelay $0x1  }
0x99: {  	s19 =	simm.s32 $_scs_section_size  }
0x9a: {  	s4 =	simm.s32 $_size__tile_overlayer_lowered;
	s5 =	simm.s32 $_tile_overlayer_lowered  }
0x9b: {  	s22 =	simm.s32 $0x1BFF;
	s21 =	sshll.u32 s5, $0x1;
	s2 =	sadd.s32 s19, s18  }
0x9c: {  	s6 =	simm.s32 $0x0;
	s20 =	sshll.u32 s4, $0x1;
	s4 =	sadd.s32 s21, s2  }
0x9d: {  	[timem:s6], [sflag:s22] =	dma.local [hbm:s4], s20  }
0x9e: {  	_ =	swait.ge [sflag:s22], s20  }
0x9f: {  	s3 =	ssub.s32 $0x0, s20;
	[sflag:s22] =	ssyncset.done $0x0  }
0xa0: {  	[sflag:s22] =	ssyncadd.s32 s3;
	_ =	sdelay $0x1  }
0xa1: {  	s23 =	simm.s32 $0x1B8B  }
0xa2: {  	_ =	swait.ge [sflag:s23], $0x1  }
0xa3: {  	[sflag:s23] =	ssyncset.done $0x0  }
0xa4: {  	s25 =	simm.s32 $0x1B8E;
	s24 =	sld [smem:$0x3FFE];
	[sflag:s23] =	ssyncadd.s32 $0xFFFFFFFF  }
0xa5: {  	s26 =	simm.s32 $execute0_lowered;
	[smem:$0x3FD2] =	sst s25  }
0xa6: {  	s4 =	sshll.u32 s26, $0x1;
	_ =	strace $0x80000049;
	[dreg:$0x1] =	wrdreg $0xFFFFFFFF  }
0xa7: {  	s28 =	simm.s32 $_size_execute0_lowered;
	s2 =	sadd.s32 s2, s4;
	[dreg:$0x0] =	wrdreg $0x0  }
0xa8: {  	s4 =	sshll.u32 s28, $0x1;
	[dreg:$0x2] =	wrdreg s2  }
0xa9: {  	[dreg:$0x3] =	wrdreg s4  }
0xaa: {  	[dreg:$0x4] =	wrdreg $0xC0  }
0xab: {  	_ =	task [dreg:s6], $0x5FFFF  }
0xac: {  	[dreg:$0x1] =	wrdreg $0xFFFFFFFF  }
0xad: {  	[dreg:$0x0] =	wrdreg $0x60  }
0xae: {  	[dreg:$0x2] =	wrdreg s24  }
0xaf: {  	[dreg:$0x3] =	wrdreg $0xC4000  }
0xb0: {  	[dreg:$0x4] =	wrdreg $0x9  }
0xb1: {  	_ =	task.clear_ibuf [dreg:s6], $0x5FFFF;
	_ =	strace $0x90000049  }
0xb2: {  	s29 =	simm.s32 $0x9;
	_ =	strace $0x8000004B  }
0xb3: {  	_ =	swait.ge [sflag:s29], $0x1  }
0xb4: {  	[sflag:s29] =	ssyncadd.s32 $0xFFFFFFFF  }
0xb5: {  	_ =	strace $0x9000004B  }
0xb6: {  	_ =	sfence  }
0xb7: {  	s30 =	sld [smem:$0x0];
	_ =	sdelay $0x2  }
0xb8: {  	s31 =	sshll.u32 s1, $0xD;
	s1 =	sshrl.u32 s1, $0x2  }
0xb9: {  	s3 =	sand.u32 $0x4000, s31;
	s1 =	sadd.s32 s1, s30  }
0xba: {  	s0 =	sor.u32 s3, s0;
	s1 =	sshll.u32 s1, $0x11  }
0xbb: {  	s0 =	sor.u32 s1, s0  }
0xbc: {  	s0 =	sadd.s32 $0x8F2B, s0  }
0xbd: {  	[sflag:s0] =	ssyncadd.remote.s32 $0x1  }
0xbe: {  	_ =	sfence.sel $0xFFFF  }
0xbf: {  	[dreg:$0x0] =	wrdreg $0xFFFFFFFF;
	(pc) =	sbr.abs _section_cstart, $3  }
0xc0: {  	[dreg:$0x1] =	wrdreg $0xFFFFFFFF  }
0xc1: {  	_ =	task.clear_ibuf [dreg:s6], $0x2FFFF;
	_ =	strace $0x9FFFFFFF  }
0xc2: {  	(tm) =	ssettm $0x7FFFFFFF  }
0xc3: {  	_ =	shalt  }
tec
execute0_lowered:
.L_overlay_start_1:
0x0: {  	(tag) =	ssettag $0x1  }
0x1: {  	s0 =	rddreg [dreg:$0x0]  }
0x2: {  	s1 =	rddreg [dreg:$0x1];
	s8 =	simm.s32 $0x0  }
0x3: {  	s2 =	srdreg.scid;
	s6 =	stileid.u32;
	s28 =	simm.s32 $0x1500  }
0x4: {  	s29 =	simm.s32 $0x1C00;
	s30 =	simm.s32 $0x2300;
	s10 =	simm.s32 $0x2  }
0x5: {  	s11 =	simm.s32 $0x7000;
	[smem:$0x7FF] =	sst s8;
	s2 =	sand.u32 $0x1, s2  }
0x6: {  	s5 =	smul.u32 $0x26C00, s6;
	s4 =	sadd.s32 $0x1E00, s0;
	s0 =	sadd.s32 $0x127E00, s0  }
0x7: {  	s7 =	smul.u32 $0x700, s6;
	s16 =	sshrl.u32 s6, $0x3;
	_ =	strace $0x8000004A  }
0x8: {  	s3 =	ssub.s32 $0x2, s2;
	[dreg:$0x4] =	wrdreg s0;
	s2 =	sshll.u32 s2, $0x2  }
0x9: {  	s18 =	sand.u32 $0x7, s6;
	s6 =	smul.u32 $0x9600, s6;
	[dreg:$0x5] =	wrdreg s2  }
0xa: {  	s12 =	simm.s32 $0x3;
	s13 =	simm.s32 $0x4;
	[dreg:$0x7] =	wrdreg s7  }
0xb: {  	s14 =	sshrl.u32 s3, $0x1;
	s9 =	sadd.s32 $0x7000, s7;
	[dreg:$0xf] =	wrdreg s6  }
0xc: {  	s15 =	sshrl.u32 s5, $0x2;
	s19 =	sadd.s32 $0xE000, s7;
	[dreg:$0x9] =	wrdreg s9  }
0xd: {  	s2 =	smul.u32 $0x136000, s16;
	s20 =	sadd.s32 $0x15000, s7;
	[dreg:$0xa] =	wrdreg s19  }
0xe: {  	s21 =	sadd.s32 $0x1C000, s7;
	s22 =	sadd.s32 $0x23000, s7;
	[dreg:$0xb] =	wrdreg s20  }
0xf: {  	s7 =	sadd.s32 $0x2A000, s7;
	s6 =	simm.s32 $0x1;
	[dreg:$0xc] =	wrdreg s21  }
0x10: {  	s0 =	ssub.s32 s3, s14;
	s5 =	sadd.s32 s15, s1;
	[dreg:$0xd] =	wrdreg s22  }
0x11: {  	s3 =	smul.u32 $0x25800, s18;
	[dreg:$0xe] =	wrdreg s7;
	s22 =	simm.s32 $0x8C00  }
0x12: {  	s9 =	simm.s32 $0x5400;
	s17 =	sadd.s32 $0x8C00, s5;
	[dreg:$0x6] =	wrdreg s5  }
0x13: {  	s7 =	simm.s32 $0xA800;
	s0 =	smax.u32 s0, $0x1;
	[dreg:$0x8] =	wrdreg s17  }
0x14: {  	s2 =	sshrl.u32 s2, $0x2;
	s23 =	sadd.s32 $0x1C00, s5;
	[dreg:$0x10] =	wrdreg s0  }
0x15: {  	s24 =	sadd.s32 $0x3800, s5;
	s25 =	sadd.s32 $0x5400, s5;
	[dreg:$0x11] =	wrdreg s23  }
0x16: {  	s26 =	sadd.s32 $0x7000, s5;
	s5 =	simm.s32 $0x4D00;
	[dreg:$0x12] =	wrdreg s24  }
0x17: {  	s2 =	sadd.s32 s2, s1;
	s3 =	sshrl.u32 s3, $0x2;
	[dreg:$0x13] =	wrdreg s25  }
0x18: {  	[dreg:$0x14] =	wrdreg s26;
	s23 =	simm.s32 $0x5;
	s2 =	sadd.s32 s3, s2  }
0x19: {  	s24 =	simm.s32 $0x700;
	s26 =	simm.s32 $0xE00;
	s2 =	sadd.s32 $0x1400, s2  }
0x1a: {  	s0 =	simm.s32 $0x3100;
	s17 =	simm.s32 $0x3800;
	s31 =	sshrl.u32 s2, $0x3  }
0x1b: {  	v0 =	vimm.f32 $0.0e+00;
	s3 =	simm.s32 $0x3F00;
	s2 =	simm.s32 $0x4600;
	[dreg:$0x15] =	wrdreg s31  }
.LBB2_1:
0x1c: {  	[dreg:$0x3] =	wrdreg s8;
	s8 =	simm.s32 $0x0  }
.LBB2_2:
0x1d: {  	s14 =	simm.s32 $0x40;
	s15 =	simm.s32 $0x0  }
.LBB2_3:
0x1e: {  	p0 =	sne.s32 s14, $0x6FC0;
	[tilespmem:s15+$0x8C00] =	vst v0;
	s15 =	smov.u32 s14;
	s14 =	sadd.s32 $0x40, s14  }
.Ltmp0:
0x1f: {  	(pc) =	sbr.rel @p0 .LBB2_3-.Ltmp0, $2  }
0x20: {  	_ =	sdelay $0x2  }
0x21: {  	s15 =	sshra.s32 s15, $0x2  }
0x22: {  	[tilespmem:s15+$0x8C00] =	vst v0;
	s14 =	rddreg [dreg:$0x6]  }
0x23: {  	[spmem:s14] =	stream.linear.scatter [tilespmem:s22], [sflag:$0x5], $0x1C00, $0x38;
	[tilespmem:$0x15F00] =	vst v63  }
0x24: {  	_ =	swait.ge [sflag:s23], $0x1C00  }
0x25: {  	[sflag:s23] =	ssyncset.done $0x0  }
0x26: {  	s15 =	rddreg [dreg:$0x11];
	[sflag:s23] =	ssyncadd.s32 $0xFFFFE400  }
0x27: {  	[spmem:s15] =	stream.linear.scatter [tilespmem:s22], [sflag:$0x5], $0x1C00, $0x38;
	[tilespmem:$0x15F00] =	vst v63  }
0x28: {  	_ =	swait.ge [sflag:s23], $0x1C00  }
0x29: {  	[sflag:s23] =	ssyncset.done $0x0  }
0x2a: {  	s16 =	rddreg [dreg:$0x12];
	[sflag:s23] =	ssyncadd.s32 $0xFFFFE400  }
0x2b: {  	[spmem:s16] =	stream.linear.scatter [tilespmem:s22], [sflag:$0x5], $0x1C00, $0x38;
	[tilespmem:$0x15F00] =	vst v63  }
0x2c: {  	_ =	swait.ge [sflag:s23], $0x1C00  }
0x2d: {  	[sflag:s23] =	ssyncset.done $0x0  }
0x2e: {  	s18 =	rddreg [dreg:$0x13];
	[sflag:s23] =	ssyncadd.s32 $0xFFFFE400  }
0x2f: {  	[spmem:s18] =	stream.linear.scatter [tilespmem:s22], [sflag:$0x5], $0x1C00, $0x38;
	[tilespmem:$0x15F00] =	vst v63  }
0x30: {  	_ =	swait.ge [sflag:s23], $0x1C00  }
0x31: {  	[sflag:s23] =	ssyncset.done $0x0  }
0x32: {  	s19 =	rddreg [dreg:$0x14];
	[sflag:s23] =	ssyncadd.s32 $0xFFFFE400  }
0x33: {  	[spmem:s19] =	stream.linear.scatter [tilespmem:s22], [sflag:$0x5], $0x1C00, $0x38;
	[tilespmem:$0x15F00] =	vst v63  }
0x34: {  	_ =	swait.ge [sflag:s23], $0x1C00  }
0x35: {  	[sflag:s23] =	ssyncset.done $0x0;
	s20 =	rddreg [dreg:$0x5]  }
0x36: {  	s21 =	rddreg [dreg:$0x8];
	[sflag:s23] =	ssyncadd.s32 $0xFFFFE400;
	s14 =	sadd.s32 s20, s8  }
0x37: {  	[spmem:s21] =	stream.linear.scatter [tilespmem:s22], [sflag:$0x5], $0xF00, $0x38;
	[tilespmem:$0x15F00] =	vst v63  }
0x38: {  	s15 =	smul.u32 $0x126000, s14;
	_ =	swait.ge [sflag:s23], $0xF00  }
0x39: {  	s16 =	rddreg [dreg:$0x7]  }
0x3a: {  	[sflag:s23] =	ssyncset.done $0x0;
	s16 =	sadd.s32 s16, s15  }
0x3b: {  	[sflag:s23] =	ssyncadd.s32 $0xFFFFF100;
	s16 =	sshrl.u32 s16, $0x3  }
0x3c: {  	[bflag:$0x0] =	sbarrier.arrive $0xFFFF;
	s18 =	sadd.s32 s4, s16;
	s16 =	simm.s32 $0x0  }
0x3d: {  	[tilespmem:s16], [sflag:$0x1] =	stream.linear.gather [hbm4b:s18+s16], $0x700, $0x38;
	[tilespmem:$0x15F00] =	vst v63  }
0x3e: {  	s19 =	sadd.s32 $0x6200, s18  }
0x3f: {  	[tilespmem:s24], [sflag:$0x1] =	stream.linear.gather [hbm4b:s19+s16], $0x700, $0x38;
	[tilespmem:$0x15F00] =	vst v63  }
0x40: {  	s25 =	sadd.s32 $0xC400, s18  }
0x41: {  	[tilespmem:s26], [sflag:$0x1] =	stream.linear.gather [hbm4b:s25+s16], $0x700, $0x38;
	[tilespmem:$0x15F00] =	vst v63  }
0x42: {  	s31 =	sadd.s32 $0x12600, s18  }
0x43: {  	[tilespmem:s28], [sflag:$0x1] =	stream.linear.gather [hbm4b:s31+s16], $0x700, $0x38;
	[tilespmem:$0x15F00] =	vst v63  }
0x44: {  	s20 =	sadd.s32 $0x18800, s18  }
0x45: {  	[tilespmem:s29], [sflag:$0x1] =	stream.linear.gather [hbm4b:s20+s16], $0x700, $0x38;
	[tilespmem:$0x15F00] =	vst v63  }
0x46: {  	s21 =	rddreg [dreg:$0x9];
	s18 =	sadd.s32 $0x1EA00, s18  }
0x47: {  	[tilespmem:s30], [sflag:$0x1] =	stream.linear.gather [hbm4b:s18+s16], $0x700, $0x38;
	[tilespmem:$0x15F00] =	vst v63  }
0x48: {  	s18 =	sadd.s32 s21, s15  }
0x49: {  	s18 =	sshrl.u32 s18, $0x3  }
0x4a: {  	s25 =	simm.s32 $0x2A00;
	s18 =	sadd.s32 s4, s18  }
0x4b: {  	[tilespmem:s25], [sflag:$0x2] =	stream.linear.gather [hbm4b:s18+s16], $0x700, $0x38;
	[tilespmem:$0x15F00] =	vst v63  }
0x4c: {  	s31 =	sadd.s32 $0x6200, s18  }
0x4d: {  	[tilespmem:s0], [sflag:$0x2] =	stream.linear.gather [hbm4b:s31+s16], $0x700, $0x38;
	[tilespmem:$0x15F00] =	vst v63  }
0x4e: {  	s20 =	sadd.s32 $0xC400, s18  }
0x4f: {  	[tilespmem:s17], [sflag:$0x2] =	stream.linear.gather [hbm4b:s20+s16], $0x700, $0x38;
	[tilespmem:$0x15F00] =	vst v63  }
0x50: {  	s21 =	sadd.s32 $0x12600, s18  }
0x51: {  	[tilespmem:s3], [sflag:$0x2] =	stream.linear.gather [hbm4b:s21+s16], $0x700, $0x38;
	[tilespmem:$0x15F00] =	vst v63  }
0x52: {  	s25 =	sadd.s32 $0x18800, s18  }
0x53: {  	[tilespmem:s2], [sflag:$0x2] =	stream.linear.gather [hbm4b:s25+s16], $0x700, $0x38;
	[tilespmem:$0x15F00] =	vst v63  }
0x54: {  	s18 =	sadd.s32 $0x1EA00, s18  }
0x55: {  	[tilespmem:s5], [sflag:$0x2] =	stream.linear.gather [hbm4b:s18+s16], $0x700, $0x38;
	[tilespmem:$0x15F00] =	vst v63  }
0x56: {  	_ =	swait.ge [sflag:s6], $0x700  }
0x57: {  	[sflag:s6] =	ssyncset.done $0x0  }
0x58: {  	[sflag:s6] =	ssyncadd.s32 $0xFFFFF900  }
0x59: {  	_ =	swait.ge [sflag:s6], $0x700  }
0x5a: {  	[sflag:s6] =	ssyncset.done $0x0  }
0x5b: {  	[sflag:s6] =	ssyncadd.s32 $0xFFFFF900  }
0x5c: {  	_ =	swait.ge [sflag:s6], $0x700  }
0x5d: {  	[sflag:s6] =	ssyncset.done $0x0  }
0x5e: {  	[sflag:s6] =	ssyncadd.s32 $0xFFFFF900  }
0x5f: {  	_ =	swait.ge [sflag:s6], $0x700  }
0x60: {  	[sflag:s6] =	ssyncset.done $0x0  }
0x61: {  	[sflag:s6] =	ssyncadd.s32 $0xFFFFF900  }
0x62: {  	_ =	swait.ge [sflag:s6], $0x700  }
0x63: {  	[sflag:s6] =	ssyncset.done $0x0  }
0x64: {  	[sflag:s6] =	ssyncadd.s32 $0xFFFFF900  }
0x65: {  	_ =	swait.ge [sflag:s6], $0x700  }
0x66: {  	[sflag:s6] =	ssyncset.done $0x0  }
0x67: {  	[sflag:s6] =	ssyncadd.s32 $0xFFFFF900  }
0x68: {  	v1 =	vld [tilespmem:s16+$0x0]  }
0x69: {  	s31 =	sand.u32 $0x7F0, s16  }
0x6a: {  	v2 =	vld [tilespmem:s31+$0x1500]  }
0x6b: {  	v3 =	vld [tilespmem:s31+$0x700]  }
0x6c: {  	v4 =	vld [tilespmem:s31+$0x1C00]  }
0x6d: {  	v1 =	vsub.f32 $1.000000000e+00, v1  }
0x6e: {  	v5 =	vld [tilespmem:s31+$0xE00]  }
0x6f: {  	v2 =	vmul.f32 v2, v1;
	_ =	sdelay $0x1  }
0x70: {  	v1 =	vmul.f32 v4, v1;
	v2 =	vadd.f32 v2, v3  }
0x71: {  	v4 =	vld [tilespmem:s31+$0x2300]  }
0x72: {  	v1 =	vadd.f32 v1, v5;
	v3 =	vadd.f32 $5.120000000e+02, v2;
	_ =	sdelay $0x1  }
0x73: {  	v5 =	vadd.f32 $5.120000000e+02, v1;
	v3 =	vtrunc.f32 v3  }
0x74: {  	v3 =	vcvt.f32.s32 v3  }
0x75: {  	v4 =	vtrunc.f32 v4;
	v5 =	vtrunc.f32 v5  }
0x76: {  	v6 =	vcvt.f32.s32 v5;
	v7 =	vcvt.s32.f32 v3  }
0x77: {  	v4 =	vcvt.f32.s32 v4;
	v5 =	vadd.f32 $-5.120000000e+02, v5  }
0x78: {  	v3 =	vadd.s32 $0xFFFFFE08, v3;
	v8 =	vadd.s32 $0xFFFFFE00, v6;
	v7 =	vadd.f32 $-5.120000000e+02, v7  }
0x79: {  	v5 =	vsub.f32 v1, v5;
	vm0 =	vgt.s32 v3, $0x0;
	vm1 =	vgt.s32 v8, $0x0  }
0x7a: {  	v1 =	vnsel vm0, $0x0, v3;
	v3 =	vsub.s32 $0x1, v4;
	v2 =	vsub.f32 v2, v7  }
0x7b: {  	v4 =	vadd.s32 $0xFFFFFE01, v6;
	v60 =	vsub.f32 $1.000000000e+00, v5;
	v1 =	vmin.u32 v1, $0x1EE  }
0x7c: {  	v3 =	vmul.u32 $0x4D800, v3;
	v1 =	vmul.u32 $0x280, v1;
	v7 =	vsub.f32 $1.000000000e+00, v2  }
0x7d: {  	v9 =	vnsel vm1, $0x0, v8;
	vm0 =	vgt.s32 v4, $0x0  }
0x7e: {  	v1 =	vadd.s32 v3, v1;
	v3 =	vmin.u32 v9, $0x27F;
	v61 =	vmul.f32 v60, v7  }
0x7f: {  	s18 =	simm.s32 $0x5420;
	vm1 =	vlt.u32 v8, $0x280;
	v10 =	vnsel vm0, $0x0, v4;
	v62 =	vadd.s32 v3, v1  }
0x80: {  	s19 =	simm.s32 $0x8C20;
	v10 =	vmin.u32 v10, $0x27F;
	v7 =	vmul.f32 v5, v7;
	[tilespmem:s18+$0xFFFFFFE0] =	vst v62;
	v63 =	vnsel vm1, $0x0, v61  }
0x81: {  	vm0 =	vlt.u32 v4, $0x280;
	v4 =	vadd.s32 v10, v1;
	[tilespmem:s19+$0xFFFFFFE0] =	vst v63  }
0x82: {  	v6 =	vmul.f32 v60, v2;
	v1 =	vadd.s32 $0x280, v1;
	v7 =	vnsel vm0, $0x0, v7;
	[tilespmem:s18+$0xFFFFFFF0] =	vst v4  }
0x83: {  	v4 =	vadd.s32 v3, v1;
	[tilespmem:s19+$0xFFFFFFF0] =	vst v7  }
0x84: {  	s20 =	simm.s32 $0x10;
	s21 =	simm.s32 $0x8C20;
	s25 =	simm.s32 $0x5420;
	v2 =	vmul.f32 v5, v2;
	v1 =	vadd.s32 v10, v1;
	v3 =	vnsel vm1, $0x0, v6;
	[tilespmem:s18+$0x0] =	vst v4  }
.LBB2_5:
0x85: {  	s16 =	sadd.s32 $0x10, s16  }
0x86: {  	[tilespmem:s19+$0x0] =	vst v3;
	s21 =	sadd.s32 $0x40, s21;
	s18 =	sadd.s32 $0x40, s18;
	s31 =	smov.u32 s20  }
0x87: {  	p0 =	sne.s32 s20, $0x6F0;
	s20 =	sadd.s32 $0x10, s20;
	[tilespmem:s25+$0x10] =	vst v1;
	v1 =	vnsel vm0, $0x0, v2;
	s25 =	smov.u32 s18  }
0x88: {  	s31 =	sand.u32 $0x7F0, s31;
	[tilespmem:s19+$0x10] =	vst v1;
	s19 =	smov.u32 s21  }
0x89: {  	v1 =	vld [tilespmem:s16+$0x0]  }
0x8a: {  	v2 =	vld [tilespmem:s31+$0x1500]  }
0x8b: {  	v3 =	vld [tilespmem:s31+$0x700]  }
0x8c: {  	v4 =	vld [tilespmem:s31+$0x1C00];
	_ =	sdelay $0x1  }
0x8d: {  	v5 =	vld [tilespmem:s31+$0xE00];
	v1 =	vsub.f32 $1.000000000e+00, v1;
	_ =	sdelay $0x1  }
0x8e: {  	v2 =	vmul.f32 v2, v1  }
0x8f: {  	v1 =	vmul.f32 v4, v1  }
0x90: {  	v4 =	vld [tilespmem:s31+$0x2300];
	v2 =	vadd.f32 v2, v3  }
0x91: {  	v1 =	vadd.f32 v1, v5  }
0x92: {  	v3 =	vadd.f32 $5.120000000e+02, v2  }
0x93: {  	v5 =	vadd.f32 $5.120000000e+02, v1  }
0x94: {  	v3 =	vtrunc.f32 v3  }
0x95: {  	v3 =	vcvt.f32.s32 v3;
	v5 =	vtrunc.f32 v5  }
0x96: {  	v6 =	vcvt.f32.s32 v5;
	v5 =	vadd.f32 $-5.120000000e+02, v5  }
0x97: {  	v4 =	vtrunc.f32 v4;
	v7 =	vcvt.s32.f32 v3;
	v3 =	vadd.s32 $0xFFFFFE08, v3  }
0x98: {  	v4 =	vcvt.f32.s32 v4;
	v5 =	vsub.f32 v1, v5;
	v1 =	vadd.s32 $0xFFFFFE00, v6  }
0x99: {  	vm0 =	vgt.s32 v3, $0x0;
	v7 =	vadd.f32 $-5.120000000e+02, v7;
	vm1 =	vgt.s32 v1, $0x0  }
0x9a: {  	v6 =	vadd.s32 $0xFFFFFE01, v6;
	v4 =	vsub.s32 $0x1, v4;
	v3 =	vnsel vm0, $0x0, v3  }
0x9b: {  	v4 =	vmul.u32 $0x4D800, v4;
	v3 =	vmin.u32 v3, $0x1EE;
	v2 =	vsub.f32 v2, v7  }
0x9c: {  	vm0 =	vgt.s32 v6, $0x0;
	v3 =	vmul.u32 $0x280, v3;
	v7 =	vsub.f32 $1.000000000e+00, v5  }
0x9d: {  	v8 =	vnsel vm1, $0x0, v1;
	v9 =	vnsel vm0, $0x0, v6;
	v10 =	vsub.f32 $1.000000000e+00, v2  }
0x9e: {  	vm1 =	vlt.u32 v1, $0x280;
	v1 =	vmin.u32 v9, $0x27F;
	v3 =	vadd.s32 v4, v3  }
0x9f: {  	v4 =	vmin.u32 v8, $0x27F;
	v8 =	vmul.f32 v7, v10;
	v9 =	vmul.f32 v5, v10  }
0xa0: {  	vm0 =	vlt.u32 v6, $0x280;
	v6 =	vadd.s32 v4, v3;
	v10 =	vadd.s32 v1, v3  }
.Ltmp1:
0xa1: {  	v3 =	vadd.s32 $0x280, v3;
	[tilespmem:s18+$0xFFFFFFE0] =	vst v6;
	v6 =	vnsel vm1, $0x0, v8;
	v8 =	vnsel vm0, $0x0, v9;
	(pc) =	sbr.rel @p0 .LBB2_5-.Ltmp1, $4  }
0xa2: {  	v4 =	vadd.s32 v4, v3;
	v1 =	vadd.s32 v1, v3;
	[tilespmem:s21+$0xFFFFFFE0] =	vst v6;
	v6 =	vmul.f32 v7, v2  }
0xa3: {  	v2 =	vmul.f32 v5, v2;
	[tilespmem:s18+$0xFFFFFFF0] =	vst v10  }
0xa4: {  	[tilespmem:s21+$0xFFFFFFF0] =	vst v8;
	v3 =	vnsel vm1, $0x0, v6  }
0xa5: {  	[tilespmem:s18+$0x0] =	vst v4  }
0xa6: {  	[tilespmem:s19+$0x0] =	vst v3;
	s16 =	rddreg [dreg:$0xa]  }
0xa7: {  	[tilespmem:s25+$0x10] =	vst v1;
	v1 =	vnsel vm0, $0x0, v2;
	s16 =	sadd.s32 s16, s15  }
0xa8: {  	[tilespmem:s19+$0x10] =	vst v1;
	s16 =	sshrl.u32 s16, $0x3  }
0xa9: {  	[spmem:s1] =	stream.indirect.scatter.add.f32 [tilespmem:s22], [sflag:$0x3], $0x1, s9, s29, $0xb8;
	[tilespmem:$0x15F00] =	vst v63  }
0xaa: {  	s18 =	simm.s32 $0x0;
	s16 =	sadd.s32 s4, s16  }
0xab: {  	[tilespmem:s18], [sflag:$0x1] =	stream.linear.gather [hbm4b:s16+s18], $0x700, $0x38;
	[tilespmem:$0x15F00] =	vst v63  }
0xac: {  	s20 =	sadd.s32 $0x6200, s16  }
0xad: {  	[tilespmem:s24], [sflag:$0x1] =	stream.linear.gather [hbm4b:s20+s18], $0x700, $0x38;
	[tilespmem:$0x15F00] =	vst v63  }
0xae: {  	s21 =	sadd.s32 $0xC400, s16  }
0xaf: {  	[tilespmem:s26], [sflag:$0x1] =	stream.linear.gather [hbm4b:s21+s18], $0x700, $0x38;
	[tilespmem:$0x15F00] =	vst v63  }
0xb0: {  	s25 =	sadd.s32 $0x12600, s16  }
0xb1: {  	[tilespmem:s28], [sflag:$0x1] =	stream.linear.gather [hbm4b:s25+s18], $0x700, $0x38;
	[tilespmem:$0x15F00] =	vst v63  }
0xb2: {  	s31 =	sadd.s32 $0x18800, s16  }
0xb3: {  	[tilespmem:s29], [sflag:$0x1] =	stream.linear.gather [hbm4b:s31+s18], $0x700, $0x38;
	[tilespmem:$0x15F00] =	vst v63  }
0xb4: {  	s16 =	sadd.s32 $0x1EA00, s16  }
0xb5: {  	[tilespmem:s30], [sflag:$0x1] =	stream.linear.gather [hbm4b:s16+s18], $0x700, $0x38;
	[tilespmem:$0x15F00] =	vst v63  }
0xb6: {  	_ =	swait.ge [sflag:s10], $0x700  }
0xb7: {  	[sflag:s10] =	ssyncset.done $0x0  }
0xb8: {  	[sflag:s10] =	ssyncadd.s32 $0xFFFFF900  }
0xb9: {  	_ =	swait.ge [sflag:s10], $0x700  }
0xba: {  	[sflag:s10] =	ssyncset.done $0x0  }
0xbb: {  	[sflag:s10] =	ssyncadd.s32 $0xFFFFF900  }
0xbc: {  	_ =	swait.ge [sflag:s10], $0x700  }
0xbd: {  	[sflag:s10] =	ssyncset.done $0x0  }
0xbe: {  	[sflag:s10] =	ssyncadd.s32 $0xFFFFF900  }
0xbf: {  	_ =	swait.ge [sflag:s10], $0x700  }
0xc0: {  	[sflag:s10] =	ssyncset.done $0x0  }
0xc1: {  	[sflag:s10] =	ssyncadd.s32 $0xFFFFF900  }
0xc2: {  	_ =	swait.ge [sflag:s10], $0x700  }
0xc3: {  	[sflag:s10] =	ssyncset.done $0x0  }
0xc4: {  	[sflag:s10] =	ssyncadd.s32 $0xFFFFF900  }
0xc5: {  	_ =	swait.ge [sflag:s10], $0x700  }
0xc6: {  	[sflag:s10] =	ssyncset.done $0x0  }
0xc7: {  	s16 =	simm.s32 $0x2A00;
	[sflag:s10] =	ssyncadd.s32 $0xFFFFF900  }
0xc8: {  	v1 =	vld [tilespmem:s16+$0x0]  }
0xc9: {  	s18 =	sand.u32 $0x7F0, s18  }
0xca: {  	v2 =	vld [tilespmem:s18+$0x3F00]  }
0xcb: {  	v3 =	vld [tilespmem:s18+$0x3100]  }
0xcc: {  	v4 =	vld [tilespmem:s18+$0x4600]  }
0xcd: {  	v1 =	vsub.f32 $1.000000000e+00, v1  }
0xce: {  	v5 =	vld [tilespmem:s18+$0x3800]  }
0xcf: {  	v2 =	vmul.f32 v2, v1;
	_ =	sdelay $0x1  }
0xd0: {  	v1 =	vmul.f32 v4, v1;
	v2 =	vadd.f32 v2, v3  }
0xd1: {  	v4 =	vld [tilespmem:s18+$0x4D00]  }
0xd2: {  	v1 =	vadd.f32 v1, v5;
	v3 =	vadd.f32 $5.120000000e+02, v2;
	_ =	sdelay $0x1  }
0xd3: {  	v5 =	vadd.f32 $5.120000000e+02, v1;
	v3 =	vtrunc.f32 v3  }
0xd4: {  	v3 =	vcvt.f32.s32 v3  }
0xd5: {  	v4 =	vtrunc.f32 v4;
	v5 =	vtrunc.f32 v5  }
0xd6: {  	v6 =	vcvt.f32.s32 v5;
	v7 =	vcvt.s32.f32 v3  }
0xd7: {  	v4 =	vcvt.f32.s32 v4;
	v5 =	vadd.f32 $-5.120000000e+02, v5  }
0xd8: {  	v3 =	vadd.s32 $0xFFFFFE08, v3;
	v8 =	vadd.s32 $0xFFFFFE00, v6;
	v7 =	vadd.f32 $-5.120000000e+02, v7  }
0xd9: {  	v5 =	vsub.f32 v1, v5;
	vm0 =	vgt.s32 v3, $0x0;
	vm1 =	vgt.s32 v8, $0x0  }
0xda: {  	v1 =	vnsel vm0, $0x0, v3;
	v3 =	vsub.s32 $0x1, v4;
	v2 =	vsub.f32 v2, v7  }
0xdb: {  	v4 =	vadd.s32 $0xFFFFFE01, v6;
	v60 =	vsub.f32 $1.000000000e+00, v5;
	v1 =	vmin.u32 v1, $0x1EE  }
0xdc: {  	v3 =	vmul.u32 $0x4D800, v3;
	v1 =	vmul.u32 $0x280, v1;
	v7 =	vsub.f32 $1.000000000e+00, v2  }
0xdd: {  	v9 =	vnsel vm1, $0x0, v8;
	vm0 =	vgt.s32 v4, $0x0  }
0xde: {  	v1 =	vadd.s32 v3, v1;
	v3 =	vmin.u32 v9, $0x27F;
	v61 =	vmul.f32 v60, v7  }
0xdf: {  	s18 =	simm.s32 $0x7020;
	vm1 =	vlt.u32 v8, $0x280;
	v10 =	vnsel vm0, $0x0, v4;
	v62 =	vadd.s32 v3, v1  }
0xe0: {  	s19 =	simm.s32 $0xA820;
	v10 =	vmin.u32 v10, $0x27F;
	v7 =	vmul.f32 v5, v7;
	[tilespmem:s18+$0xFFFFFFE0] =	vst v62;
	v63 =	vnsel vm1, $0x0, v61  }
0xe1: {  	vm0 =	vlt.u32 v4, $0x280;
	v4 =	vadd.s32 v10, v1;
	[tilespmem:s19+$0xFFFFFFE0] =	vst v63  }
0xe2: {  	v6 =	vmul.f32 v60, v2;
	v1 =	vadd.s32 $0x280, v1;
	v7 =	vnsel vm0, $0x0, v7;
	[tilespmem:s18+$0xFFFFFFF0] =	vst v4  }
0xe3: {  	v4 =	vadd.s32 v3, v1;
	[tilespmem:s19+$0xFFFFFFF0] =	vst v7  }
0xe4: {  	s20 =	simm.s32 $0x10;
	s21 =	simm.s32 $0xA820;
	s25 =	simm.s32 $0x7020;
	v2 =	vmul.f32 v5, v2;
	v1 =	vadd.s32 v10, v1;
	v3 =	vnsel vm1, $0x0, v6;
	[tilespmem:s18+$0x0] =	vst v4  }
.LBB2_7:
0xe5: {  	s16 =	sadd.s32 $0x10, s16  }
0xe6: {  	[tilespmem:s19+$0x0] =	vst v3;
	s21 =	sadd.s32 $0x40, s21;
	s18 =	sadd.s32 $0x40, s18;
	s31 =	smov.u32 s20  }
0xe7: {  	p0 =	sne.s32 s20, $0x6F0;
	s20 =	sadd.s32 $0x10, s20;
	[tilespmem:s25+$0x10] =	vst v1;
	v1 =	vnsel vm0, $0x0, v2;
	s25 =	smov.u32 s18  }
0xe8: {  	s31 =	sand.u32 $0x7F0, s31;
	[tilespmem:s19+$0x10] =	vst v1;
	s19 =	smov.u32 s21  }
0xe9: {  	v1 =	vld [tilespmem:s16+$0x0]  }
0xea: {  	v2 =	vld [tilespmem:s31+$0x3F00]  }
0xeb: {  	v3 =	vld [tilespmem:s31+$0x3100]  }
0xec: {  	v4 =	vld [tilespmem:s31+$0x4600];
	_ =	sdelay $0x1  }
0xed: {  	v5 =	vld [tilespmem:s31+$0x3800];
	v1 =	vsub.f32 $1.000000000e+00, v1;
	_ =	sdelay $0x1  }
0xee: {  	v2 =	vmul.f32 v2, v1  }
0xef: {  	v1 =	vmul.f32 v4, v1  }
0xf0: {  	v4 =	vld [tilespmem:s31+$0x4D00];
	v2 =	vadd.f32 v2, v3  }
0xf1: {  	v1 =	vadd.f32 v1, v5  }
0xf2: {  	v3 =	vadd.f32 $5.120000000e+02, v2  }
0xf3: {  	v5 =	vadd.f32 $5.120000000e+02, v1  }
0xf4: {  	v3 =	vtrunc.f32 v3  }
0xf5: {  	v3 =	vcvt.f32.s32 v3;
	v5 =	vtrunc.f32 v5  }
0xf6: {  	v6 =	vcvt.f32.s32 v5;
	v5 =	vadd.f32 $-5.120000000e+02, v5  }
0xf7: {  	v4 =	vtrunc.f32 v4;
	v7 =	vcvt.s32.f32 v3;
	v3 =	vadd.s32 $0xFFFFFE08, v3  }
0xf8: {  	v4 =	vcvt.f32.s32 v4;
	v5 =	vsub.f32 v1, v5;
	v1 =	vadd.s32 $0xFFFFFE00, v6  }
0xf9: {  	vm0 =	vgt.s32 v3, $0x0;
	v7 =	vadd.f32 $-5.120000000e+02, v7;
	vm1 =	vgt.s32 v1, $0x0  }
0xfa: {  	v6 =	vadd.s32 $0xFFFFFE01, v6;
	v4 =	vsub.s32 $0x1, v4;
	v3 =	vnsel vm0, $0x0, v3  }
0xfb: {  	v4 =	vmul.u32 $0x4D800, v4;
	v3 =	vmin.u32 v3, $0x1EE;
	v2 =	vsub.f32 v2, v7  }
0xfc: {  	vm0 =	vgt.s32 v6, $0x0;
	v3 =	vmul.u32 $0x280, v3;
	v7 =	vsub.f32 $1.000000000e+00, v5  }
0xfd: {  	v8 =	vnsel vm1, $0x0, v1;
	v9 =	vnsel vm0, $0x0, v6;
	v10 =	vsub.f32 $1.000000000e+00, v2  }
0xfe: {  	vm1 =	vlt.u32 v1, $0x280;
	v1 =	vmin.u32 v9, $0x27F;
	v3 =	vadd.s32 v4, v3  }
0xff: {  	v4 =	vmin.u32 v8, $0x27F;
	v8 =	vmul.f32 v7, v10;
	v9 =	vmul.f32 v5, v10  }
0x100: {  	vm0 =	vlt.u32 v6, $0x280;
	v6 =	vadd.s32 v4, v3;
	v10 =	vadd.s32 v1, v3  }
.Ltmp2:
0x101: {  	v3 =	vadd.s32 $0x280, v3;
	[tilespmem:s18+$0xFFFFFFE0] =	vst v6;
	v6 =	vnsel vm1, $0x0, v8;
	v8 =	vnsel vm0, $0x0, v9;
	(pc) =	sbr.rel @p0 .LBB2_7-.Ltmp2, $4  }
0x102: {  	v4 =	vadd.s32 v4, v3;
	v1 =	vadd.s32 v1, v3;
	[tilespmem:s21+$0xFFFFFFE0] =	vst v6;
	v6 =	vmul.f32 v7, v2  }
0x103: {  	v2 =	vmul.f32 v5, v2;
	[tilespmem:s18+$0xFFFFFFF0] =	vst v10  }
0x104: {  	[tilespmem:s21+$0xFFFFFFF0] =	vst v8;
	v3 =	vnsel vm1, $0x0, v6  }
0x105: {  	[tilespmem:s18+$0x0] =	vst v4  }
0x106: {  	[tilespmem:s19+$0x0] =	vst v3;
	s16 =	rddreg [dreg:$0xb]  }
0x107: {  	[tilespmem:s25+$0x10] =	vst v1;
	v1 =	vnsel vm0, $0x0, v2;
	s16 =	sadd.s32 s16, s15  }
0x108: {  	[tilespmem:s19+$0x10] =	vst v1;
	s16 =	sshrl.u32 s16, $0x3  }
0x109: {  	[spmem:s1] =	stream.indirect.scatter.add.f32 [tilespmem:s7], [sflag:$0x4], $0x1, s11, s29, $0xb8;
	[tilespmem:$0x15F00] =	vst v63  }
0x10a: {  	s25 =	simm.s32 $0x2A00;
	s18 =	sadd.s32 s4, s16;
	s16 =	simm.s32 $0x0  }
0x10b: {  	[tilespmem:s25], [sflag:$0x2] =	stream.linear.gather [hbm4b:s18+s16], $0x700, $0x38;
	[tilespmem:$0x15F00] =	vst v63  }
0x10c: {  	s31 =	sadd.s32 $0x6200, s18  }
0x10d: {  	[tilespmem:s0], [sflag:$0x2] =	stream.linear.gather [hbm4b:s31+s16], $0x700, $0x38;
	[tilespmem:$0x15F00] =	vst v63  }
0x10e: {  	s20 =	sadd.s32 $0xC400, s18  }
0x10f: {  	[tilespmem:s17], [sflag:$0x2] =	stream.linear.gather [hbm4b:s20+s16], $0x700, $0x38;
	[tilespmem:$0x15F00] =	vst v63  }
0x110: {  	s21 =	sadd.s32 $0x12600, s18  }
0x111: {  	[tilespmem:s3], [sflag:$0x2] =	stream.linear.gather [hbm4b:s21+s16], $0x700, $0x38;
	[tilespmem:$0x15F00] =	vst v63  }
0x112: {  	s25 =	sadd.s32 $0x18800, s18  }
0x113: {  	[tilespmem:s2], [sflag:$0x2] =	stream.linear.gather [hbm4b:s25+s16], $0x700, $0x38;
	[tilespmem:$0x15F00] =	vst v63  }
0x114: {  	s18 =	sadd.s32 $0x1EA00, s18  }
0x115: {  	[tilespmem:s5], [sflag:$0x2] =	stream.linear.gather [hbm4b:s18+s16], $0x700, $0x38;
	[tilespmem:$0x15F00] =	vst v63  }
0x116: {  	_ =	swait.ge [sflag:s6], $0x700  }
0x117: {  	[sflag:s6] =	ssyncset.done $0x0  }
0x118: {  	[sflag:s6] =	ssyncadd.s32 $0xFFFFF900  }
0x119: {  	_ =	swait.ge [sflag:s6], $0x700  }
0x11a: {  	[sflag:s6] =	ssyncset.done $0x0  }
0x11b: {  	[sflag:s6] =	ssyncadd.s32 $0xFFFFF900  }
0x11c: {  	_ =	swait.ge [sflag:s6], $0x700  }
0x11d: {  	[sflag:s6] =	ssyncset.done $0x0  }
0x11e: {  	[sflag:s6] =	ssyncadd.s32 $0xFFFFF900  }
0x11f: {  	_ =	swait.ge [sflag:s6], $0x700  }
0x120: {  	[sflag:s6] =	ssyncset.done $0x0  }
0x121: {  	[sflag:s6] =	ssyncadd.s32 $0xFFFFF900  }
0x122: {  	_ =	swait.ge [sflag:s6], $0x700  }
0x123: {  	[sflag:s6] =	ssyncset.done $0x0  }
0x124: {  	[sflag:s6] =	ssyncadd.s32 $0xFFFFF900  }
0x125: {  	_ =	swait.ge [sflag:s6], $0x700  }
0x126: {  	[sflag:s6] =	ssyncset.done $0x0  }
0x127: {  	[sflag:s6] =	ssyncadd.s32 $0xFFFFF900  }
0x128: {  	_ =	swait.ge [sflag:s12], $0x1C00  }
0x129: {  	[sflag:s12] =	ssyncset.done $0x0  }
0x12a: {  	[sflag:s12] =	ssyncadd.s32 $0xFFFFE400  }
0x12b: {  	v1 =	vld [tilespmem:s16+$0x0]  }
0x12c: {  	s31 =	sand.u32 $0x7F0, s16  }
0x12d: {  	v2 =	vld [tilespmem:s31+$0x1500]  }
0x12e: {  	v3 =	vld [tilespmem:s31+$0x700]  }
0x12f: {  	v4 =	vld [tilespmem:s31+$0x1C00]  }
0x130: {  	v1 =	vsub.f32 $1.000000000e+00, v1  }
0x131: {  	v5 =	vld [tilespmem:s31+$0xE00]  }
0x132: {  	v2 =	vmul.f32 v2, v1;
	_ =	sdelay $0x1  }
0x133: {  	v1 =	vmul.f32 v4, v1;
	v2 =	vadd.f32 v2, v3  }
0x134: {  	v4 =	vld [tilespmem:s31+$0x2300]  }
0x135: {  	v1 =	vadd.f32 v1, v5;
	v3 =	vadd.f32 $5.120000000e+02, v2;
	_ =	sdelay $0x1  }
0x136: {  	v5 =	vadd.f32 $5.120000000e+02, v1;
	v3 =	vtrunc.f32 v3  }
0x137: {  	v3 =	vcvt.f32.s32 v3  }
0x138: {  	v4 =	vtrunc.f32 v4;
	v5 =	vtrunc.f32 v5  }
0x139: {  	v6 =	vcvt.f32.s32 v5;
	v7 =	vcvt.s32.f32 v3  }
0x13a: {  	v4 =	vcvt.f32.s32 v4;
	v5 =	vadd.f32 $-5.120000000e+02, v5  }
0x13b: {  	v3 =	vadd.s32 $0xFFFFFE08, v3;
	v8 =	vadd.s32 $0xFFFFFE00, v6;
	v7 =	vadd.f32 $-5.120000000e+02, v7  }
0x13c: {  	v5 =	vsub.f32 v1, v5;
	vm0 =	vgt.s32 v3, $0x0;
	vm1 =	vgt.s32 v8, $0x0  }
0x13d: {  	v1 =	vnsel vm0, $0x0, v3;
	v3 =	vsub.s32 $0x1, v4;
	v2 =	vsub.f32 v2, v7  }
0x13e: {  	v4 =	vadd.s32 $0xFFFFFE01, v6;
	v60 =	vsub.f32 $1.000000000e+00, v5;
	v1 =	vmin.u32 v1, $0x1EE  }
0x13f: {  	v3 =	vmul.u32 $0x4D800, v3;
	v1 =	vmul.u32 $0x280, v1;
	v7 =	vsub.f32 $1.000000000e+00, v2  }
0x140: {  	v9 =	vnsel vm1, $0x0, v8;
	vm0 =	vgt.s32 v4, $0x0  }
0x141: {  	v1 =	vadd.s32 v3, v1;
	v3 =	vmin.u32 v9, $0x27F;
	v61 =	vmul.f32 v60, v7  }
0x142: {  	s18 =	simm.s32 $0x5420;
	vm1 =	vlt.u32 v8, $0x280;
	v10 =	vnsel vm0, $0x0, v4;
	v62 =	vadd.s32 v3, v1  }
0x143: {  	s19 =	simm.s32 $0x8C20;
	v10 =	vmin.u32 v10, $0x27F;
	v7 =	vmul.f32 v5, v7;
	[tilespmem:s18+$0xFFFFFFE0] =	vst v62;
	v63 =	vnsel vm1, $0x0, v61  }
0x144: {  	vm0 =	vlt.u32 v4, $0x280;
	v4 =	vadd.s32 v10, v1;
	[tilespmem:s19+$0xFFFFFFE0] =	vst v63  }
0x145: {  	v6 =	vmul.f32 v60, v2;
	v1 =	vadd.s32 $0x280, v1;
	v7 =	vnsel vm0, $0x0, v7;
	[tilespmem:s18+$0xFFFFFFF0] =	vst v4  }
0x146: {  	v4 =	vadd.s32 v3, v1;
	[tilespmem:s19+$0xFFFFFFF0] =	vst v7  }
0x147: {  	s20 =	simm.s32 $0x10;
	s21 =	simm.s32 $0x8C20;
	s25 =	simm.s32 $0x5420;
	v2 =	vmul.f32 v5, v2;
	v1 =	vadd.s32 v10, v1;
	v3 =	vnsel vm1, $0x0, v6;
	[tilespmem:s18+$0x0] =	vst v4  }
.LBB2_9:
0x148: {  	s16 =	sadd.s32 $0x10, s16  }
0x149: {  	[tilespmem:s19+$0x0] =	vst v3;
	s21 =	sadd.s32 $0x40, s21;
	s18 =	sadd.s32 $0x40, s18;
	s31 =	smov.u32 s20  }
0x14a: {  	p0 =	sne.s32 s20, $0x6F0;
	s20 =	sadd.s32 $0x10, s20;
	[tilespmem:s25+$0x10] =	vst v1;
	v1 =	vnsel vm0, $0x0, v2;
	s25 =	smov.u32 s18  }
0x14b: {  	s31 =	sand.u32 $0x7F0, s31;
	[tilespmem:s19+$0x10] =	vst v1;
	s19 =	smov.u32 s21  }
0x14c: {  	v1 =	vld [tilespmem:s16+$0x0]  }
0x14d: {  	v2 =	vld [tilespmem:s31+$0x1500]  }
0x14e: {  	v3 =	vld [tilespmem:s31+$0x700]  }
0x14f: {  	v4 =	vld [tilespmem:s31+$0x1C00];
	_ =	sdelay $0x1  }
0x150: {  	v5 =	vld [tilespmem:s31+$0xE00];
	v1 =	vsub.f32 $1.000000000e+00, v1;
	_ =	sdelay $0x1  }
0x151: {  	v2 =	vmul.f32 v2, v1  }
0x152: {  	v1 =	vmul.f32 v4, v1  }
0x153: {  	v4 =	vld [tilespmem:s31+$0x2300];
	v2 =	vadd.f32 v2, v3  }
0x154: {  	v1 =	vadd.f32 v1, v5  }
0x155: {  	v3 =	vadd.f32 $5.120000000e+02, v2  }
0x156: {  	v5 =	vadd.f32 $5.120000000e+02, v1  }
0x157: {  	v3 =	vtrunc.f32 v3  }
0x158: {  	v3 =	vcvt.f32.s32 v3;
	v5 =	vtrunc.f32 v5  }
0x159: {  	v6 =	vcvt.f32.s32 v5;
	v5 =	vadd.f32 $-5.120000000e+02, v5  }
0x15a: {  	v4 =	vtrunc.f32 v4;
	v7 =	vcvt.s32.f32 v3;
	v3 =	vadd.s32 $0xFFFFFE08, v3  }
0x15b: {  	v4 =	vcvt.f32.s32 v4;
	v5 =	vsub.f32 v1, v5;
	v1 =	vadd.s32 $0xFFFFFE00, v6  }
0x15c: {  	vm0 =	vgt.s32 v3, $0x0;
	v7 =	vadd.f32 $-5.120000000e+02, v7;
	vm1 =	vgt.s32 v1, $0x0  }
0x15d: {  	v6 =	vadd.s32 $0xFFFFFE01, v6;
	v4 =	vsub.s32 $0x1, v4;
	v3 =	vnsel vm0, $0x0, v3  }
0x15e: {  	v4 =	vmul.u32 $0x4D800, v4;
	v3 =	vmin.u32 v3, $0x1EE;
	v2 =	vsub.f32 v2, v7  }
0x15f: {  	vm0 =	vgt.s32 v6, $0x0;
	v3 =	vmul.u32 $0x280, v3;
	v7 =	vsub.f32 $1.000000000e+00, v5  }
0x160: {  	v8 =	vnsel vm1, $0x0, v1;
	v9 =	vnsel vm0, $0x0, v6;
	v10 =	vsub.f32 $1.000000000e+00, v2  }
0x161: {  	vm1 =	vlt.u32 v1, $0x280;
	v1 =	vmin.u32 v9, $0x27F;
	v3 =	vadd.s32 v4, v3  }
0x162: {  	v4 =	vmin.u32 v8, $0x27F;
	v8 =	vmul.f32 v7, v10;
	v9 =	vmul.f32 v5, v10  }
0x163: {  	vm0 =	vlt.u32 v6, $0x280;
	v6 =	vadd.s32 v4, v3;
	v10 =	vadd.s32 v1, v3  }
.Ltmp3:
0x164: {  	v3 =	vadd.s32 $0x280, v3;
	[tilespmem:s18+$0xFFFFFFE0] =	vst v6;
	v6 =	vnsel vm1, $0x0, v8;
	v8 =	vnsel vm0, $0x0, v9;
	(pc) =	sbr.rel @p0 .LBB2_9-.Ltmp3, $4  }
0x165: {  	v4 =	vadd.s32 v4, v3;
	v1 =	vadd.s32 v1, v3;
	[tilespmem:s21+$0xFFFFFFE0] =	vst v6;
	v6 =	vmul.f32 v7, v2  }
0x166: {  	v2 =	vmul.f32 v5, v2;
	[tilespmem:s18+$0xFFFFFFF0] =	vst v10  }
0x167: {  	[tilespmem:s21+$0xFFFFFFF0] =	vst v8;
	v3 =	vnsel vm1, $0x0, v6  }
0x168: {  	[tilespmem:s18+$0x0] =	vst v4  }
0x169: {  	[tilespmem:s19+$0x0] =	vst v3;
	s16 =	rddreg [dreg:$0xc]  }
0x16a: {  	[tilespmem:s25+$0x10] =	vst v1;
	v1 =	vnsel vm0, $0x0, v2;
	s16 =	sadd.s32 s16, s15  }
0x16b: {  	[tilespmem:s19+$0x10] =	vst v1;
	s16 =	sshrl.u32 s16, $0x3  }
0x16c: {  	[spmem:s1] =	stream.indirect.scatter.add.f32 [tilespmem:s22], [sflag:$0x3], $0x1, s9, s29, $0xb8;
	[tilespmem:$0x15F00] =	vst v63  }
0x16d: {  	s18 =	simm.s32 $0x0;
	s16 =	sadd.s32 s4, s16  }
0x16e: {  	[tilespmem:s18], [sflag:$0x1] =	stream.linear.gather [hbm4b:s16+s18], $0x700, $0x38;
	[tilespmem:$0x15F00] =	vst v63  }
0x16f: {  	s20 =	sadd.s32 $0x6200, s16  }
0x170: {  	[tilespmem:s24], [sflag:$0x1] =	stream.linear.gather [hbm4b:s20+s18], $0x700, $0x38;
	[tilespmem:$0x15F00] =	vst v63  }
0x171: {  	s21 =	sadd.s32 $0xC400, s16  }
0x172: {  	[tilespmem:s26], [sflag:$0x1] =	stream.linear.gather [hbm4b:s21+s18], $0x700, $0x38;
	[tilespmem:$0x15F00] =	vst v63  }
0x173: {  	s25 =	sadd.s32 $0x12600, s16  }
0x174: {  	[tilespmem:s28], [sflag:$0x1] =	stream.linear.gather [hbm4b:s25+s18], $0x700, $0x38;
	[tilespmem:$0x15F00] =	vst v63  }
0x175: {  	s31 =	sadd.s32 $0x18800, s16  }
0x176: {  	[tilespmem:s29], [sflag:$0x1] =	stream.linear.gather [hbm4b:s31+s18], $0x700, $0x38;
	[tilespmem:$0x15F00] =	vst v63  }
0x177: {  	s16 =	sadd.s32 $0x1EA00, s16  }
0x178: {  	[tilespmem:s30], [sflag:$0x1] =	stream.linear.gather [hbm4b:s16+s18], $0x700, $0x38;
	[tilespmem:$0x15F00] =	vst v63  }
0x179: {  	_ =	swait.ge [sflag:s10], $0x700  }
0x17a: {  	[sflag:s10] =	ssyncset.done $0x0  }
0x17b: {  	[sflag:s10] =	ssyncadd.s32 $0xFFFFF900  }
0x17c: {  	_ =	swait.ge [sflag:s10], $0x700  }
0x17d: {  	[sflag:s10] =	ssyncset.done $0x0  }
0x17e: {  	[sflag:s10] =	ssyncadd.s32 $0xFFFFF900  }
0x17f: {  	_ =	swait.ge [sflag:s10], $0x700  }
0x180: {  	[sflag:s10] =	ssyncset.done $0x0  }
0x181: {  	[sflag:s10] =	ssyncadd.s32 $0xFFFFF900  }
0x182: {  	_ =	swait.ge [sflag:s10], $0x700  }
0x183: {  	[sflag:s10] =	ssyncset.done $0x0  }
0x184: {  	[sflag:s10] =	ssyncadd.s32 $0xFFFFF900  }
0x185: {  	_ =	swait.ge [sflag:s10], $0x700  }
0x186: {  	[sflag:s10] =	ssyncset.done $0x0  }
0x187: {  	[sflag:s10] =	ssyncadd.s32 $0xFFFFF900  }
0x188: {  	_ =	swait.ge [sflag:s10], $0x700  }
0x189: {  	[sflag:s10] =	ssyncset.done $0x0  }
0x18a: {  	[sflag:s10] =	ssyncadd.s32 $0xFFFFF900  }
0x18b: {  	_ =	swait.ge [sflag:s13], $0x1C00  }
0x18c: {  	[sflag:s13] =	ssyncset.done $0x0  }
0x18d: {  	s16 =	simm.s32 $0x2A00;
	[sflag:s13] =	ssyncadd.s32 $0xFFFFE400  }
0x18e: {  	v1 =	vld [tilespmem:s16+$0x0]  }
0x18f: {  	s18 =	sand.u32 $0x7F0, s18  }
0x190: {  	v2 =	vld [tilespmem:s18+$0x3F00]  }
0x191: {  	v3 =	vld [tilespmem:s18+$0x3100]  }
0x192: {  	v4 =	vld [tilespmem:s18+$0x4600]  }
0x193: {  	v1 =	vsub.f32 $1.000000000e+00, v1  }
0x194: {  	v5 =	vld [tilespmem:s18+$0x3800]  }
0x195: {  	v2 =	vmul.f32 v2, v1;
	_ =	sdelay $0x1  }
0x196: {  	v1 =	vmul.f32 v4, v1;
	v2 =	vadd.f32 v2, v3  }
0x197: {  	v4 =	vld [tilespmem:s18+$0x4D00]  }
0x198: {  	v1 =	vadd.f32 v1, v5;
	v3 =	vadd.f32 $5.120000000e+02, v2;
	_ =	sdelay $0x1  }
0x199: {  	v5 =	vadd.f32 $5.120000000e+02, v1;
	v3 =	vtrunc.f32 v3  }
0x19a: {  	v3 =	vcvt.f32.s32 v3  }
0x19b: {  	v4 =	vtrunc.f32 v4;
	v5 =	vtrunc.f32 v5  }
0x19c: {  	v6 =	vcvt.f32.s32 v5;
	v7 =	vcvt.s32.f32 v3  }
0x19d: {  	v4 =	vcvt.f32.s32 v4;
	v5 =	vadd.f32 $-5.120000000e+02, v5  }
0x19e: {  	v3 =	vadd.s32 $0xFFFFFE08, v3;
	v8 =	vadd.s32 $0xFFFFFE00, v6;
	v7 =	vadd.f32 $-5.120000000e+02, v7  }
0x19f: {  	v5 =	vsub.f32 v1, v5;
	vm0 =	vgt.s32 v3, $0x0;
	vm1 =	vgt.s32 v8, $0x0  }
0x1a0: {  	v1 =	vnsel vm0, $0x0, v3;
	v3 =	vsub.s32 $0x1, v4;
	v2 =	vsub.f32 v2, v7  }
0x1a1: {  	v4 =	vadd.s32 $0xFFFFFE01, v6;
	v60 =	vsub.f32 $1.000000000e+00, v5;
	v1 =	vmin.u32 v1, $0x1EE  }
0x1a2: {  	v3 =	vmul.u32 $0x4D800, v3;
	v1 =	vmul.u32 $0x280, v1;
	v7 =	vsub.f32 $1.000000000e+00, v2  }
0x1a3: {  	v9 =	vnsel vm1, $0x0, v8;
	vm0 =	vgt.s32 v4, $0x0  }
0x1a4: {  	v1 =	vadd.s32 v3, v1;
	v3 =	vmin.u32 v9, $0x27F;
	v61 =	vmul.f32 v60, v7  }
0x1a5: {  	s18 =	simm.s32 $0x7020;
	vm1 =	vlt.u32 v8, $0x280;
	v10 =	vnsel vm0, $0x0, v4;
	v62 =	vadd.s32 v3, v1  }
0x1a6: {  	s19 =	simm.s32 $0xA820;
	v10 =	vmin.u32 v10, $0x27F;
	v7 =	vmul.f32 v5, v7;
	[tilespmem:s18+$0xFFFFFFE0] =	vst v62;
	v63 =	vnsel vm1, $0x0, v61  }
0x1a7: {  	vm0 =	vlt.u32 v4, $0x280;
	v4 =	vadd.s32 v10, v1;
	[tilespmem:s19+$0xFFFFFFE0] =	vst v63  }
0x1a8: {  	v6 =	vmul.f32 v60, v2;
	v1 =	vadd.s32 $0x280, v1;
	v7 =	vnsel vm0, $0x0, v7;
	[tilespmem:s18+$0xFFFFFFF0] =	vst v4  }
0x1a9: {  	v4 =	vadd.s32 v3, v1;
	[tilespmem:s19+$0xFFFFFFF0] =	vst v7  }
0x1aa: {  	s20 =	simm.s32 $0x10;
	s21 =	simm.s32 $0xA820;
	s25 =	simm.s32 $0x7020;
	v2 =	vmul.f32 v5, v2;
	v1 =	vadd.s32 v10, v1;
	v3 =	vnsel vm1, $0x0, v6;
	[tilespmem:s18+$0x0] =	vst v4  }
.LBB2_11:
0x1ab: {  	s16 =	sadd.s32 $0x10, s16  }
0x1ac: {  	[tilespmem:s19+$0x0] =	vst v3;
	s21 =	sadd.s32 $0x40, s21;
	s18 =	sadd.s32 $0x40, s18;
	s31 =	smov.u32 s20  }
0x1ad: {  	p0 =	sne.s32 s20, $0x6F0;
	s20 =	sadd.s32 $0x10, s20;
	[tilespmem:s25+$0x10] =	vst v1;
	v1 =	vnsel vm0, $0x0, v2;
	s25 =	smov.u32 s18  }
0x1ae: {  	s31 =	sand.u32 $0x7F0, s31;
	[tilespmem:s19+$0x10] =	vst v1;
	s19 =	smov.u32 s21  }
0x1af: {  	v1 =	vld [tilespmem:s16+$0x0]  }
0x1b0: {  	v2 =	vld [tilespmem:s31+$0x3F00]  }
0x1b1: {  	v3 =	vld [tilespmem:s31+$0x3100]  }
0x1b2: {  	v4 =	vld [tilespmem:s31+$0x4600];
	_ =	sdelay $0x1  }
0x1b3: {  	v5 =	vld [tilespmem:s31+$0x3800];
	v1 =	vsub.f32 $1.000000000e+00, v1;
	_ =	sdelay $0x1  }
0x1b4: {  	v2 =	vmul.f32 v2, v1  }
0x1b5: {  	v1 =	vmul.f32 v4, v1  }
0x1b6: {  	v4 =	vld [tilespmem:s31+$0x4D00];
	v2 =	vadd.f32 v2, v3  }
0x1b7: {  	v1 =	vadd.f32 v1, v5  }
0x1b8: {  	v3 =	vadd.f32 $5.120000000e+02, v2  }
0x1b9: {  	v5 =	vadd.f32 $5.120000000e+02, v1  }
0x1ba: {  	v3 =	vtrunc.f32 v3  }
0x1bb: {  	v3 =	vcvt.f32.s32 v3;
	v5 =	vtrunc.f32 v5  }
0x1bc: {  	v6 =	vcvt.f32.s32 v5;
	v5 =	vadd.f32 $-5.120000000e+02, v5  }
0x1bd: {  	v4 =	vtrunc.f32 v4;
	v7 =	vcvt.s32.f32 v3;
	v3 =	vadd.s32 $0xFFFFFE08, v3  }
0x1be: {  	v4 =	vcvt.f32.s32 v4;
	v5 =	vsub.f32 v1, v5;
	v1 =	vadd.s32 $0xFFFFFE00, v6  }
0x1bf: {  	vm0 =	vgt.s32 v3, $0x0;
	v7 =	vadd.f32 $-5.120000000e+02, v7;
	vm1 =	vgt.s32 v1, $0x0  }
0x1c0: {  	v6 =	vadd.s32 $0xFFFFFE01, v6;
	v4 =	vsub.s32 $0x1, v4;
	v3 =	vnsel vm0, $0x0, v3  }
0x1c1: {  	v4 =	vmul.u32 $0x4D800, v4;
	v3 =	vmin.u32 v3, $0x1EE;
	v2 =	vsub.f32 v2, v7  }
0x1c2: {  	vm0 =	vgt.s32 v6, $0x0;
	v3 =	vmul.u32 $0x280, v3;
	v7 =	vsub.f32 $1.000000000e+00, v5  }
0x1c3: {  	v8 =	vnsel vm1, $0x0, v1;
	v9 =	vnsel vm0, $0x0, v6;
	v10 =	vsub.f32 $1.000000000e+00, v2  }
0x1c4: {  	vm1 =	vlt.u32 v1, $0x280;
	v1 =	vmin.u32 v9, $0x27F;
	v3 =	vadd.s32 v4, v3  }
0x1c5: {  	v4 =	vmin.u32 v8, $0x27F;
	v8 =	vmul.f32 v7, v10;
	v9 =	vmul.f32 v5, v10  }
0x1c6: {  	vm0 =	vlt.u32 v6, $0x280;
	v6 =	vadd.s32 v4, v3;
	v10 =	vadd.s32 v1, v3  }
.Ltmp4:
0x1c7: {  	v3 =	vadd.s32 $0x280, v3;
	[tilespmem:s18+$0xFFFFFFE0] =	vst v6;
	v6 =	vnsel vm1, $0x0, v8;
	v8 =	vnsel vm0, $0x0, v9;
	(pc) =	sbr.rel @p0 .LBB2_11-.Ltmp4, $4  }
0x1c8: {  	v4 =	vadd.s32 v4, v3;
	v1 =	vadd.s32 v1, v3;
	[tilespmem:s21+$0xFFFFFFE0] =	vst v6;
	v6 =	vmul.f32 v7, v2  }
0x1c9: {  	v2 =	vmul.f32 v5, v2;
	[tilespmem:s18+$0xFFFFFFF0] =	vst v10  }
0x1ca: {  	[tilespmem:s21+$0xFFFFFFF0] =	vst v8;
	v3 =	vnsel vm1, $0x0, v6  }
0x1cb: {  	[tilespmem:s18+$0x0] =	vst v4  }
0x1cc: {  	[tilespmem:s19+$0x0] =	vst v3;
	s16 =	rddreg [dreg:$0xd]  }
0x1cd: {  	[tilespmem:s25+$0x10] =	vst v1;
	v1 =	vnsel vm0, $0x0, v2;
	s16 =	sadd.s32 s16, s15  }
0x1ce: {  	[tilespmem:s19+$0x10] =	vst v1;
	s16 =	sshrl.u32 s16, $0x3  }
0x1cf: {  	[spmem:s1] =	stream.indirect.scatter.add.f32 [tilespmem:s7], [sflag:$0x4], $0x1, s11, s29, $0xb8;
	[tilespmem:$0x15F00] =	vst v63  }
0x1d0: {  	s25 =	simm.s32 $0x2A00;
	s18 =	sadd.s32 s4, s16;
	s16 =	simm.s32 $0x0  }
0x1d1: {  	[tilespmem:s25], [sflag:$0x2] =	stream.linear.gather [hbm4b:s18+s16], $0x700, $0x38;
	[tilespmem:$0x15F00] =	vst v63  }
0x1d2: {  	s31 =	sadd.s32 $0x6200, s18  }
0x1d3: {  	[tilespmem:s0], [sflag:$0x2] =	stream.linear.gather [hbm4b:s31+s16], $0x700, $0x38;
	[tilespmem:$0x15F00] =	vst v63  }
0x1d4: {  	s20 =	sadd.s32 $0xC400, s18  }
0x1d5: {  	[tilespmem:s17], [sflag:$0x2] =	stream.linear.gather [hbm4b:s20+s16], $0x700, $0x38;
	[tilespmem:$0x15F00] =	vst v63  }
0x1d6: {  	s21 =	sadd.s32 $0x12600, s18  }
0x1d7: {  	[tilespmem:s3], [sflag:$0x2] =	stream.linear.gather [hbm4b:s21+s16], $0x700, $0x38;
	[tilespmem:$0x15F00] =	vst v63  }
0x1d8: {  	s25 =	sadd.s32 $0x18800, s18  }
0x1d9: {  	[tilespmem:s2], [sflag:$0x2] =	stream.linear.gather [hbm4b:s25+s16], $0x700, $0x38;
	[tilespmem:$0x15F00] =	vst v63  }
0x1da: {  	s18 =	sadd.s32 $0x1EA00, s18  }
0x1db: {  	[tilespmem:s5], [sflag:$0x2] =	stream.linear.gather [hbm4b:s18+s16], $0x700, $0x38;
	[tilespmem:$0x15F00] =	vst v63  }
0x1dc: {  	_ =	swait.ge [sflag:s6], $0x700  }
0x1dd: {  	[sflag:s6] =	ssyncset.done $0x0  }
0x1de: {  	[sflag:s6] =	ssyncadd.s32 $0xFFFFF900  }
0x1df: {  	_ =	swait.ge [sflag:s6], $0x700  }
0x1e0: {  	[sflag:s6] =	ssyncset.done $0x0  }
0x1e1: {  	[sflag:s6] =	ssyncadd.s32 $0xFFFFF900  }
0x1e2: {  	_ =	swait.ge [sflag:s6], $0x700  }
0x1e3: {  	[sflag:s6] =	ssyncset.done $0x0  }
0x1e4: {  	[sflag:s6] =	ssyncadd.s32 $0xFFFFF900  }
0x1e5: {  	_ =	swait.ge [sflag:s6], $0x700  }
0x1e6: {  	[sflag:s6] =	ssyncset.done $0x0  }
0x1e7: {  	[sflag:s6] =	ssyncadd.s32 $0xFFFFF900  }
0x1e8: {  	_ =	swait.ge [sflag:s6], $0x700  }
0x1e9: {  	[sflag:s6] =	ssyncset.done $0x0  }
0x1ea: {  	[sflag:s6] =	ssyncadd.s32 $0xFFFFF900  }
0x1eb: {  	_ =	swait.ge [sflag:s6], $0x700  }
0x1ec: {  	[sflag:s6] =	ssyncset.done $0x0  }
0x1ed: {  	[sflag:s6] =	ssyncadd.s32 $0xFFFFF900  }
0x1ee: {  	_ =	swait.ge [sflag:s12], $0x1C00  }
0x1ef: {  	[sflag:s12] =	ssyncset.done $0x0  }
0x1f0: {  	[sflag:s12] =	ssyncadd.s32 $0xFFFFE400  }
0x1f1: {  	v1 =	vld [tilespmem:s16+$0x0]  }
0x1f2: {  	s31 =	sand.u32 $0x7F0, s16  }
0x1f3: {  	v2 =	vld [tilespmem:s31+$0x1500]  }
0x1f4: {  	v3 =	vld [tilespmem:s31+$0x700]  }
0x1f5: {  	v4 =	vld [tilespmem:s31+$0x1C00]  }
0x1f6: {  	v1 =	vsub.f32 $1.000000000e+00, v1  }
0x1f7: {  	v5 =	vld [tilespmem:s31+$0xE00]  }
0x1f8: {  	v2 =	vmul.f32 v2, v1;
	_ =	sdelay $0x1  }
0x1f9: {  	v1 =	vmul.f32 v4, v1;
	v2 =	vadd.f32 v2, v3  }
0x1fa: {  	v4 =	vld [tilespmem:s31+$0x2300]  }
0x1fb: {  	v1 =	vadd.f32 v1, v5;
	v3 =	vadd.f32 $5.120000000e+02, v2;
	_ =	sdelay $0x1  }
0x1fc: {  	v5 =	vadd.f32 $5.120000000e+02, v1;
	v3 =	vtrunc.f32 v3  }
0x1fd: {  	v3 =	vcvt.f32.s32 v3  }
0x1fe: {  	v4 =	vtrunc.f32 v4;
	v5 =	vtrunc.f32 v5  }
0x1ff: {  	v6 =	vcvt.f32.s32 v5;
	v7 =	vcvt.s32.f32 v3  }
0x200: {  	v4 =	vcvt.f32.s32 v4;
	v5 =	vadd.f32 $-5.120000000e+02, v5  }
0x201: {  	v3 =	vadd.s32 $0xFFFFFE08, v3;
	v8 =	vadd.s32 $0xFFFFFE00, v6;
	v7 =	vadd.f32 $-5.120000000e+02, v7  }
0x202: {  	v5 =	vsub.f32 v1, v5;
	vm0 =	vgt.s32 v3, $0x0;
	vm1 =	vgt.s32 v8, $0x0  }
0x203: {  	v1 =	vnsel vm0, $0x0, v3;
	v3 =	vsub.s32 $0x1, v4;
	v2 =	vsub.f32 v2, v7  }
0x204: {  	v4 =	vadd.s32 $0xFFFFFE01, v6;
	v60 =	vsub.f32 $1.000000000e+00, v5;
	v1 =	vmin.u32 v1, $0x1EE  }
0x205: {  	v3 =	vmul.u32 $0x4D800, v3;
	v1 =	vmul.u32 $0x280, v1;
	v7 =	vsub.f32 $1.000000000e+00, v2  }
0x206: {  	v9 =	vnsel vm1, $0x0, v8;
	vm0 =	vgt.s32 v4, $0x0  }
0x207: {  	v1 =	vadd.s32 v3, v1;
	v3 =	vmin.u32 v9, $0x27F;
	v61 =	vmul.f32 v60, v7  }
0x208: {  	s18 =	simm.s32 $0x5420;
	vm1 =	vlt.u32 v8, $0x280;
	v10 =	vnsel vm0, $0x0, v4;
	v62 =	vadd.s32 v3, v1  }
0x209: {  	s19 =	simm.s32 $0x8C20;
	v10 =	vmin.u32 v10, $0x27F;
	v7 =	vmul.f32 v5, v7;
	[tilespmem:s18+$0xFFFFFFE0] =	vst v62;
	v63 =	vnsel vm1, $0x0, v61  }
0x20a: {  	vm0 =	vlt.u32 v4, $0x280;
	v4 =	vadd.s32 v10, v1;
	[tilespmem:s19+$0xFFFFFFE0] =	vst v63  }
0x20b: {  	v6 =	vmul.f32 v60, v2;
	v1 =	vadd.s32 $0x280, v1;
	v7 =	vnsel vm0, $0x0, v7;
	[tilespmem:s18+$0xFFFFFFF0] =	vst v4  }
0x20c: {  	v4 =	vadd.s32 v3, v1;
	[tilespmem:s19+$0xFFFFFFF0] =	vst v7  }
0x20d: {  	s20 =	simm.s32 $0x10;
	s21 =	simm.s32 $0x8C20;
	s25 =	simm.s32 $0x5420;
	v2 =	vmul.f32 v5, v2;
	v1 =	vadd.s32 v10, v1;
	v3 =	vnsel vm1, $0x0, v6;
	[tilespmem:s18+$0x0] =	vst v4  }
.LBB2_13:
0x20e: {  	s16 =	sadd.s32 $0x10, s16  }
0x20f: {  	[tilespmem:s19+$0x0] =	vst v3;
	s21 =	sadd.s32 $0x40, s21;
	s18 =	sadd.s32 $0x40, s18;
	s31 =	smov.u32 s20  }
0x210: {  	p0 =	sne.s32 s20, $0x6F0;
	s20 =	sadd.s32 $0x10, s20;
	[tilespmem:s25+$0x10] =	vst v1;
	v1 =	vnsel vm0, $0x0, v2;
	s25 =	smov.u32 s18  }
0x211: {  	s31 =	sand.u32 $0x7F0, s31;
	[tilespmem:s19+$0x10] =	vst v1;
	s19 =	smov.u32 s21  }
0x212: {  	v1 =	vld [tilespmem:s16+$0x0]  }
0x213: {  	v2 =	vld [tilespmem:s31+$0x1500]  }
0x214: {  	v3 =	vld [tilespmem:s31+$0x700]  }
0x215: {  	v4 =	vld [tilespmem:s31+$0x1C00];
	_ =	sdelay $0x1  }
0x216: {  	v5 =	vld [tilespmem:s31+$0xE00];
	v1 =	vsub.f32 $1.000000000e+00, v1;
	_ =	sdelay $0x1  }
0x217: {  	v2 =	vmul.f32 v2, v1  }
0x218: {  	v1 =	vmul.f32 v4, v1  }
0x219: {  	v4 =	vld [tilespmem:s31+$0x2300];
	v2 =	vadd.f32 v2, v3  }
0x21a: {  	v1 =	vadd.f32 v1, v5  }
0x21b: {  	v3 =	vadd.f32 $5.120000000e+02, v2  }
0x21c: {  	v5 =	vadd.f32 $5.120000000e+02, v1  }
0x21d: {  	v3 =	vtrunc.f32 v3  }
0x21e: {  	v3 =	vcvt.f32.s32 v3;
	v5 =	vtrunc.f32 v5  }
0x21f: {  	v6 =	vcvt.f32.s32 v5;
	v5 =	vadd.f32 $-5.120000000e+02, v5  }
0x220: {  	v4 =	vtrunc.f32 v4;
	v7 =	vcvt.s32.f32 v3;
	v3 =	vadd.s32 $0xFFFFFE08, v3  }
0x221: {  	v4 =	vcvt.f32.s32 v4;
	v5 =	vsub.f32 v1, v5;
	v1 =	vadd.s32 $0xFFFFFE00, v6  }
0x222: {  	vm0 =	vgt.s32 v3, $0x0;
	v7 =	vadd.f32 $-5.120000000e+02, v7;
	vm1 =	vgt.s32 v1, $0x0  }
0x223: {  	v6 =	vadd.s32 $0xFFFFFE01, v6;
	v4 =	vsub.s32 $0x1, v4;
	v3 =	vnsel vm0, $0x0, v3  }
0x224: {  	v4 =	vmul.u32 $0x4D800, v4;
	v3 =	vmin.u32 v3, $0x1EE;
	v2 =	vsub.f32 v2, v7  }
0x225: {  	vm0 =	vgt.s32 v6, $0x0;
	v3 =	vmul.u32 $0x280, v3;
	v7 =	vsub.f32 $1.000000000e+00, v5  }
0x226: {  	v8 =	vnsel vm1, $0x0, v1;
	v9 =	vnsel vm0, $0x0, v6;
	v10 =	vsub.f32 $1.000000000e+00, v2  }
0x227: {  	vm1 =	vlt.u32 v1, $0x280;
	v1 =	vmin.u32 v9, $0x27F;
	v3 =	vadd.s32 v4, v3  }
0x228: {  	v4 =	vmin.u32 v8, $0x27F;
	v8 =	vmul.f32 v7, v10;
	v9 =	vmul.f32 v5, v10  }
0x229: {  	vm0 =	vlt.u32 v6, $0x280;
	v6 =	vadd.s32 v4, v3;
	v10 =	vadd.s32 v1, v3  }
.Ltmp5:
0x22a: {  	v3 =	vadd.s32 $0x280, v3;
	[tilespmem:s18+$0xFFFFFFE0] =	vst v6;
	v6 =	vnsel vm1, $0x0, v8;
	v8 =	vnsel vm0, $0x0, v9;
	(pc) =	sbr.rel @p0 .LBB2_13-.Ltmp5, $4  }
0x22b: {  	v4 =	vadd.s32 v4, v3;
	v1 =	vadd.s32 v1, v3;
	[tilespmem:s21+$0xFFFFFFE0] =	vst v6;
	v6 =	vmul.f32 v7, v2  }
0x22c: {  	v2 =	vmul.f32 v5, v2;
	[tilespmem:s18+$0xFFFFFFF0] =	vst v10  }
0x22d: {  	[tilespmem:s21+$0xFFFFFFF0] =	vst v8;
	v3 =	vnsel vm1, $0x0, v6  }
0x22e: {  	[tilespmem:s18+$0x0] =	vst v4  }
0x22f: {  	[tilespmem:s19+$0x0] =	vst v3;
	s16 =	rddreg [dreg:$0xe]  }
0x230: {  	[tilespmem:s25+$0x10] =	vst v1;
	v1 =	vnsel vm0, $0x0, v2;
	s15 =	sadd.s32 s16, s15  }
0x231: {  	[tilespmem:s19+$0x10] =	vst v1;
	s15 =	sshrl.u32 s15, $0x3  }
0x232: {  	[spmem:s1] =	stream.indirect.scatter.add.f32 [tilespmem:s22], [sflag:$0x3], $0x1, s9, s29, $0xb8;
	[tilespmem:$0x15F00] =	vst v63  }
0x233: {  	s20 =	simm.s32 $0x0;
	s15 =	sadd.s32 s4, s15  }
0x234: {  	[tilespmem:s20], [sflag:$0x1] =	stream.linear.gather [hbm4b:s15+s20], $0x700, $0x38;
	[tilespmem:$0x15F00] =	vst v63  }
0x235: {  	s18 =	sadd.s32 $0x6200, s15  }
0x236: {  	[tilespmem:s24], [sflag:$0x1] =	stream.linear.gather [hbm4b:s18+s20], $0x700, $0x38;
	[tilespmem:$0x15F00] =	vst v63  }
0x237: {  	s21 =	sadd.s32 $0xC400, s15  }
0x238: {  	[tilespmem:s26], [sflag:$0x1] =	stream.linear.gather [hbm4b:s21+s20], $0x700, $0x38;
	[tilespmem:$0x15F00] =	vst v63  }
0x239: {  	s25 =	sadd.s32 $0x12600, s15  }
0x23a: {  	[tilespmem:s28], [sflag:$0x1] =	stream.linear.gather [hbm4b:s25+s20], $0x700, $0x38;
	[tilespmem:$0x15F00] =	vst v63  }
0x23b: {  	s31 =	sadd.s32 $0x18800, s15  }
0x23c: {  	[tilespmem:s29], [sflag:$0x1] =	stream.linear.gather [hbm4b:s31+s20], $0x700, $0x38;
	[tilespmem:$0x15F00] =	vst v63  }
0x23d: {  	s15 =	sadd.s32 $0x1EA00, s15  }
0x23e: {  	[tilespmem:s30], [sflag:$0x1] =	stream.linear.gather [hbm4b:s15+s20], $0x700, $0x38;
	[tilespmem:$0x15F00] =	vst v63  }
0x23f: {  	_ =	swait.ge [sflag:s10], $0x700  }
0x240: {  	[sflag:s10] =	ssyncset.done $0x0  }
0x241: {  	[sflag:s10] =	ssyncadd.s32 $0xFFFFF900  }
0x242: {  	_ =	swait.ge [sflag:s10], $0x700  }
0x243: {  	[sflag:s10] =	ssyncset.done $0x0  }
0x244: {  	[sflag:s10] =	ssyncadd.s32 $0xFFFFF900  }
0x245: {  	_ =	swait.ge [sflag:s10], $0x700  }
0x246: {  	[sflag:s10] =	ssyncset.done $0x0  }
0x247: {  	[sflag:s10] =	ssyncadd.s32 $0xFFFFF900  }
0x248: {  	_ =	swait.ge [sflag:s10], $0x700  }
0x249: {  	[sflag:s10] =	ssyncset.done $0x0  }
0x24a: {  	[sflag:s10] =	ssyncadd.s32 $0xFFFFF900  }
0x24b: {  	_ =	swait.ge [sflag:s10], $0x700  }
0x24c: {  	[sflag:s10] =	ssyncset.done $0x0  }
0x24d: {  	[sflag:s10] =	ssyncadd.s32 $0xFFFFF900  }
0x24e: {  	_ =	swait.ge [sflag:s10], $0x700  }
0x24f: {  	[sflag:s10] =	ssyncset.done $0x0  }
0x250: {  	[sflag:s10] =	ssyncadd.s32 $0xFFFFF900  }
0x251: {  	_ =	swait.ge [sflag:s13], $0x1C00  }
0x252: {  	[sflag:s13] =	ssyncset.done $0x0  }
0x253: {  	s15 =	simm.s32 $0x2A00;
	[sflag:s13] =	ssyncadd.s32 $0xFFFFE400  }
0x254: {  	v1 =	vld [tilespmem:s15+$0x0]  }
0x255: {  	s16 =	sand.u32 $0x7F0, s20  }
0x256: {  	v2 =	vld [tilespmem:s16+$0x3F00]  }
0x257: {  	v3 =	vld [tilespmem:s16+$0x3100]  }
0x258: {  	v4 =	vld [tilespmem:s16+$0x4600]  }
0x259: {  	v1 =	vsub.f32 $1.000000000e+00, v1  }
0x25a: {  	v5 =	vld [tilespmem:s16+$0x3800]  }
0x25b: {  	v2 =	vmul.f32 v2, v1;
	_ =	sdelay $0x1  }
0x25c: {  	v1 =	vmul.f32 v4, v1;
	v2 =	vadd.f32 v2, v3  }
0x25d: {  	v4 =	vld [tilespmem:s16+$0x4D00]  }
0x25e: {  	v1 =	vadd.f32 v1, v5;
	v3 =	vadd.f32 $5.120000000e+02, v2;
	_ =	sdelay $0x1  }
0x25f: {  	v5 =	vadd.f32 $5.120000000e+02, v1;
	v3 =	vtrunc.f32 v3  }
0x260: {  	v3 =	vcvt.f32.s32 v3  }
0x261: {  	v4 =	vtrunc.f32 v4;
	v5 =	vtrunc.f32 v5  }
0x262: {  	v6 =	vcvt.f32.s32 v5;
	v7 =	vcvt.s32.f32 v3  }
0x263: {  	v4 =	vcvt.f32.s32 v4;
	v5 =	vadd.f32 $-5.120000000e+02, v5  }
0x264: {  	v3 =	vadd.s32 $0xFFFFFE08, v3;
	v8 =	vadd.s32 $0xFFFFFE00, v6;
	v7 =	vadd.f32 $-5.120000000e+02, v7  }
0x265: {  	v5 =	vsub.f32 v1, v5;
	vm0 =	vgt.s32 v3, $0x0;
	vm1 =	vgt.s32 v8, $0x0  }
0x266: {  	v1 =	vnsel vm0, $0x0, v3;
	v3 =	vsub.s32 $0x1, v4;
	v2 =	vsub.f32 v2, v7  }
0x267: {  	v4 =	vadd.s32 $0xFFFFFE01, v6;
	v60 =	vsub.f32 $1.000000000e+00, v5;
	v1 =	vmin.u32 v1, $0x1EE  }
0x268: {  	v3 =	vmul.u32 $0x4D800, v3;
	v1 =	vmul.u32 $0x280, v1;
	v7 =	vsub.f32 $1.000000000e+00, v2  }
0x269: {  	v9 =	vnsel vm1, $0x0, v8;
	vm0 =	vgt.s32 v4, $0x0  }
0x26a: {  	v1 =	vadd.s32 v3, v1;
	v3 =	vmin.u32 v9, $0x27F;
	v61 =	vmul.f32 v60, v7  }
0x26b: {  	s16 =	simm.s32 $0x7020;
	vm1 =	vlt.u32 v8, $0x280;
	v10 =	vnsel vm0, $0x0, v4;
	v62 =	vadd.s32 v3, v1  }
0x26c: {  	s18 =	simm.s32 $0xA820;
	v10 =	vmin.u32 v10, $0x27F;
	v7 =	vmul.f32 v5, v7;
	[tilespmem:s16+$0xFFFFFFE0] =	vst v62;
	v63 =	vnsel vm1, $0x0, v61  }
0x26d: {  	vm0 =	vlt.u32 v4, $0x280;
	v4 =	vadd.s32 v10, v1;
	[tilespmem:s18+$0xFFFFFFE0] =	vst v63  }
0x26e: {  	v6 =	vmul.f32 v60, v2;
	v1 =	vadd.s32 $0x280, v1;
	v7 =	vnsel vm0, $0x0, v7;
	[tilespmem:s16+$0xFFFFFFF0] =	vst v4  }
0x26f: {  	v4 =	vadd.s32 v3, v1;
	[tilespmem:s18+$0xFFFFFFF0] =	vst v7  }
0x270: {  	s19 =	simm.s32 $0x10;
	s21 =	simm.s32 $0x7020;
	s20 =	simm.s32 $0xA820;
	v2 =	vmul.f32 v5, v2;
	v1 =	vadd.s32 v10, v1;
	v3 =	vnsel vm1, $0x0, v6;
	[tilespmem:s16+$0x0] =	vst v4  }
.LBB2_15:
0x271: {  	s15 =	sadd.s32 $0x10, s15  }
0x272: {  	[tilespmem:s18+$0x0] =	vst v3;
	s20 =	sadd.s32 $0x40, s20;
	s16 =	sadd.s32 $0x40, s16;
	s25 =	smov.u32 s19  }
0x273: {  	p0 =	sne.s32 s19, $0x6F0;
	s19 =	sadd.s32 $0x10, s19;
	[tilespmem:s21+$0x10] =	vst v1;
	v1 =	vnsel vm0, $0x0, v2;
	s21 =	smov.u32 s16  }
0x274: {  	s25 =	sand.u32 $0x7F0, s25;
	[tilespmem:s18+$0x10] =	vst v1;
	s18 =	smov.u32 s20  }
0x275: {  	v1 =	vld [tilespmem:s15+$0x0]  }
0x276: {  	v2 =	vld [tilespmem:s25+$0x3F00]  }
0x277: {  	v3 =	vld [tilespmem:s25+$0x3100]  }
0x278: {  	v4 =	vld [tilespmem:s25+$0x4600];
	_ =	sdelay $0x1  }
0x279: {  	v5 =	vld [tilespmem:s25+$0x3800];
	v1 =	vsub.f32 $1.000000000e+00, v1;
	_ =	sdelay $0x1  }
0x27a: {  	v2 =	vmul.f32 v2, v1  }
0x27b: {  	v1 =	vmul.f32 v4, v1  }
0x27c: {  	v4 =	vld [tilespmem:s25+$0x4D00];
	v2 =	vadd.f32 v2, v3  }
0x27d: {  	v1 =	vadd.f32 v1, v5  }
0x27e: {  	v3 =	vadd.f32 $5.120000000e+02, v2  }
0x27f: {  	v5 =	vadd.f32 $5.120000000e+02, v1  }
0x280: {  	v3 =	vtrunc.f32 v3  }
0x281: {  	v3 =	vcvt.f32.s32 v3;
	v5 =	vtrunc.f32 v5  }
0x282: {  	v6 =	vcvt.f32.s32 v5;
	v5 =	vadd.f32 $-5.120000000e+02, v5  }
0x283: {  	v4 =	vtrunc.f32 v4;
	v7 =	vcvt.s32.f32 v3;
	v3 =	vadd.s32 $0xFFFFFE08, v3  }
0x284: {  	v4 =	vcvt.f32.s32 v4;
	v5 =	vsub.f32 v1, v5;
	v1 =	vadd.s32 $0xFFFFFE00, v6  }
0x285: {  	vm0 =	vgt.s32 v3, $0x0;
	v7 =	vadd.f32 $-5.120000000e+02, v7;
	vm1 =	vgt.s32 v1, $0x0  }
0x286: {  	v6 =	vadd.s32 $0xFFFFFE01, v6;
	v4 =	vsub.s32 $0x1, v4;
	v3 =	vnsel vm0, $0x0, v3  }
0x287: {  	v4 =	vmul.u32 $0x4D800, v4;
	v3 =	vmin.u32 v3, $0x1EE;
	v2 =	vsub.f32 v2, v7  }
0x288: {  	vm0 =	vgt.s32 v6, $0x0;
	v3 =	vmul.u32 $0x280, v3;
	v7 =	vsub.f32 $1.000000000e+00, v5  }
0x289: {  	v8 =	vnsel vm1, $0x0, v1;
	v9 =	vnsel vm0, $0x0, v6;
	v10 =	vsub.f32 $1.000000000e+00, v2  }
0x28a: {  	vm1 =	vlt.u32 v1, $0x280;
	v1 =	vmin.u32 v9, $0x27F;
	v3 =	vadd.s32 v4, v3  }
0x28b: {  	v4 =	vmin.u32 v8, $0x27F;
	v8 =	vmul.f32 v7, v10;
	v9 =	vmul.f32 v5, v10  }
0x28c: {  	vm0 =	vlt.u32 v6, $0x280;
	v6 =	vadd.s32 v4, v3;
	v10 =	vadd.s32 v1, v3  }
.Ltmp6:
0x28d: {  	v3 =	vadd.s32 $0x280, v3;
	[tilespmem:s16+$0xFFFFFFE0] =	vst v6;
	v6 =	vnsel vm1, $0x0, v8;
	v8 =	vnsel vm0, $0x0, v9;
	(pc) =	sbr.rel @p0 .LBB2_15-.Ltmp6, $4  }
0x28e: {  	v4 =	vadd.s32 v4, v3;
	v1 =	vadd.s32 v1, v3;
	[tilespmem:s20+$0xFFFFFFE0] =	vst v6;
	v6 =	vmul.f32 v7, v2  }
0x28f: {  	v2 =	vmul.f32 v5, v2;
	[tilespmem:s16+$0xFFFFFFF0] =	vst v10  }
0x290: {  	[tilespmem:s20+$0xFFFFFFF0] =	vst v8;
	v3 =	vnsel vm1, $0x0, v6  }
0x291: {  	[tilespmem:s16+$0x0] =	vst v4  }
0x292: {  	[tilespmem:s18+$0x0] =	vst v3  }
0x293: {  	[tilespmem:s21+$0x10] =	vst v1;
	v1 =	vnsel vm0, $0x0, v2  }
0x294: {  	[tilespmem:s18+$0x10] =	vst v1  }
0x295: {  	[spmem:s1] =	stream.indirect.scatter.add.f32 [tilespmem:s7], [sflag:$0x4], $0x1, s11, s29, $0xb8;
	[tilespmem:$0x15F00] =	vst v63  }
0x296: {  	_ =	swait.ge [sflag:s6], $0x700  }
0x297: {  	[sflag:s6] =	ssyncset.done $0x0  }
0x298: {  	[sflag:s6] =	ssyncadd.s32 $0xFFFFF900  }
0x299: {  	_ =	swait.ge [sflag:s6], $0x700  }
0x29a: {  	[sflag:s6] =	ssyncset.done $0x0  }
0x29b: {  	[sflag:s6] =	ssyncadd.s32 $0xFFFFF900  }
0x29c: {  	_ =	swait.ge [sflag:s6], $0x700  }
0x29d: {  	[sflag:s6] =	ssyncset.done $0x0  }
0x29e: {  	[sflag:s6] =	ssyncadd.s32 $0xFFFFF900  }
0x29f: {  	_ =	swait.ge [sflag:s6], $0x700  }
0x2a0: {  	[sflag:s6] =	ssyncset.done $0x0  }
0x2a1: {  	[sflag:s6] =	ssyncadd.s32 $0xFFFFF900  }
0x2a2: {  	_ =	swait.ge [sflag:s6], $0x700  }
0x2a3: {  	[sflag:s6] =	ssyncset.done $0x0  }
0x2a4: {  	[sflag:s6] =	ssyncadd.s32 $0xFFFFF900  }
0x2a5: {  	_ =	swait.ge [sflag:s6], $0x700  }
0x2a6: {  	[sflag:s6] =	ssyncset.done $0x0  }
0x2a7: {  	[sflag:s6] =	ssyncadd.s32 $0xFFFFF900  }
0x2a8: {  	_ =	swait.ge [sflag:s12], $0x1C00  }
0x2a9: {  	[sflag:s12] =	ssyncset.done $0x0  }
0x2aa: {  	s15 =	simm.s32 $0x0;
	[sflag:s12] =	ssyncadd.s32 $0xFFFFE400  }
0x2ab: {  	v1 =	vld [tilespmem:s15+$0x0]  }
0x2ac: {  	s16 =	sand.u32 $0x7F0, s15  }
0x2ad: {  	v2 =	vld [tilespmem:s16+$0x1500]  }
0x2ae: {  	v3 =	vld [tilespmem:s16+$0x700]  }
0x2af: {  	v4 =	vld [tilespmem:s16+$0x1C00]  }
0x2b0: {  	v1 =	vsub.f32 $1.000000000e+00, v1  }
0x2b1: {  	v5 =	vld [tilespmem:s16+$0xE00]  }
0x2b2: {  	v2 =	vmul.f32 v2, v1;
	_ =	sdelay $0x1  }
0x2b3: {  	v1 =	vmul.f32 v4, v1;
	v2 =	vadd.f32 v2, v3  }
0x2b4: {  	v4 =	vld [tilespmem:s16+$0x2300]  }
0x2b5: {  	v1 =	vadd.f32 v1, v5;
	v3 =	vadd.f32 $5.120000000e+02, v2;
	_ =	sdelay $0x1  }
0x2b6: {  	v5 =	vadd.f32 $5.120000000e+02, v1;
	v3 =	vtrunc.f32 v3  }
0x2b7: {  	v3 =	vcvt.f32.s32 v3  }
0x2b8: {  	v4 =	vtrunc.f32 v4;
	v5 =	vtrunc.f32 v5  }
0x2b9: {  	v6 =	vcvt.f32.s32 v5;
	v7 =	vcvt.s32.f32 v3  }
0x2ba: {  	v4 =	vcvt.f32.s32 v4;
	v5 =	vadd.f32 $-5.120000000e+02, v5  }
0x2bb: {  	v3 =	vadd.s32 $0xFFFFFE08, v3;
	v8 =	vadd.s32 $0xFFFFFE00, v6;
	v7 =	vadd.f32 $-5.120000000e+02, v7  }
0x2bc: {  	v5 =	vsub.f32 v1, v5;
	vm0 =	vgt.s32 v3, $0x0;
	vm1 =	vgt.s32 v8, $0x0  }
0x2bd: {  	v1 =	vnsel vm0, $0x0, v3;
	v3 =	vsub.s32 $0x1, v4;
	v2 =	vsub.f32 v2, v7  }
0x2be: {  	v4 =	vadd.s32 $0xFFFFFE01, v6;
	v60 =	vsub.f32 $1.000000000e+00, v5;
	v1 =	vmin.u32 v1, $0x1EE  }
0x2bf: {  	v3 =	vmul.u32 $0x4D800, v3;
	v1 =	vmul.u32 $0x280, v1;
	v7 =	vsub.f32 $1.000000000e+00, v2  }
0x2c0: {  	v9 =	vnsel vm1, $0x0, v8;
	vm0 =	vgt.s32 v4, $0x0  }
0x2c1: {  	v1 =	vadd.s32 v3, v1;
	v3 =	vmin.u32 v9, $0x27F;
	v61 =	vmul.f32 v60, v7  }
0x2c2: {  	s16 =	simm.s32 $0x5420;
	vm1 =	vlt.u32 v8, $0x280;
	v10 =	vnsel vm0, $0x0, v4;
	v62 =	vadd.s32 v3, v1  }
0x2c3: {  	s18 =	simm.s32 $0x8C20;
	v10 =	vmin.u32 v10, $0x27F;
	v7 =	vmul.f32 v5, v7;
	[tilespmem:s16+$0xFFFFFFE0] =	vst v62;
	v63 =	vnsel vm1, $0x0, v61  }
0x2c4: {  	vm0 =	vlt.u32 v4, $0x280;
	v4 =	vadd.s32 v10, v1;
	[tilespmem:s18+$0xFFFFFFE0] =	vst v63  }
0x2c5: {  	v6 =	vmul.f32 v60, v2;
	v1 =	vadd.s32 $0x280, v1;
	v7 =	vnsel vm0, $0x0, v7;
	[tilespmem:s16+$0xFFFFFFF0] =	vst v4  }
0x2c6: {  	v4 =	vadd.s32 v3, v1;
	[tilespmem:s18+$0xFFFFFFF0] =	vst v7  }
0x2c7: {  	s19 =	simm.s32 $0x10;
	s20 =	simm.s32 $0x8C20;
	s21 =	simm.s32 $0x5420;
	v2 =	vmul.f32 v5, v2;
	v1 =	vadd.s32 v10, v1;
	v3 =	vnsel vm1, $0x0, v6;
	[tilespmem:s16+$0x0] =	vst v4  }
.LBB2_17:
0x2c8: {  	s15 =	sadd.s32 $0x10, s15  }
0x2c9: {  	[tilespmem:s18+$0x0] =	vst v3;
	s20 =	sadd.s32 $0x40, s20;
	s16 =	sadd.s32 $0x40, s16;
	s25 =	smov.u32 s19  }
0x2ca: {  	p0 =	sne.s32 s19, $0x6F0;
	s19 =	sadd.s32 $0x10, s19;
	[tilespmem:s21+$0x10] =	vst v1;
	v1 =	vnsel vm0, $0x0, v2;
	s21 =	smov.u32 s16  }
0x2cb: {  	s25 =	sand.u32 $0x7F0, s25;
	[tilespmem:s18+$0x10] =	vst v1;
	s18 =	smov.u32 s20  }
0x2cc: {  	v1 =	vld [tilespmem:s15+$0x0]  }
0x2cd: {  	v2 =	vld [tilespmem:s25+$0x1500]  }
0x2ce: {  	v3 =	vld [tilespmem:s25+$0x700]  }
0x2cf: {  	v4 =	vld [tilespmem:s25+$0x1C00];
	_ =	sdelay $0x1  }
0x2d0: {  	v5 =	vld [tilespmem:s25+$0xE00];
	v1 =	vsub.f32 $1.000000000e+00, v1;
	_ =	sdelay $0x1  }
0x2d1: {  	v2 =	vmul.f32 v2, v1  }
0x2d2: {  	v1 =	vmul.f32 v4, v1  }
0x2d3: {  	v4 =	vld [tilespmem:s25+$0x2300];
	v2 =	vadd.f32 v2, v3  }
0x2d4: {  	v1 =	vadd.f32 v1, v5  }
0x2d5: {  	v3 =	vadd.f32 $5.120000000e+02, v2  }
0x2d6: {  	v5 =	vadd.f32 $5.120000000e+02, v1  }
0x2d7: {  	v3 =	vtrunc.f32 v3  }
0x2d8: {  	v3 =	vcvt.f32.s32 v3;
	v5 =	vtrunc.f32 v5  }
0x2d9: {  	v6 =	vcvt.f32.s32 v5;
	v5 =	vadd.f32 $-5.120000000e+02, v5  }
0x2da: {  	v4 =	vtrunc.f32 v4;
	v7 =	vcvt.s32.f32 v3;
	v3 =	vadd.s32 $0xFFFFFE08, v3  }
0x2db: {  	v4 =	vcvt.f32.s32 v4;
	v5 =	vsub.f32 v1, v5;
	v1 =	vadd.s32 $0xFFFFFE00, v6  }
0x2dc: {  	vm0 =	vgt.s32 v3, $0x0;
	v7 =	vadd.f32 $-5.120000000e+02, v7;
	vm1 =	vgt.s32 v1, $0x0  }
0x2dd: {  	v6 =	vadd.s32 $0xFFFFFE01, v6;
	v4 =	vsub.s32 $0x1, v4;
	v3 =	vnsel vm0, $0x0, v3  }
0x2de: {  	v4 =	vmul.u32 $0x4D800, v4;
	v3 =	vmin.u32 v3, $0x1EE;
	v2 =	vsub.f32 v2, v7  }
0x2df: {  	vm0 =	vgt.s32 v6, $0x0;
	v3 =	vmul.u32 $0x280, v3;
	v7 =	vsub.f32 $1.000000000e+00, v5  }
0x2e0: {  	v8 =	vnsel vm1, $0x0, v1;
	v9 =	vnsel vm0, $0x0, v6;
	v10 =	vsub.f32 $1.000000000e+00, v2  }
0x2e1: {  	vm1 =	vlt.u32 v1, $0x280;
	v1 =	vmin.u32 v9, $0x27F;
	v3 =	vadd.s32 v4, v3  }
0x2e2: {  	v4 =	vmin.u32 v8, $0x27F;
	v8 =	vmul.f32 v7, v10;
	v9 =	vmul.f32 v5, v10  }
0x2e3: {  	vm0 =	vlt.u32 v6, $0x280;
	v6 =	vadd.s32 v4, v3;
	v10 =	vadd.s32 v1, v3  }
.Ltmp7:
0x2e4: {  	v3 =	vadd.s32 $0x280, v3;
	[tilespmem:s16+$0xFFFFFFE0] =	vst v6;
	v6 =	vnsel vm1, $0x0, v8;
	v8 =	vnsel vm0, $0x0, v9;
	(pc) =	sbr.rel @p0 .LBB2_17-.Ltmp7, $4  }
0x2e5: {  	v4 =	vadd.s32 v4, v3;
	v1 =	vadd.s32 v1, v3;
	[tilespmem:s20+$0xFFFFFFE0] =	vst v6;
	v6 =	vmul.f32 v7, v2  }
0x2e6: {  	v2 =	vmul.f32 v5, v2;
	[tilespmem:s16+$0xFFFFFFF0] =	vst v10  }
0x2e7: {  	[tilespmem:s20+$0xFFFFFFF0] =	vst v8;
	v3 =	vnsel vm1, $0x0, v6  }
0x2e8: {  	[tilespmem:s16+$0x0] =	vst v4  }
0x2e9: {  	[tilespmem:s18+$0x0] =	vst v3  }
0x2ea: {  	[tilespmem:s21+$0x10] =	vst v1;
	v1 =	vnsel vm0, $0x0, v2  }
0x2eb: {  	[tilespmem:s18+$0x10] =	vst v1  }
0x2ec: {  	[spmem:s1] =	stream.indirect.scatter.add.f32 [tilespmem:s22], [sflag:$0x3], $0x1, s9, s29, $0xb8;
	[tilespmem:$0x15F00] =	vst v63  }
0x2ed: {  	_ =	swait.ge [sflag:s12], $0x1C00  }
0x2ee: {  	[sflag:s12] =	ssyncset.done $0x0  }
0x2ef: {  	[sflag:s12] =	ssyncadd.s32 $0xFFFFE400  }
0x2f0: {  	_ =	swait.ge [sflag:s13], $0x1C00  }
0x2f1: {  	s14 =	smul.u32 $0x96000, s14;
	s25 =	stileid.u32;
	[sflag:s13] =	ssyncset.done $0x0  }
0x2f2: {  	s8 =	sadd.s32 $0x1, s8;
	s15 =	rddreg [dreg:$0xf];
	[sflag:s13] =	ssyncadd.s32 $0xFFFFE400  }
0x2f3: {  	p0 =	sne.s32 s8, $0x4;
	s14 =	sadd.s32 s15, s14;
	[bflag:$0x0] =	sbarrier.arrive $0xFFFF  }
0x2f4: {  	s15 =	sshll.u32 s25, $0x6;
	s14 =	sshrl.u32 s14, $0x3;
	s16 =	rddreg [dreg:$0x4]  }
0x2f5: {  	s15 =	sor.u32 $0x1C05, s15;
	s31 =	rddreg [dreg:$0x15];
	s14 =	sadd.s32 s16, s14  }
0x2f6: {  	[hbm:s14], [sflag:s15] =	dma.local [spmem:s31], $0x12C0  }
.Ltmp8:
0x2f7: {  	_ =	swait.ge [sflag:s23], $0x12C0;
	(pc) =	sbr.rel @p0 .LBB2_2-.Ltmp8, $3  }
0x2f8: {  	[sflag:s23] =	ssyncset.done $0x0  }
0x2f9: {  	[sflag:s23] =	ssyncadd.s32 $0xFFFFED40  }
0x2fa: {  	[bflag:$0x0] =	sbarrier.arrive $0xFFFF;
	_ =	sdelay $0x1  }
0x2fb: {  	s8 =	rddreg [dreg:$0x3]  }
0x2fc: {  	s14 =	rddreg [dreg:$0x10];
	s8 =	sadd.s32 $0x1, s8  }
0x2fd: {  	p0 =	sne.s32 s8, s14  }
.Ltmp9:
0x2fe: {  	_ = 	snop;
	(pc) =	sbr.rel @p0 .LBB2_1-.Ltmp9, $1  }
0x2ff: {  	_ =	sdelay $0x3  }
0x300: {  	_ =	sfence.sel $0x180000  }
0x301: {  	[bflag:$0x0] =	sbarrier.arrive $0xFFFF  }
0x302: {  	_ =	strace $0x9000004A  }
0x303: {  	s0 =	stileid.u32;
	[bflag:$0x2] =	sbarrier.arrive $0xFFFF  }
0x304: {  	p0 =	sne.s32 s0, $0x0;
	s0 =	rddreg [dreg:$0x2]  }
0x305: {  	s0 =	sadd.s32 @!p0 $0x100000, s0  }
0x306: {  	[sflag:s0] =	ssyncadd.tile.s32 @!p0 $0x1;
	_ =	shalt  }
.Lfunc_end2:
_tile_overlayer_lowered:
.L_overlay_start_2:
0x307: {  	(tag) =	ssettag $0x2  }
0x308: {  	s0 =	rddreg [dreg:$0x0];
	s2 =	stileid.u32  }
0x309: {  	s1 =	rddreg [dreg:$0x1];
	p0 =	sne.s32 s2, $0x0  }
0x30a: {  	s3 =	rddreg [dreg:$0x2];
	[bflag:$0x3] =	sbarrier.arrive $0xFFFF;
	s2 =	simm.s32 @!p0 $0x1C05  }
0x30b: {  	[timem:s3], [sflag:s2] =	dma.local @!p0 [hbm:s0], s1  }
0x30c: {  	s0 =	simm.s32 @!p0 $0x5  }
0x30d: {  	_ =	swait.ge @!p0 [sflag:s0], s1  }
0x30e: {  	s1 =	ssub.s32 @!p0 $0x0, s1;
	[sflag:s0] =	ssyncset.done @!p0 $0x0  }
0x30f: {  	[sflag:s0] =	ssyncadd.s32 @!p0 s1  }
0x310: {  	[bflag:$0x3] =	sbarrier.arrive $0xFFFF  }
0x311: {  	_ =	shalt  }

// kernel: sparse-core-data-format-call.cloned.1.call-start
scs
called_computation_lowered:
.L_overlay_start_0:
0x0: {  	s1 =	sld [smem:$0x3FD9]  }
0x1: {  	s2 =	sld [smem:$0x3FFE];
	_ =	sdelay $0x1  }
0x2: {  	s3 =	srdreg.scid  }
0x3: {  	s0 =	sand.u32 $0x1, s3  }
0x4: {  	s17 =	sshll.u32 s0, $0xA;
	s1 =	sadd.s32 s2, s1  }
0x5: {  	s1 =	sadd.s32 s1, s17  }
0x6: {  	[smem:$0x3FC4] =	sst s1  }
0x7: {  	_ = 	snop  }
0x8: {  	(tm) =	ssettm $0x1  }
0x9: {  	s18 =	sld [smem:$0x3FFB];
	_ =	sdelay $0x3  }
0xa: {  	_ =	strace s18  }
0xb: {  	s1 =	sld [smem:$0x3FFC];
	_ =	sdelay $0x3  }
0xc: {  	_ =	strace s1  }
0xd: {  	s1 =	sld [smem:$0x3FFD];
	_ =	sdelay $0x3  }
0xe: {  	_ =	strace s1  }
0xf: {  	_ =	strace $0x8FFFFFFF  }
0x10: {  	s19 =	sld [smem:$0x3FDB];
	_ =	sdelay $0x1  }
0x11: {  	s20 =	simm.s32 $_scs_section_size  }
0x12: {  	s4 =	simm.s32 $_size__tile_overlayer_lowered;
	s5 =	simm.s32 $_tile_overlayer_lowered  }
0x13: {  	s23 =	simm.s32 $0x1BFF;
	s22 =	sshll.u32 s5, $0x1;
	s1 =	sadd.s32 s20, s19  }
0x14: {  	s6 =	simm.s32 $0x0;
	s21 =	sshll.u32 s4, $0x1;
	s4 =	sadd.s32 s22, s1  }
0x15: {  	[timem:s6], [sflag:s23] =	dma.local [hbm:s4], s21  }
0x16: {  	_ =	swait.ge [sflag:s23], s21  }
0x17: {  	s2 =	ssub.s32 $0x0, s21;
	[sflag:s23] =	ssyncset.done $0x0  }
0x18: {  	[sflag:s23] =	ssyncadd.s32 s2;
	_ =	sdelay $0x1  }
0x19: {  	s24 =	simm.s32 $0x1B8B  }
0x1a: {  	_ =	swait.ge [sflag:s24], $0x1  }
0x1b: {  	[sflag:s24] =	ssyncset.done $0x0  }
0x1c: {  	s26 =	simm.s32 $0x1B8E;
	s25 =	sld [smem:$0x3FFE];
	[sflag:s24] =	ssyncadd.s32 $0xFFFFFFFF  }
0x1d: {  	s27 =	simm.s32 $execute0_lowered;
	[smem:$0x3FD2] =	sst s26  }
0x1e: {  	s4 =	sshll.u32 s27, $0x1;
	_ =	strace $0x80000046;
	[dreg:$0x1] =	wrdreg $0xFFFFFFFF  }
0x1f: {  	s28 =	simm.s32 $_size_execute0_lowered;
	s1 =	sadd.s32 s1, s4;
	[dreg:$0x0] =	wrdreg $0x0  }
0x20: {  	s4 =	sshll.u32 s28, $0x1;
	[dreg:$0x2] =	wrdreg s1  }
0x21: {  	[dreg:$0x3] =	wrdreg s4  }
0x22: {  	[dreg:$0x4] =	wrdreg $0xC0  }
0x23: {  	_ =	task [dreg:s6], $0x5FFFF  }
0x24: {  	[dreg:$0x1] =	wrdreg $0xFFFFFFFF  }
0x25: {  	[dreg:$0x0] =	wrdreg $0x60  }
0x26: {  	[dreg:$0x2] =	wrdreg s25  }
0x27: {  	[dreg:$0x3] =	wrdreg $0x9  }
0x28: {  	_ =	task.clear_ibuf [dreg:s6], $0x4FFFF;
	_ =	strace $0x90000046  }
0x29: {  	s29 =	simm.s32 $0x9;
	_ =	strace $0x80000048  }
0x2a: {  	_ =	swait.ge [sflag:s29], $0x1  }
0x2b: {  	[sflag:s29] =	ssyncadd.s32 $0xFFFFFFFF  }
0x2c: {  	_ =	strace $0x90000048  }
0x2d: {  	_ =	sfence  }
0x2e: {  	s30 =	sld [smem:$0x0];
	_ =	sdelay $0x2  }
0x2f: {  	s31 =	sshll.u32 s3, $0xD;
	s3 =	sshrl.u32 s3, $0x2  }
0x30: {  	s2 =	sand.u32 $0x4000, s31;
	s1 =	sadd.s32 s3, s30  }
0x31: {  	s0 =	sor.u32 s2, s0;
	s1 =	sshll.u32 s1, $0x11  }
0x32: {  	s0 =	sor.u32 s1, s0  }
0x33: {  	s0 =	sadd.s32 $0x8F2B, s0  }
0x34: {  	[sflag:s0] =	ssyncadd.remote.s32 $0x1  }
0x35: {  	_ =	sfence.sel $0xFFFF  }
0x36: {  	[dreg:$0x0] =	wrdreg $0xFFFFFFFF;
	(pc) =	sbr.abs _section_cstart, $3  }
0x37: {  	[dreg:$0x1] =	wrdreg $0xFFFFFFFF  }
0x38: {  	_ =	task.clear_ibuf [dreg:s6], $0x2FFFF;
	_ =	strace $0x9FFFFFFF  }
0x39: {  	(tm) =	ssettm $0x7FFFFFFF  }
tec
execute0_lowered:
.L_overlay_start_1:
0x0: {  	(tag) =	ssettag $0x1  }
0x1: {  	s0 =	srdreg.scid  }
0x2: {  	s1 =	sshll.u32 s0, $0x4  }
0x3: {  	s6 =	rddreg [dreg:$0x0];
	s0 =	stileid.u32;
	s1 =	sand.u32 $0x10, s1  }
0x4: {  	s4 =	simm.s32 $0x1;
	s7 =	simm.s32 $0x2;
	s1 =	sor.u32 s0, s1  }
0x5: {  	s15 =	simm.s32 $0x0;
	s8 =	simm.s32 $0x188000;
	s2 =	sshll.u32 s1, $0x7  }
0x6: {  	s9 =	simm.s32 $0x0;
	s14 =	simm.s32 $0x0;
	s3 =	ssub.s32 $0x31000, s2  }
0x7: {  	s16 =	simm.s32 $0x0;
	s11 =	simm.s32 $0x0;
	s31 =	sand.u32 $0xF80, s3  }
0x8: {  	s12 =	simm.s32 $0x0;
	s1 =	rddreg [dreg:$0x1];
	p0 =	sne.s32 s31, $0x0  }
.Ltmp0:
0x9: {  	s5 =	sshrl.u32 s3, $0xC;
	s4 =	simm.s32 @!p0 $0x0;
	(pc) =	sbr.rel .LBB1_1-.Ltmp0, $4  }
0xa: {  	_ =	strace $0x80000047;
	s3 =	simm.s32 $0x1;
	s4 =	sadd.s32 s4, s5  }
0xb: {  	s13 =	simm.s32 $0x0;
	[sflag:s3] =	ssyncpa.u1 $0x0;
	s4 =	smul.u32 $0x3, s4  }
0xc: {  	s23 =	simm.s32 $0x0;
	s10 =	smov.u32 s2;
	[sflag:s7] =	ssyncpa.u1 $0x0  }
0xd: {  	s5 =	sadd.s32 $0x1E00, s6;
	s6 =	sadd.s32 $0x127E00, s6;
	s7 =	sadd.s32 $0x1, s4  }
.LBB1_7:
0xe: {  	s17 =	sadd.s32 $0x1000, s10  }
0xf: {  	s14 =	sadd.s32 $0x8, s11;
	s18 =	smov.u32 s11;
	p1 =	sgt.s32 s17, $0x30FFF  }
0x10: {  	s18 =	smov.u32 @p1 s14  }
0x11: {  	s20 =	smov.u32 s12;
	s14 =	sadd.s32 $0x2, s12;
	p2 =	sgt.s32 s18, $0x7  }
0x12: {  	s20 =	smov.u32 @p2 s14  }
0x13: {  	s17 =	smov.u32 @p1 s2;
	p1 =	sgt.s32 s20, $0x5  }
0x14: {  	p0 =	slt.u32 s13, $0x2;
	s20 =	simm.s32 @p1 $0x0;
	p1 =	sne.s32 s13, s7  }
.Ltmp1:
0x15: {  	s19 =	simm.s32 @!p0 $0x2;
	(pc) =	sbr.rel @!p1 .LBB1_8-.Ltmp1, $4  }
0x16: {  	s15 =	smov.u32 s10;
	s16 =	smov.u32 s12;
	_ =	swait.ge @!p0 [sflag:s19], $0x800  }
0x17: {  	s9 =	sadd.s32 $0x800, s9;
	[sflag:s19] =	ssyncset.done @!p0 $0x0;
	s10 =	smov.u32 s17  }
0x18: {  	s18 =	simm.s32 @p2 $0x0;
	s14 =	smov.u32 s11;
	[sflag:s19] =	ssyncadd.s32 @!p0 $0xFFFFF800  }
0x19: {  	s11 =	smov.u32 s18;
	s13 =	sadd.s32 $0x1, s13;
	s12 =	smov.u32 s20  }
.LBB1_1:
0x1a: {  	p0 =	sge.u32 s13, s4  }
0x1b: {  	s17 =	sshrl.u32 @!p0 s11, $0x3  }
0x1c: {  	s18 =	sshll.u32 @!p0 s10, $0x3;
	s19 =	sshll.u32 @!p0 s11, $0x7;
	s17 =	smul.u32 @!p0 $0x188000, s17  }
0x1d: {  	s20 =	sand.u32 @!p0 $0x7F, s10;
	s18 =	sand.u32 @!p0 $0xFFFFFC00, s18;
	s19 =	sand.u32 @!p0 $0x380, s19  }
0x1e: {  	s17 =	sadd.s32 @!p0 s17, s18;
	s18 =	sor.u32 @!p0 s20, s19  }
0x1f: {  	s18 =	sor.u32 @!p0 s17, s18  }
0x20: {  	s19 =	smulhi.u32 @!p0 $0x5397829D, s18  }
0x21: {  	s17 =	smulhi.u32 @!p0 $0x5397829D, s17  }
0x22: {  	s19 =	sshrl.u32 @!p0 s19, $0x10  }
0x23: {  	s31 =	sadd.s32 $0xFFFFFFFF, s13;
	s17 =	sshrl.u32 @!p0 s17, $0x10;
	s19 =	smul.u32 @!p0 $0x31000, s19  }
0x24: {  	s21 =	smul.u32 @!p0 $0x31000, s12;
	s20 =	sxor.u32 @!p0 $0xFFFFFFFF, s13;
	s17 =	sand.u32 @!p0 $0x7, s17  }
0x25: {  	s20 =	sshll.u32 @!p0 s20, $0xB;
	s17 =	smul.u32 @!p0 $0x6200, s17;
	s18 =	ssub.s32 @!p0 s18, s19  }
0x26: {  	s19 =	sand.u32 @!p0 $0x800, s20;
	s20 =	sadd.s32 @!p0 s5, s21;
	s21 =	sand.u32 @!p0 $0x7, s18  }
0x27: {  	s18 =	sshrl.u32 @!p0 s18, $0x3;
	s17 =	sadd.s32 @!p0 s17, s20;
	s20 =	sshll.u32 @!p0 s21, $0x12  }
0x28: {  	s17 =	sadd.s32 @!p0 s18, s17;
	s18 =	sor.u32 @!p0 $0x400, s20;
	s20 =	simm.s32 @!p0 $0x188000  }
0x29: {  	[tilespmem:s19], [sflag:$0x1] =	stream.strided.gather @!p0 [hbm4b:s17+s18], $0x800, s20, s18, $0x38;
	[tilespmem:$0x2000] =	vst v63  }
0x2a: {  	p0 =	sge.u32 s31, s4  }
.Ltmp2:
0x2b: {  	_ = 	snop;
	(pc) =	sbr.rel @p0 .LBB1_7-.Ltmp2, $1  }
0x2c: {  	_ =	sdelay $0x3  }
0x2d: {  	s17 =	sshll.u32 s9, $0x2  }
0x2e: {  	_ =	swait.ge [sflag:s3], $0x800;
	s18 =	sshll.u32 s13, $0xB;
	s20 =	simm.s32 $0x0  }
0x2f: {  	p1 =	por $0x1, $0x1;
	s17 =	sand.u32 $0x2000, s17;
	[sflag:s3] =	ssyncset.done $0x0  }
0x30: {  	s18 =	sand.u32 $0x800, s18;
	s19 =	sshrl.u32 s17, $0x2;
	[sflag:s3] =	ssyncadd.s32 $0xFFFFF800  }
0x31: {  	s17 =	sor.u32 $0x1000, s18;
	s18 =	sadd.s32 $0x1040, s19;
	s19 =	sadd.s32 $0x40, s19  }
.LBB1_3:
0x32: {  	s21 =	sshll.u32 s20, $0xA  }
0x33: {  	s21 =	sand.u32 $0x3FFFFC00, s21  }
0x34: {  	s21 =	sadd.s32 s21, s19  }
0x35: {  	v0 =	vmov s21;
	_ =	sdelay $0x4  }
0x36: {  	v6 =	vld.idx.msk [tilespmem:v0+s23+$0x30 ss:$0x1], $0xffff  }
0x37: {  	v7 =	vld.idx.msk [tilespmem:v0+s23+$0xFFFFFFC0 ss:$0x1], $0xffff  }
0x38: {  	v1 =	vld.idx.msk [tilespmem:v0+s23+$0xFFFFFFD0 ss:$0x1], $0xffff  }
0x39: {  	s31 =	sshll.u32 s20, $0x7;
	v2 =	vld.idx.msk [tilespmem:v0+s23+$0xFFFFFFE0 ss:$0x1], $0xffff  }
0x3a: {  	s20 =	sand.u32 $0x3FFFFF80, s31;
	v3 =	vld.idx.msk [tilespmem:v0+s23+$0xFFFFFFF0 ss:$0x1], $0xffff  }
0x3b: {  	s20 =	sadd.s32 s20, s18;
	v4 =	vld.idx.msk [tilespmem:v0+s23+$0x0 ss:$0x1], $0xffff  }
0x3c: {  	v5 =	vld.idx.msk [tilespmem:v0+s23+$0x10 ss:$0x1], $0xffff;
	[tilespmem:s20+$0x30] =	vst v6  }
0x3d: {  	p0 =	por p1, p1;
	s22 =	simm.s32 $0x400;
	s21 =	simm.s32 $0x80;
	[tilespmem:s20+$0xFFFFFFC0] =	vst v7;
	v6 =	vld.idx.msk [tilespmem:v0+s23+$0x20 ss:$0x1], $0xffff  }
.LBB1_4:
0x3e: {  	p1 =	sne.s32 s22, $0xE00;
	v7 =	vld.idx.msk [tilespmem:v0+s21+$0x30 ss:$0x1], $0xffff;
	[tilespmem:s20+$0xFFFFFFD0] =	vst v1  }
0x3f: {  	v8 =	vld.idx.msk [tilespmem:v0+s21+$0xFFFFFFC0 ss:$0x1], $0xffff;
	[tilespmem:s20+$0xFFFFFFE0] =	vst v2  }
0x40: {  	v1 =	vld.idx.msk [tilespmem:v0+s21+$0xFFFFFFD0 ss:$0x1], $0xffff;
	[tilespmem:s20+$0xFFFFFFF0] =	vst v3  }
.Ltmp3:
0x41: {  	v2 =	vld.idx.msk [tilespmem:v0+s21+$0xFFFFFFE0 ss:$0x1], $0xffff;
	[tilespmem:s20+$0x0] =	vst v4;
	(pc) =	sbr.rel @p1 .LBB1_4-.Ltmp3, $4  }
0x42: {  	v3 =	vld.idx.msk [tilespmem:v0+s21+$0xFFFFFFF0 ss:$0x1], $0xffff;
	[tilespmem:s20+$0x10] =	vst v5  }
0x43: {  	v4 =	vld.idx.msk [tilespmem:v0+s21+$0x0 ss:$0x1], $0xffff;
	[tilespmem:s20+$0x20] =	vst v6;
	s20 =	sadd.s32 $0x100, s20  }
0x44: {  	v5 =	vld.idx.msk [tilespmem:v0+s21+$0x10 ss:$0x1], $0xffff;
	[tilespmem:s20+$0x30] =	vst v7  }
0x45: {  	[tilespmem:s20+$0xFFFFFFC0] =	vst v8;
	v6 =	vld.idx.msk [tilespmem:v0+s21+$0x20 ss:$0x1], $0xffff;
	s21 =	sshra.s32 s22, $0x2;
	s22 =	sadd.s32 $0x200, s22  }
0x46: {  	_ =	sdelay $0x2  }
0x47: {  	[tilespmem:s20+$0xFFFFFFD0] =	vst v1  }
0x48: {  	v56 =	vld.idx.msk [tilespmem:v0+s21+$0x30 ss:$0x1], $0xffff;
	[tilespmem:s20+$0xFFFFFFE0] =	vst v2  }
0x49: {  	v57 =	vld.idx.msk [tilespmem:v0+s21+$0xFFFFFFC0 ss:$0x1], $0xffff;
	[tilespmem:s20+$0xFFFFFFF0] =	vst v3  }
0x4a: {  	v58 =	vld.idx.msk [tilespmem:v0+s21+$0xFFFFFFD0 ss:$0x1], $0xffff;
	[tilespmem:s20+$0x0] =	vst v4  }
0x4b: {  	v59 =	vld.idx.msk [tilespmem:v0+s21+$0xFFFFFFE0 ss:$0x1], $0xffff;
	[tilespmem:s20+$0x10] =	vst v5  }
0x4c: {  	v60 =	vld.idx.msk [tilespmem:v0+s21+$0xFFFFFFF0 ss:$0x1], $0xffff;
	s31 =	sadd.s32 $0x100, s20;
	[tilespmem:s20+$0x20] =	vst v6  }
0x4d: {  	v61 =	vld.idx.msk [tilespmem:v0+s21+$0x0 ss:$0x1], $0xffff;
	[tilespmem:s31+$0x30] =	vst v56  }
0x4e: {  	v62 =	vld.idx.msk [tilespmem:v0+s21+$0x10 ss:$0x1], $0xffff;
	[tilespmem:s31+$0xFFFFFFC0] =	vst v57  }
0x4f: {  	v63 =	vld.idx.msk [tilespmem:v0+s21+$0x20 ss:$0x1], $0xffff;
	[tilespmem:s31+$0xFFFFFFD0] =	vst v58  }
.Ltmp4:
0x50: {  	[tilespmem:s31+$0xFFFFFFE0] =	vst v59;
	(pc) =	sbr.rel @p0 .LBB1_3-.Ltmp4, $4  }
0x51: {  	[tilespmem:s31+$0xFFFFFFF0] =	vst v60  }
0x52: {  	[tilespmem:s31+$0x0] =	vst v61  }
0x53: {  	[tilespmem:s31+$0x10] =	vst v62  }
0x54: {  	p1 =	por $0x0, $0x0;
	s20 =	simm.s32 $0x1;
	[tilespmem:s31+$0x20] =	vst v63  }
0x55: {  	s18 =	sshrl.u32 s16, $0x3  }
0x56: {  	s19 =	sshll.u32 s15, $0x3;
	s25 =	sshll.u32 s16, $0x7;
	s18 =	smul.u32 $0x188000, s18  }
0x57: {  	s26 =	sand.u32 $0x7F, s15;
	s19 =	sand.u32 $0xFFFFFC00, s19;
	s16 =	sand.u32 $0x380, s25  }
0x58: {  	s15 =	sor.u32 s16, s26;
	s18 =	sadd.s32 s18, s19  }
0x59: {  	s15 =	sor.u32 s18, s15;
	s18 =	smulhi.u32 $0x5397829D, s18  }
0x5a: {  	s27 =	smulhi.u32 $0x5397829D, s15;
	_ =	sdelay $0x1  }
0x5b: {  	s14 =	smul.u32 $0x31000, s14;
	s18 =	sshrl.u32 s18, $0x10;
	s16 =	sshrl.u32 s27, $0x10  }
0x5c: {  	s18 =	sand.u32 $0x7, s18;
	s16 =	smul.u32 $0x31000, s16  }
0x5d: {  	s28 =	smul.u32 $0x6200, s18  }
.Ltmp5:
0x5e: {  	s15 =	ssub.s32 s15, s16;
	(pc) =	sbr.rel .LBB1_7-.Ltmp5, $4  }
0x5f: {  	s14 =	sadd.s32 s6, s14;
	s29 =	sand.u32 $0x7, s15  }
0x60: {  	s14 =	sadd.s32 s28, s14;
	s15 =	sshrl.u32 s15, $0x3;
	s30 =	sshll.u32 s29, $0x12  }
0x61: {  	s14 =	sadd.s32 s15, s14;
	s31 =	sor.u32 $0x100, s30  }
0x62: {  	[hbm4b:s14+s31] =	stream.strided.scatter [tilespmem:s17], [sflag:$0x2], $0x800, s8, s31, $0x38;
	[tilespmem:$0x2000] =	vst v63  }
.LBB1_8:
0x63: {  	_ =	sfence.sel $0x180000  }
0x64: {  	s2 =	simm.s32 $0x1;
	[bflag:$0x0] =	sbarrier.arrive $0xFFFF  }
0x65: {  	s31 =	simm.s32 $0x2;
	[sflag:s2] =	ssyncpa.u1 $0x1  }
0x66: {  	[sflag:s31] =	ssyncpa.u1 $0x1  }
0x67: {  	p0 =	sne.s32 s0, $0x0;
	_ =	strace $0x90000047  }
0x68: {  	s0 =	sadd.s32 @!p0 $0x100000, s1;
	[bflag:$0x2] =	sbarrier.arrive $0xFFFF  }
0x69: {  	[sflag:s0] =	ssyncadd.tile.s32 @!p0 $0x1;
	_ =	shalt  }
.Lfunc_end1:
_tile_overlayer_lowered:
.L_overlay_start_2:
0x6a: {  	(tag) =	ssettag $0x2  }
0x6b: {  	s0 =	rddreg [dreg:$0x0];
	s2 =	stileid.u32  }
0x6c: {  	s1 =	rddreg [dreg:$0x1];
	p0 =	sne.s32 s2, $0x0  }
0x6d: {  	s3 =	rddreg [dreg:$0x2];
	[bflag:$0x3] =	sbarrier.arrive $0xFFFF;
	s2 =	simm.s32 @!p0 $0x1C01  }
0x6e: {  	[timem:s3], [sflag:s2] =	dma.local @!p0 [hbm:s0], s1  }
0x6f: {  	s0 =	simm.s32 @!p0 $0x1  }
0x70: {  	_ =	swait.ge @!p0 [sflag:s0], s1  }
0x71: {  	s1 =	ssub.s32 @!p0 $0x0, s1;
	[sflag:s0] =	ssyncset.done @!p0 $0x0  }
0x72: {  	[sflag:s0] =	ssyncadd.s32 @!p0 s1  }
0x73: {  	[bflag:$0x3] =	sbarrier.arrive $0xFFFF  }
0x74: {  	_ =	shalt  }

</sc_bundles>
